<compile_context>
chip_gen: v7x
topology: tpu7x:2x2x1
jax: 0.10.2.dev20260603
libtpu: 0.0.44.dev20260713+nightly
codegen_flags: <defaults>
</compile_context>

<pallas_src>
import functools

import jax
import jax.numpy as jnp
from jax.experimental import pallas as pl
from jax.experimental.pallas import tpu as pltpu

WS = 7
TOPK = 4
NUM_HEADS = 8


def _qkv_kernel(x_ref, wq_ref, wk_ref, wv_ref, bq_ref, bk_ref, bv_ref,
                dw_ref, dwb_ref,
                q_ref, kv_ref, vdw_ref, xr_ref):
    f32 = jnp.float32
    xb = x_ref[...]
    C = xb.shape[-1]
    nW = xb.shape[1] // WS
    T = WS * WS
    xw = xb.reshape(WS, nW, WS, C).transpose(1, 0, 2, 3).reshape(nW * T, C)
    q = jnp.dot(xw, wq_ref[...], preferred_element_type=f32) + bq_ref[...]
    k = jnp.dot(xw, wk_ref[...], preferred_element_type=f32) + bk_ref[...]
    v = jnp.dot(xw, wv_ref[...], preferred_element_type=f32) + bv_ref[...]
    q_ref[...] = q.reshape(nW, T, C)
    kv_ref[...] = jnp.stack(
        [k.reshape(nW, T, C), v.reshape(nW, T, C)], axis=1)
    xr_ref[...] = jnp.mean(xw.reshape(nW, T, C), axis=1)

    v4 = v.reshape(nW, WS, WS, C)
    vp = jnp.pad(v4, ((0, 0), (1, 1), (1, 1), (0, 0)))
    cols = [vp[:, :, kx:kx + WS, :] for kx in range(3)]
    acc = jnp.zeros((nW, WS, WS, C), f32)
    for ky in range(3):
        for kx in range(3):
            acc = acc + cols[kx][:, ky:ky + WS] * dw_ref[ky, kx][None, None, None, :]
    vdw_ref[...] = acc.reshape(nW, T, C) + dwb_ref[...][None]


def _routing_kernel(xr_ref, wq_ref, wk_ref, bq_ref, bk_ref,
                    g1_ref, gb1_ref, g2_ref, gb2_ref,
                    idx_ref, gwt_ref, *, scale, n_grid):
    f32 = jnp.float32
    xr = xr_ref[...]
    S = xr.shape[0]
    q_r = jnp.dot(xr, wq_ref[...], preferred_element_type=f32) + bq_ref[...]
    k_r = jnp.dot(xr, wk_ref[...], preferred_element_type=f32) + bk_ref[...]
    scores = jax.lax.dot_general(
        q_r, k_r, (((1,), (1,)), ((), ())), preferred_element_type=f32) * scale

    col = jax.lax.broadcasted_iota(jnp.int32, (S, S), 1)
    neg_inf = jnp.float32(-jnp.inf)
    idx_cols = []
    a = scores
    for _ in range(TOPK):
        m = jnp.max(a, axis=1, keepdims=True)
        hit = a >= m
        idx_t = jnp.min(jnp.where(hit, col, S), axis=1)
        idx_cols.append(idx_t)
        a = jnp.where(col == idx_t[:, None], neg_inf, a)

    h = jnp.maximum(jnp.dot(q_r, g1_ref[...], preferred_element_type=f32)
                    + gb1_ref[...], 0.0)
    gp = jnp.dot(h, g2_ref[...], preferred_element_type=f32) + gb2_ref[...]
    sp = jnp.maximum(gp, 0.0) + jnp.log1p(jnp.exp(-jnp.abs(gp)))
    sx = sp[:, 0:1] + 0.5
    sy = sp[:, 1:2] + 0.5

    row = jax.lax.broadcasted_iota(jnp.int32, (S, 1), 0)
    ix = (row % n_grid).astype(f32)
    iy = (row // n_grid).astype(f32)
    jgrid = jax.lax.broadcasted_iota(jnp.int32, (S, n_grid), 1).astype(f32)
    ex = jnp.exp(-0.5 * ((jgrid - ix) / sx) ** 2)
    ey = jnp.exp(-0.5 * ((jgrid - iy) / sy) ** 2)
    denom = (jnp.sum(ex, axis=1, keepdims=True)
             * jnp.sum(ey, axis=1, keepdims=True)) + 1e-6

    w_cols = []
    for t in range(TOPK):
        it = idx_cols[t][:, None]
        tx = (it % n_grid).astype(f32)
        ty = (it // n_grid).astype(f32)
        g = jnp.exp(-0.5 * (((tx - ix) / sx) ** 2 + ((ty - iy) / sy) ** 2))
        w_cols.append(g / denom)

    idx_ref[...] = jnp.concatenate([c[:, None] for c in idx_cols], axis=1)
    gwt_ref[...] = jnp.concatenate(w_cols, axis=1)


def _attn_kernel(idx_ref, gwt_ref, q_ref, vdw_ref, *rest, scale, rb):
    f32 = jnp.float32
    kv_refs = rest[:rb * TOPK]
    pw_ref, pb_ref = rest[rb * TOPK], rest[rb * TOPK + 1]
    o_ref = rest[rb * TOPK + 2]
    i = pl.program_id(0)
    C = q_ref.shape[-1]
    T = WS * WS
    outs = []
    for r in range(rb):
        q = q_ref[r]
        base = (i * rb + r) * TOPK
        ws_ = [gwt_ref[base + j] for j in range(TOPK)]
        kg = jnp.concatenate(
            [kv_refs[r * TOPK + j][0, 0] * ws_[j] for j in range(TOPK)], axis=0)
        vg = jnp.concatenate(
            [kv_refs[r * TOPK + j][0, 1] * ws_[j] for j in range(TOPK)], axis=0)
        s = jax.lax.dot_general(
            q, kg, (((1,), (1,)), ((), ())), preferred_element_type=f32) * scale
        m = jnp.max(s, axis=1, keepdims=True)
        e = jnp.exp(s - m)
        p = e / jnp.sum(e, axis=1, keepdims=True)
        attn = jax.lax.dot_general(
            p, vg, (((1,), (0,)), ((), ())), preferred_element_type=f32)
        outs.append(attn + vdw_ref[r])
    o = jnp.concatenate(outs, axis=0)
    o = jnp.dot(o, pw_ref[...], preferred_element_type=f32) + pb_ref[...]
    o_ref[...] = (o.reshape(rb, WS, WS, C).transpose(1, 0, 2, 3)
                  .reshape(WS, rb * WS, C))


def kernel(x, qkv_w, qkv_b, gp_w1, gp_b1, gp_w2, gp_b2, dw_w, dw_b,
           proj_w, proj_b):
    B, H, W, C = x.shape
    ws = WS
    nH, nW = H // ws, W // ws
    S = nH * nW
    T = ws * ws
    scale = float(C // NUM_HEADS) ** (-0.5)
    f32 = jnp.float32

    x3 = x.reshape(H, W, C)
    wq = qkv_w[0:C].T
    wk = qkv_w[C:2 * C].T
    wv = qkv_w[2 * C:3 * C].T
    bq = qkv_b[0:C][None]
    bk = qkv_b[C:2 * C][None]
    bv = qkv_b[2 * C:3 * C][None]
    dw2 = dw_w[:, 0].transpose(1, 2, 0)
    dwb2 = dw_b[None]

    full2 = lambda a: pl.BlockSpec(a.shape, lambda i: (0,) * a.ndim)
    q, kv, vdw, xr = pl.pallas_call(
        _qkv_kernel,
        grid=(nH,),
        in_specs=[
            pl.BlockSpec((ws, W, C), lambda i: (i, 0, 0)),
            full2(wq), full2(wk), full2(wv), full2(bq), full2(bk), full2(bv),
            full2(dw2), full2(dwb2),
        ],
        out_specs=[
            pl.BlockSpec((nW, T, C), lambda i: (i, 0, 0)),
            pl.BlockSpec((nW, 2, T, C), lambda i: (i, 0, 0, 0)),
            pl.BlockSpec((nW, T, C), lambda i: (i, 0, 0)),
            pl.BlockSpec((nW, C), lambda i: (i, 0)),
        ],
        out_shape=[
            jax.ShapeDtypeStruct((S, T, C), f32),
            jax.ShapeDtypeStruct((S, 2, T, C), f32),
            jax.ShapeDtypeStruct((S, T, C), f32),
            jax.ShapeDtypeStruct((S, C), f32),
        ],
    )(x3, wq, wk, wv, bq, bk, bv, dw2, dwb2)

    g1 = gp_w1.T
    gb1 = gp_b1[None]
    g2 = gp_w2.T
    gb2 = gp_b2[None]
    fullb = lambda a: pl.BlockSpec(a.shape, lambda i: (0,) * a.ndim)
    idx, gwt = pl.pallas_call(
        functools.partial(_routing_kernel, scale=scale, n_grid=nW),
        grid=(1,),
        in_specs=[fullb(xr), fullb(wq), fullb(wk), fullb(bq), fullb(bk),
                  fullb(g1), fullb(gb1), fullb(g2), fullb(gb2)],
        out_specs=[fullb(jnp.empty((S, TOPK), jnp.int32)),
                   fullb(jnp.empty((S, TOPK), f32))],
        out_shape=[jax.ShapeDtypeStruct((S, TOPK), jnp.int32),
                   jax.ShapeDtypeStruct((S, TOPK), f32)],
    )(xr, wq, wk, bq, bk, g1, gb1, g2, gb2)

    pw = proj_w.T
    pb = proj_b[None]

    RB = 8 if nW % 8 == 0 else 1
    own = pl.BlockSpec((RB, T, C), lambda i, idx_r, gwt_r: (i, 0, 0))

    def gspec(r, j):
        return pl.BlockSpec(
            (1, 2, T, C),
            lambda i, idx_r, gwt_r: (idx_r[(i * RB + r) * TOPK + j], 0, 0, 0))

    fullp = lambda a: pl.BlockSpec(
        a.shape, lambda i, idx_r, gwt_r: (0,) * a.ndim)

    nwb = nW // RB
    out = pl.pallas_call(
        functools.partial(_attn_kernel, scale=scale, rb=RB),
        grid_spec=pltpu.PrefetchScalarGridSpec(
            num_scalar_prefetch=2,
            grid=(S // RB,),
            in_specs=[own, own]
            + [gspec(r, j) for r in range(RB) for j in range(TOPK)]
            + [fullp(pw), fullp(pb)],
            out_specs=pl.BlockSpec(
                (ws, RB * ws, C),
                lambda i, idx_r, gwt_r: (i // nwb, i % nwb, 0)),
        ),
        out_shape=jax.ShapeDtypeStruct((H, W, C), f32),
    )(idx.reshape(-1), gwt.reshape(-1), q, vdw,
      *([kv] * (RB * TOPK)), pw, pb)

    return out.reshape(1, H, W, C)

# --- scband reference (transcript-rebuilt; emitter-appended) ---
"""Pipeline reference for scband-gerf-bra-44710609551934 (READ-ONLY COPY).

The authoritative reference and input builder live on the scoring server;
editing this copy changes nothing except your own understanding.
"""

import jax, jax.numpy as jnp
import numpy as np

DIM = 192
NUM_HEADS = 8
WS = 7
TOPK = 4
SCALE = (DIM // NUM_HEADS) ** (-0.5)


def _lin(k, fan_in, shape):
    bound = 1.0 / np.sqrt(fan_in)
    return jax.random.uniform(k, shape, jnp.float32, -bound, bound)


def setup_inputs(seed: int = 0):
    key = jax.random.key(seed)
    ks = jax.random.split(key, 11)
    d = DIM
    return {
        "x": jax.random.normal(ks[0], (1, 224, 224, d), jnp.float32),
        "qkv_w": _lin(ks[1], d, (3 * d, d)),
        "qkv_b": _lin(ks[2], d, (3 * d,)),
        "gp_w1": _lin(ks[3], d, (d // 4, d)),
        "gp_b1": _lin(ks[4], d, (d // 4,)),
        "gp_w2": _lin(ks[5], d // 4, (2, d // 4)),
        "gp_b2": _lin(ks[6], d // 4, (2,)),
        "dw_w": _lin(ks[7], 9, (d, 1, 3, 3)),
        "dw_b": _lin(ks[8], 9, (d,)),
        "proj_w": _lin(ks[9], d, (d, d)),
        "proj_b": _lin(ks[10], d, (d,)),
    }


def _gaussian_weights(sigma_params):
    B, S_sq, _ = sigma_params.shape
    Sg = int(np.sqrt(S_sq))
    sx = jax.nn.softplus(sigma_params[..., 0]) + 0.5
    sy = jax.nn.softplus(sigma_params[..., 1]) + 0.5
    coords = jnp.arange(Sg, dtype=jnp.float32)
    gy, gx = jnp.meshgrid(coords, coords, indexing="ij")
    mu = jnp.stack([gx.ravel(), gy.ravel()], axis=-1)
    diff = mu[None, :, :] - mu[:, None, :]
    dx = diff[..., 0]
    dy = diff[..., 1]
    z = (dx[None, :, :] / sx[:, :, None]) ** 2 + (dy[None, :, :] / sy[:, :, None]) ** 2
    g = jnp.exp(-0.5 * z)
    return g / (g.sum(axis=-1, keepdims=True) + 1e-6)


def reference(x, qkv_w, qkv_b, gp_w1, gp_b1, gp_w2, gp_b2, dw_w, dw_b, proj_w, proj_b):
    B, H, W, C = x.shape
    ws = WS
    pad_h = (ws - H % ws) % ws
    pad_w = (ws - W % ws) % ws
    if pad_h or pad_w:
        x = jnp.pad(x, ((0, 0), (0, pad_h), (0, pad_w), (0, 0)))
        H, W = H + pad_h, W + pad_w
    nH, nW = H // ws, W // ws
    S = nH * nW
    topk = min(TOPK, S)
    xw = x.reshape(B, nH, ws, nW, ws, C).transpose(0, 1, 3, 2, 4, 5).reshape(B, S, ws * ws, C)
    x_region = xw.mean(axis=2)
    qkv_r = (x_region @ qkv_w.T + qkv_b).reshape(B, S, 3, C)
    q_r, k_r = qkv_r[:, :, 0, :], qkv_r[:, :, 1, :]
    A_r = (q_r @ jnp.swapaxes(k_r, -2, -1)) * SCALE
    _, topk_idx = jax.lax.top_k(A_r, topk)
    gp = jax.nn.relu(q_r @ gp_w1.T + gp_b1) @ gp_w2.T + gp_b2
    gw = _gaussian_weights(gp)
    qkv_f = (xw @ qkv_w.T + qkv_b).reshape(B, S, ws * ws, 3, C)
    q, k, v = qkv_f[..., 0, :], qkv_f[..., 1, :], qkv_f[..., 2, :]
    bidx = jnp.arange(B)[:, None, None]
    widx = jnp.arange(S)[None, :, None]
    g_wt = gw[bidx, widx, topk_idx]
    k_g = k[bidx, topk_idx] * g_wt[..., None, None]
    v_g = v[bidx, topk_idx] * g_wt[..., None, None]
    k_g = k_g.reshape(B, S, -1, C)
    v_g = v_g.reshape(B, S, -1, C)
    attn = jax.nn.softmax((q @ jnp.swapaxes(k_g, -2, -1)) * SCALE, axis=-1)
    out = attn @ v_g
    v_dw = v.reshape(B * S, ws, ws, C).transpose(0, 3, 1, 2)
    v_dw = jax.lax.conv_general_dilated(v_dw, dw_w, (1, 1), ((1, 1), (1, 1)), dimension_numbers=("NCHW", "OIHW", "NCHW"), feature_group_count=C)
    v_dw = v_dw + dw_b[None, :, None, None]
    v_dw = v_dw.transpose(0, 2, 3, 1).reshape(B, S, ws * ws, C)
    out = out + v_dw
    out = out.reshape(B, nH, nW, ws, ws, C).transpose(0, 1, 3, 2, 4, 5).reshape(B, H, W, C)
    if pad_h or pad_w:
        out = out[:, : H - pad_h, : W - pad_w, :]
    return out @ proj_w.T + proj_b

if __name__ == "__main__":
    import jax
    _d = setup_inputs()
    print(jax.jit(kernel)(*tuple(_d.values())))

</pallas_src>

<mosaic_0001>
module attributes {stable_mosaic.version = 14 : i64} {
  func.func @_qkv_kernel(%arg0: i32, %arg1: memref<7x224x192xf32, #tpu.memory_space<vmem>>, %arg2: memref<192x192xf32, #tpu.memory_space<vmem>>, %arg3: memref<192x192xf32, #tpu.memory_space<vmem>>, %arg4: memref<192x192xf32, #tpu.memory_space<vmem>>, %arg5: memref<1x192xf32, #tpu.memory_space<vmem>>, %arg6: memref<1x192xf32, #tpu.memory_space<vmem>>, %arg7: memref<1x192xf32, #tpu.memory_space<vmem>>, %arg8: memref<3x3x192xf32, #tpu.memory_space<vmem>>, %arg9: memref<1x192xf32, #tpu.memory_space<vmem>>, %arg10: memref<32x49x192xf32, #tpu.memory_space<vmem>>, %arg11: memref<32x2x49x192xf32, #tpu.memory_space<vmem>>, %arg12: memref<32x49x192xf32, #tpu.memory_space<vmem>>, %arg13: memref<32x192xf32, #tpu.memory_space<vmem>>) attributes {dimension_semantics = [#tpu.dimension_semantics<arbitrary>], iteration_bounds = array<i64: 32>, scalar_prefetch = 0 : i64, scratch_operands = 0 : i64, tpu.core_type = #tpu.core_type<tc>, window_params = [{transform_indices = @transform_0, window_bounds = array<i64: 7, 224, 192>}, {pipeline_mode = #tpu.pipeline_mode<synchronous>, transform_indices = @transform_1, window_bounds = array<i64: 192, 192>}, {pipeline_mode = #tpu.pipeline_mode<synchronous>, transform_indices = @transform_2, window_bounds = array<i64: 192, 192>}, {pipeline_mode = #tpu.pipeline_mode<synchronous>, transform_indices = @transform_3, window_bounds = array<i64: 192, 192>}, {pipeline_mode = #tpu.pipeline_mode<synchronous>, transform_indices = @transform_4, window_bounds = array<i64: 1, 192>}, {pipeline_mode = #tpu.pipeline_mode<synchronous>, transform_indices = @transform_5, window_bounds = array<i64: 1, 192>}, {pipeline_mode = #tpu.pipeline_mode<synchronous>, transform_indices = @transform_6, window_bounds = array<i64: 1, 192>}, {pipeline_mode = #tpu.pipeline_mode<synchronous>, transform_indices = @transform_7, window_bounds = array<i64: 3, 3, 192>}, {pipeline_mode = #tpu.pipeline_mode<synchronous>, transform_indices = @transform_8, window_bounds = array<i64: 1, 192>}, {transform_indices = @transform_9, window_bounds = array<i64: 32, 49, 192>}, {transform_indices = @transform_10, window_bounds = array<i64: 32, 2, 49, 192>}, {transform_indices = @transform_11, window_bounds = array<i64: 32, 49, 192>}, {transform_indices = @transform_12, window_bounds = array<i64: 32, 192>}]} {
    %get3A = arith.constant 0 : index
    %get3A_0 = arith.constant 0 : index
    %get3A_1 = arith.constant 0 : index
    %get3A_2 = vector.load %arg1[%get3A, %get3A_0, %get3A_1] : memref<7x224x192xf32, #tpu.memory_space<vmem>>, vector<7x224x192xf32>
    %reshape3A = vector.shape_cast %get3A_2 : vector<7x224x192xf32> to vector<7x32x7x192xf32>
    %transpose3A = tpu.transpose %reshape3A, [1, 0, 2, 3] : vector<7x32x7x192xf32> -> vector<32x7x7x192xf32>
    %reshape3A_3 = vector.shape_cast %transpose3A : vector<32x7x7x192xf32> to vector<1568x192xf32>
    %get3A_4 = arith.constant 0 : index
    %get3A_5 = arith.constant 0 : index
    %get3A_6 = vector.load %arg2[%get3A_4, %get3A_5] : memref<192x192xf32, #tpu.memory_space<vmem>>, vector<192x192xf32>
    %dot_general3A = arith.constant dense<0.000000e+00> : vector<1568x192xf32>
    %dot_general3A_7 = tpu.matmul %reshape3A_3, %get3A_6, %dot_general3A {dimension_numbers = #tpu.dot_dimension_numbers<[1], [0], [0], [1], [0, 0, 1, 1], [], []>, transpose_lhs_hint = false} : vector<1568x192xf32>, vector<192x192xf32>, vector<1568x192xf32> -> vector<1568x192xf32>
    %get3A_8 = arith.constant 0 : index
    %get3A_9 = arith.constant 0 : index
    %get3A_10 = vector.load %arg5[%get3A_8, %get3A_9] : memref<1x192xf32, #tpu.memory_space<vmem>>, vector<1x192xf32>
    %add3A = vector.broadcast %get3A_10 : vector<1x192xf32> to vector<1568x192xf32>
    %add3A_11 = arith.addf %dot_general3A_7, %add3A : vector<1568x192xf32>
    %get3A_12 = arith.constant 0 : index
    %get3A_13 = arith.constant 0 : index
    %get3A_14 = vector.load %arg3[%get3A_12, %get3A_13] : memref<192x192xf32, #tpu.memory_space<vmem>>, vector<192x192xf32>
    %dot_general3A_15 = arith.constant dense<0.000000e+00> : vector<1568x192xf32>
    %dot_general3A_16 = tpu.matmul %reshape3A_3, %get3A_14, %dot_general3A_15 {dimension_numbers = #tpu.dot_dimension_numbers<[1], [0], [0], [1], [0, 0, 1, 1], [], []>, transpose_lhs_hint = false} : vector<1568x192xf32>, vector<192x192xf32>, vector<1568x192xf32> -> vector<1568x192xf32>
    %get3A_17 = arith.constant 0 : index
    %get3A_18 = arith.constant 0 : index
    %get3A_19 = vector.load %arg6[%get3A_17, %get3A_18] : memref<1x192xf32, #tpu.memory_space<vmem>>, vector<1x192xf32>
    %add3A_20 = vector.broadcast %get3A_19 : vector<1x192xf32> to vector<1568x192xf32>
    %add3A_21 = arith.addf %dot_general3A_16, %add3A_20 : vector<1568x192xf32>
    %get3A_22 = arith.constant 0 : index
    %get3A_23 = arith.constant 0 : index
    %get3A_24 = vector.load %arg4[%get3A_22, %get3A_23] : memref<192x192xf32, #tpu.memory_space<vmem>>, vector<192x192xf32>
    %dot_general3A_25 = arith.constant dense<0.000000e+00> : vector<1568x192xf32>
    %dot_general3A_26 = tpu.matmul %reshape3A_3, %get3A_24, %dot_general3A_25 {dimension_numbers = #tpu.dot_dimension_numbers<[1], [0], [0], [1], [0, 0, 1, 1], [], []>, transpose_lhs_hint = false} : vector<1568x192xf32>, vector<192x192xf32>, vector<1568x192xf32> -> vector<1568x192xf32>
    %get3A_27 = arith.constant 0 : index
    %get3A_28 = arith.constant 0 : index
    %get3A_29 = vector.load %arg7[%get3A_27, %get3A_28] : memref<1x192xf32, #tpu.memory_space<vmem>>, vector<1x192xf32>
    %add3A_30 = vector.broadcast %get3A_29 : vector<1x192xf32> to vector<1568x192xf32>
    %add3A_31 = arith.addf %dot_general3A_26, %add3A_30 : vector<1568x192xf32>
    %reshape3A_32 = vector.shape_cast %add3A_11 : vector<1568x192xf32> to vector<32x49x192xf32>
    %swap3A = arith.constant 0 : index
    %swap3A_33 = arith.constant 0 : index
    %swap3A_34 = arith.constant 0 : index
    %swap3A_35 = vector.load %arg10[%swap3A, %swap3A_33, %swap3A_34] : memref<32x49x192xf32, #tpu.memory_space<vmem>>, vector<32x49x192xf32>
    tpu.vector_store %arg10[%swap3A, %swap3A_33, %swap3A_34], %reshape3A_32 {strides = array<i32>} : memref<32x49x192xf32, #tpu.memory_space<vmem>>, vector<32x49x192xf32>,
    %reshape3A_36 = vector.shape_cast %add3A_21 : vector<1568x192xf32> to vector<32x49x192xf32>
    %reshape3A_37 = vector.shape_cast %add3A_31 : vector<1568x192xf32> to vector<32x49x192xf32>
    %stack3A = vector.shape_cast %reshape3A_36 : vector<32x49x192xf32> to vector<32x1x49x192xf32>
    %stack3A_38 = vector.shape_cast %reshape3A_37 : vector<32x49x192xf32> to vector<32x1x49x192xf32>
    %stack3A_39 = tpu.concatenate %stack3A, %stack3A_38 in 1 : vector<32x1x49x192xf32>, vector<32x1x49x192xf32> -> vector<32x2x49x192xf32>
    %swap3A_40 = arith.constant 0 : index
    %swap3A_41 = arith.constant 0 : index
    %swap3A_42 = arith.constant 0 : index
    %swap3A_43 = arith.constant 0 : index
    %swap3A_44 = vector.load %arg11[%swap3A_40, %swap3A_41, %swap3A_42, %swap3A_43] : memref<32x2x49x192xf32, #tpu.memory_space<vmem>>, vector<32x2x49x192xf32>
    tpu.vector_store %arg11[%swap3A_40, %swap3A_41, %swap3A_42, %swap3A_43], %stack3A_39 {strides = array<i32>} : memref<32x2x49x192xf32, #tpu.memory_space<vmem>>, vector<32x2x49x192xf32>,
    %reshape3A_45 = vector.shape_cast %reshape3A_3 : vector<1568x192xf32> to vector<32x49x192xf32>
    %reduce_sum3A = arith.constant dense<0.000000e+00> : vector<32x192xf32>
    %reduce_sum3A_46 = vector.multi_reduction <add>, %reshape3A_45, %reduce_sum3A [1] : vector<32x49x192xf32> to vector<32x192xf32>
    %div3A = arith.constant 4.900000e+01 : f32
    %div3A_47 = vector.broadcast %div3A : f32 to vector<32x192xf32>
    %div3A_48 = arith.divf %reduce_sum3A_46, %div3A_47 : vector<32x192xf32>
    %swap3A_49 = arith.constant 0 : index
    %swap3A_50 = arith.constant 0 : index
    %swap3A_51 = vector.load %arg13[%swap3A_49, %swap3A_50] : memref<32x192xf32, #tpu.memory_space<vmem>>, vector<32x192xf32>
    tpu.vector_store %arg13[%swap3A_49, %swap3A_50], %div3A_48 {strides = array<i32>} : memref<32x192xf32, #tpu.memory_space<vmem>>, vector<32x192xf32>,
    %reshape3A_52 = vector.shape_cast %add3A_31 : vector<1568x192xf32> to vector<32x7x7x192xf32>
    %jit3A = arith.constant 0 : i32
    %convert_element_type3A = arith.sitofp %jit3A : i32 to f32
    %pad3A = vector.broadcast %convert_element_type3A : f32 to vector<32x1x7x192xf32>
    %pad3A_53 = tpu.concatenate %pad3A, %reshape3A_52 in 1 : vector<32x1x7x192xf32>, vector<32x7x7x192xf32> -> vector<32x8x7x192xf32>
    %pad3A_54 = vector.broadcast %convert_element_type3A : f32 to vector<32x1x7x192xf32>
    %pad3A_55 = tpu.concatenate %pad3A_53, %pad3A_54 in 1 : vector<32x8x7x192xf32>, vector<32x1x7x192xf32> -> vector<32x9x7x192xf32>
    %pad3A_56 = vector.broadcast %convert_element_type3A : f32 to vector<32x9x1x192xf32>
    %pad3A_57 = tpu.concatenate %pad3A_56, %pad3A_55 in 2 : vector<32x9x1x192xf32>, vector<32x9x7x192xf32> -> vector<32x9x8x192xf32>
    %pad3A_58 = vector.broadcast %convert_element_type3A : f32 to vector<32x9x1x192xf32>
    %pad3A_59 = tpu.concatenate %pad3A_57, %pad3A_58 in 2 : vector<32x9x8x192xf32>, vector<32x9x1x192xf32> -> vector<32x9x9x192xf32>
    %slice3A = vector.extract_strided_slice %pad3A_59 {offsets = [0, 0, 0, 0], sizes = [32, 9, 7, 192], strides = [1, 1, 1, 1]} : vector<32x9x9x192xf32> to vector<32x9x7x192xf32>
    %slice3A_60 = vector.extract_strided_slice %pad3A_59 {offsets = [0, 0, 1, 0], sizes = [32, 9, 7, 192], strides = [1, 1, 1, 1]} : vector<32x9x9x192xf32> to vector<32x9x7x192xf32>
    %slice3A_61 = vector.extract_strided_slice %pad3A_59 {offsets = [0, 0, 2, 0], sizes = [32, 9, 7, 192], strides = [1, 1, 1, 1]} : vector<32x9x9x192xf32> to vector<32x9x7x192xf32>
    %broadcast_in_dim3A = arith.constant 0.000000e+00 : f32
    %broadcast_in_dim3A_62 = vector.broadcast %broadcast_in_dim3A : f32 to vector<32x7x7x192xf32>
    %slice3A_63 = vector.extract_strided_slice %slice3A {offsets = [0, 0, 0, 0], sizes = [32, 7, 7, 192], strides = [1, 1, 1, 1]} : vector<32x9x7x192xf32> to vector<32x7x7x192xf32>
    %get3A_64 = arith.constant 0 : index
    %get3A_65 = arith.constant 0 : index
    %get3A_66 = arith.constant 0 : index
    %get3A_67 = vector.load %arg8[%get3A_64, %get3A_65, %get3A_66] : memref<3x3x192xf32, #tpu.memory_space<vmem>>, vector<1x1x192xf32>
    %get3A_68 = vector.shape_cast %get3A_67 : vector<1x1x192xf32> to vector<192xf32>
    %broadcast_in_dim3A_69 = vector.shape_cast %get3A_68 : vector<192xf32> to vector<1x1x1x192xf32>
    %mul3A = vector.broadcast %broadcast_in_dim3A_69 : vector<1x1x1x192xf32> to vector<32x7x7x192xf32>
    %mul3A_70 = arith.mulf %slice3A_63, %mul3A : vector<32x7x7x192xf32>
    %add3A_71 = arith.addf %broadcast_in_dim3A_62, %mul3A_70 : vector<32x7x7x192xf32>
    %slice3A_72 = vector.extract_strided_slice %slice3A_60 {offsets = [0, 0, 0, 0], sizes = [32, 7, 7, 192], strides = [1, 1, 1, 1]} : vector<32x9x7x192xf32> to vector<32x7x7x192xf32>
    %get3A_73 = arith.constant 0 : index
    %get3A_74 = arith.constant 1 : index
    %get3A_75 = arith.constant 0 : index
    %get3A_76 = vector.load %arg8[%get3A_73, %get3A_74, %get3A_75] : memref<3x3x192xf32, #tpu.memory_space<vmem>>, vector<1x1x192xf32>
    %get3A_77 = vector.shape_cast %get3A_76 : vector<1x1x192xf32> to vector<192xf32>
    %broadcast_in_dim3A_78 = vector.shape_cast %get3A_77 : vector<192xf32> to vector<1x1x1x192xf32>
    %mul3A_79 = vector.broadcast %broadcast_in_dim3A_78 : vector<1x1x1x192xf32> to vector<32x7x7x192xf32>
    %mul3A_80 = arith.mulf %slice3A_72, %mul3A_79 : vector<32x7x7x192xf32>
    %add3A_81 = arith.addf %add3A_71, %mul3A_80 : vector<32x7x7x192xf32>
    %slice3A_82 = vector.extract_strided_slice %slice3A_61 {offsets = [0, 0, 0, 0], sizes = [32, 7, 7, 192], strides = [1, 1, 1, 1]} : vector<32x9x7x192xf32> to vector<32x7x7x192xf32>
    %get3A_83 = arith.constant 0 : index
    %get3A_84 = arith.constant 2 : index
    %get3A_85 = arith.constant 0 : index
    %get3A_86 = vector.load %arg8[%get3A_83, %get3A_84, %get3A_85] : memref<3x3x192xf32, #tpu.memory_space<vmem>>, vector<1x1x192xf32>
    %get3A_87 = vector.shape_cast %get3A_86 : vector<1x1x192xf32> to vector<192xf32>
    %broadcast_in_dim3A_88 = vector.shape_cast %get3A_87 : vector<192xf32> to vector<1x1x1x192xf32>
    %mul3A_89 = vector.broadcast %broadcast_in_dim3A_88 : vector<1x1x1x192xf32> to vector<32x7x7x192xf32>
    %mul3A_90 = arith.mulf %slice3A_82, %mul3A_89 : vector<32x7x7x192xf32>
    %add3A_91 = arith.addf %add3A_81, %mul3A_90 : vector<32x7x7x192xf32>
    %slice3A_92 = vector.extract_strided_slice %slice3A {offsets = [0, 1, 0, 0], sizes = [32, 7, 7, 192], strides = [1, 1, 1, 1]} : vector<32x9x7x192xf32> to vector<32x7x7x192xf32>
    %get3A_93 = arith.constant 1 : index
    %get3A_94 = arith.constant 0 : index
    %get3A_95 = arith.constant 0 : index
    %get3A_96 = vector.load %arg8[%get3A_93, %get3A_94, %get3A_95] : memref<3x3x192xf32, #tpu.memory_space<vmem>>, vector<1x1x192xf32>
    %get3A_97 = vector.shape_cast %get3A_96 : vector<1x1x192xf32> to vector<192xf32>
    %broadcast_in_dim3A_98 = vector.shape_cast %get3A_97 : vector<192xf32> to vector<1x1x1x192xf32>
    %mul3A_99 = vector.broadcast %broadcast_in_dim3A_98 : vector<1x1x1x192xf32> to vector<32x7x7x192xf32>
    %mul3A_100 = arith.mulf %slice3A_92, %mul3A_99 : vector<32x7x7x192xf32>
    %add3A_101 = arith.addf %add3A_91, %mul3A_100 : vector<32x7x7x192xf32>
    %slice3A_102 = vector.extract_strided_slice %slice3A_60 {offsets = [0, 1, 0, 0], sizes = [32, 7, 7, 192], strides = [1, 1, 1, 1]} : vector<32x9x7x192xf32> to vector<32x7x7x192xf32>
    %get3A_103 = arith.constant 1 : index
    %get3A_104 = arith.constant 1 : index
    %get3A_105 = arith.constant 0 : index
    %get3A_106 = vector.load %arg8[%get3A_103, %get3A_104, %get3A_105] : memref<3x3x192xf32, #tpu.memory_space<vmem>>, vector<1x1x192xf32>
    %get3A_107 = vector.shape_cast %get3A_106 : vector<1x1x192xf32> to vector<192xf32>
    %broadcast_in_dim3A_108 = vector.shape_cast %get3A_107 : vector<192xf32> to vector<1x1x1x192xf32>
    %mul3A_109 = vector.broadcast %broadcast_in_dim3A_108 : vector<1x1x1x192xf32> to vector<32x7x7x192xf32>
    %mul3A_110 = arith.mulf %slice3A_102, %mul3A_109 : vector<32x7x7x192xf32>
    %add3A_111 = arith.addf %add3A_101, %mul3A_110 : vector<32x7x7x192xf32>
    %slice3A_112 = vector.extract_strided_slice %slice3A_61 {offsets = [0, 1, 0, 0], sizes = [32, 7, 7, 192], strides = [1, 1, 1, 1]} : vector<32x9x7x192xf32> to vector<32x7x7x192xf32>
    %get3A_113 = arith.constant 1 : index
    %get3A_114 = arith.constant 2 : index
    %get3A_115 = arith.constant 0 : index
    %get3A_116 = vector.load %arg8[%get3A_113, %get3A_114, %get3A_115] : memref<3x3x192xf32, #tpu.memory_space<vmem>>, vector<1x1x192xf32>
    %get3A_117 = vector.shape_cast %get3A_116 : vector<1x1x192xf32> to vector<192xf32>
    %broadcast_in_dim3A_118 = vector.shape_cast %get3A_117 : vector<192xf32> to vector<1x1x1x192xf32>
    %mul3A_119 = vector.broadcast %broadcast_in_dim3A_118 : vector<1x1x1x192xf32> to vector<32x7x7x192xf32>
    %mul3A_120 = arith.mulf %slice3A_112, %mul3A_119 : vector<32x7x7x192xf32>
    %add3A_121 = arith.addf %add3A_111, %mul3A_120 : vector<32x7x7x192xf32>
    %slice3A_122 = vector.extract_strided_slice %slice3A {offsets = [0, 2, 0, 0], sizes = [32, 7, 7, 192], strides = [1, 1, 1, 1]} : vector<32x9x7x192xf32> to vector<32x7x7x192xf32>
    %get3A_123 = arith.constant 2 : index
    %get3A_124 = arith.constant 0 : index
    %get3A_125 = arith.constant 0 : index
    %get3A_126 = vector.load %arg8[%get3A_123, %get3A_124, %get3A_125] : memref<3x3x192xf32, #tpu.memory_space<vmem>>, vector<1x1x192xf32>
    %get3A_127 = vector.shape_cast %get3A_126 : vector<1x1x192xf32> to vector<192xf32>
    %broadcast_in_dim3A_128 = vector.shape_cast %get3A_127 : vector<192xf32> to vector<1x1x1x192xf32>
    %mul3A_129 = vector.broadcast %broadcast_in_dim3A_128 : vector<1x1x1x192xf32> to vector<32x7x7x192xf32>
    %mul3A_130 = arith.mulf %slice3A_122, %mul3A_129 : vector<32x7x7x192xf32>
    %add3A_131 = arith.addf %add3A_121, %mul3A_130 : vector<32x7x7x192xf32>
    %slice3A_132 = vector.extract_strided_slice %slice3A_60 {offsets = [0, 2, 0, 0], sizes = [32, 7, 7, 192], strides = [1, 1, 1, 1]} : vector<32x9x7x192xf32> to vector<32x7x7x192xf32>
    %get3A_133 = arith.constant 2 : index
    %get3A_134 = arith.constant 1 : index
    %get3A_135 = arith.constant 0 : index
    %get3A_136 = vector.load %arg8[%get3A_133, %get3A_134, %get3A_135] : memref<3x3x192xf32, #tpu.memory_space<vmem>>, vector<1x1x192xf32>
    %get3A_137 = vector.shape_cast %get3A_136 : vector<1x1x192xf32> to vector<192xf32>
    %broadcast_in_dim3A_138 = vector.shape_cast %get3A_137 : vector<192xf32> to vector<1x1x1x192xf32>
    %mul3A_139 = vector.broadcast %broadcast_in_dim3A_138 : vector<1x1x1x192xf32> to vector<32x7x7x192xf32>
    %mul3A_140 = arith.mulf %slice3A_132, %mul3A_139 : vector<32x7x7x192xf32>
    %add3A_141 = arith.addf %add3A_131, %mul3A_140 : vector<32x7x7x192xf32>
    %slice3A_142 = vector.extract_strided_slice %slice3A_61 {offsets = [0, 2, 0, 0], sizes = [32, 7, 7, 192], strides = [1, 1, 1, 1]} : vector<32x9x7x192xf32> to vector<32x7x7x192xf32>
    %get3A_143 = arith.constant 2 : index
    %get3A_144 = arith.constant 2 : index
    %get3A_145 = arith.constant 0 : index
    %get3A_146 = vector.load %arg8[%get3A_143, %get3A_144, %get3A_145] : memref<3x3x192xf32, #tpu.memory_space<vmem>>, vector<1x1x192xf32>
    %get3A_147 = vector.shape_cast %get3A_146 : vector<1x1x192xf32> to vector<192xf32>
    %broadcast_in_dim3A_148 = vector.shape_cast %get3A_147 : vector<192xf32> to vector<1x1x1x192xf32>
    %mul3A_149 = vector.broadcast %broadcast_in_dim3A_148 : vector<1x1x1x192xf32> to vector<32x7x7x192xf32>
    %mul3A_150 = arith.mulf %slice3A_142, %mul3A_149 : vector<32x7x7x192xf32>
    %add3A_151 = arith.addf %add3A_141, %mul3A_150 : vector<32x7x7x192xf32>
    %reshape3A_152 = vector.shape_cast %add3A_151 : vector<32x7x7x192xf32> to vector<32x49x192xf32>
    %get3A_153 = arith.constant 0 : index
    %get3A_154 = arith.constant 0 : index
    %get3A_155 = vector.load %arg9[%get3A_153, %get3A_154] : memref<1x192xf32, #tpu.memory_space<vmem>>, vector<1x192xf32>
    %broadcast_in_dim3A_156 = vector.shape_cast %get3A_155 : vector<1x192xf32> to vector<1x1x192xf32>
    %add3A_157 = vector.broadcast %broadcast_in_dim3A_156 : vector<1x1x192xf32> to vector<32x49x192xf32>
    %add3A_158 = arith.addf %reshape3A_152, %add3A_157 : vector<32x49x192xf32>
    %swap3A_159 = arith.constant 0 : index
    %swap3A_160 = arith.constant 0 : index
    %swap3A_161 = arith.constant 0 : index
    %swap3A_162 = vector.load %arg12[%swap3A_159, %swap3A_160, %swap3A_161] : memref<32x49x192xf32, #tpu.memory_space<vmem>>, vector<32x49x192xf32>
    tpu.vector_store %arg12[%swap3A_159, %swap3A_160, %swap3A_161], %add3A_158 {strides = array<i32>} : memref<32x49x192xf32, #tpu.memory_space<vmem>>, vector<32x49x192xf32>,
    return
  }
  func.func @transform_0(%arg0: i32) -> (i32, i32, i32) {
    %c0_i32 = arith.constant 0 : i32
    %c0_i32_0 = arith.constant 0 : i32
    %c0_i32_1 = arith.constant 0 : i32
    return %arg0, %c0_i32, %c0_i32_0 : i32, i32, i32
  }
  func.func @transform_1(%arg0: i32) -> (i32, i32) {
    %c0_i32 = arith.constant 0 : i32
    %c0_i32_0 = arith.constant 0 : i32
    %c0_i32_1 = arith.constant 0 : i32
    return %c0_i32, %c0_i32_0 : i32, i32
  }
  func.func @transform_2(%arg0: i32) -> (i32, i32) {
    %c0_i32 = arith.constant 0 : i32
    %c0_i32_0 = arith.constant 0 : i32
    %c0_i32_1 = arith.constant 0 : i32
    return %c0_i32, %c0_i32_0 : i32, i32
  }
  func.func @transform_3(%arg0: i32) -> (i32, i32) {
    %c0_i32 = arith.constant 0 : i32
    %c0_i32_0 = arith.constant 0 : i32
    %c0_i32_1 = arith.constant 0 : i32
    return %c0_i32, %c0_i32_0 : i32, i32
  }
  func.func @transform_4(%arg0: i32) -> (i32, i32) {
    %c0_i32 = arith.constant 0 : i32
    %c0_i32_0 = arith.constant 0 : i32
    %c0_i32_1 = arith.constant 0 : i32
    return %c0_i32, %c0_i32_0 : i32, i32
  }
  func.func @transform_5(%arg0: i32) -> (i32, i32) {
    %c0_i32 = arith.constant 0 : i32
    %c0_i32_0 = arith.constant 0 : i32
    %c0_i32_1 = arith.constant 0 : i32
    return %c0_i32, %c0_i32_0 : i32, i32
  }
  func.func @transform_6(%arg0: i32) -> (i32, i32) {
    %c0_i32 = arith.constant 0 : i32
    %c0_i32_0 = arith.constant 0 : i32
    %c0_i32_1 = arith.constant 0 : i32
    return %c0_i32, %c0_i32_0 : i32, i32
  }
  func.func @transform_7(%arg0: i32) -> (i32, i32, i32) {
    %c0_i32 = arith.constant 0 : i32
    %c0_i32_0 = arith.constant 0 : i32
    %c0_i32_1 = arith.constant 0 : i32
    %c0_i32_2 = arith.constant 0 : i32
    return %c0_i32, %c0_i32_0, %c0_i32_1 : i32, i32, i32
  }
  func.func @transform_8(%arg0: i32) -> (i32, i32) {
    %c0_i32 = arith.constant 0 : i32
    %c0_i32_0 = arith.constant 0 : i32
    %c0_i32_1 = arith.constant 0 : i32
    return %c0_i32, %c0_i32_0 : i32, i32
  }
  func.func @transform_9(%arg0: i32) -> (i32, i32, i32) {
    %c0_i32 = arith.constant 0 : i32
    %c0_i32_0 = arith.constant 0 : i32
    %c0_i32_1 = arith.constant 0 : i32
    return %arg0, %c0_i32, %c0_i32_0 : i32, i32, i32
  }
  func.func @transform_10(%arg0: i32) -> (i32, i32, i32, i32) {
    %c0_i32 = arith.constant 0 : i32
    %c0_i32_0 = arith.constant 0 : i32
    %c0_i32_1 = arith.constant 0 : i32
    %c0_i32_2 = arith.constant 0 : i32
    return %arg0, %c0_i32, %c0_i32_0, %c0_i32_1 : i32, i32, i32, i32
  }
  func.func @transform_11(%arg0: i32) -> (i32, i32, i32) {
    %c0_i32 = arith.constant 0 : i32
    %c0_i32_0 = arith.constant 0 : i32
    %c0_i32_1 = arith.constant 0 : i32
    return %arg0, %c0_i32, %c0_i32_0 : i32, i32, i32
  }
  func.func @transform_12(%arg0: i32) -> (i32, i32) {
    %c0_i32 = arith.constant 0 : i32
    %c0_i32_0 = arith.constant 0 : i32
    return %arg0, %c0_i32 : i32, i32
  }
}

module attributes {stable_mosaic.version = 14 : i64} {
  func.func @_routing_kernel(%arg0: i32, %arg1: memref<1024x192xf32, #tpu.memory_space<vmem>>, %arg2: memref<192x192xf32, #tpu.memory_space<vmem>>, %arg3: memref<192x192xf32, #tpu.memory_space<vmem>>, %arg4: memref<1x192xf32, #tpu.memory_space<vmem>>, %arg5: memref<1x192xf32, #tpu.memory_space<vmem>>, %arg6: memref<192x48xf32, #tpu.memory_space<vmem>>, %arg7: memref<1x48xf32, #tpu.memory_space<vmem>>, %arg8: memref<48x2xf32, #tpu.memory_space<vmem>>, %arg9: memref<1x2xf32, #tpu.memory_space<vmem>>, %arg10: memref<1024x4xi32, #tpu.memory_space<vmem>>, %arg11: memref<1024x4xf32, #tpu.memory_space<vmem>>) attributes {dimension_semantics = [#tpu.dimension_semantics<arbitrary>], iteration_bounds = array<i64: 1>, scalar_prefetch = 0 : i64, scratch_operands = 0 : i64, tpu.core_type = #tpu.core_type<tc>, window_params = [{pipeline_mode = #tpu.pipeline_mode<synchronous>, transform_indices = @transform_0, window_bounds = array<i64: 1024, 192>}, {pipeline_mode = #tpu.pipeline_mode<synchronous>, transform_indices = @transform_1, window_bounds = array<i64: 192, 192>}, {pipeline_mode = #tpu.pipeline_mode<synchronous>, transform_indices = @transform_2, window_bounds = array<i64: 192, 192>}, {pipeline_mode = #tpu.pipeline_mode<synchronous>, transform_indices = @transform_3, window_bounds = array<i64: 1, 192>}, {pipeline_mode = #tpu.pipeline_mode<synchronous>, transform_indices = @transform_4, window_bounds = array<i64: 1, 192>}, {pipeline_mode = #tpu.pipeline_mode<synchronous>, transform_indices = @transform_5, window_bounds = array<i64: 192, 48>}, {pipeline_mode = #tpu.pipeline_mode<synchronous>, transform_indices = @transform_6, window_bounds = array<i64: 1, 48>}, {pipeline_mode = #tpu.pipeline_mode<synchronous>, transform_indices = @transform_7, window_bounds = array<i64: 48, 2>}, {pipeline_mode = #tpu.pipeline_mode<synchronous>, transform_indices = @transform_8, window_bounds = array<i64: 1, 2>}, {pipeline_mode = #tpu.pipeline_mode<synchronous>, transform_indices = @transform_9, window_bounds = array<i64: 1024, 4>}, {pipeline_mode = #tpu.pipeline_mode<synchronous>, transform_indices = @transform_10, window_bounds = array<i64: 1024, 4>}]} {
    %get3A = arith.constant 0 : index
    %get3A_0 = arith.constant 0 : index
    %get3A_1 = vector.load %arg1[%get3A, %get3A_0] : memref<1024x192xf32, #tpu.memory_space<vmem>>, vector<1024x192xf32>
    %get3A_2 = arith.constant 0 : index
    %get3A_3 = arith.constant 0 : index
    %get3A_4 = vector.load %arg2[%get3A_2, %get3A_3] : memref<192x192xf32, #tpu.memory_space<vmem>>, vector<192x192xf32>
    %dot_general3A = arith.constant dense<0.000000e+00> : vector<1024x192xf32>
    %dot_general3A_5 = tpu.matmul %get3A_1, %get3A_4, %dot_general3A {dimension_numbers = #tpu.dot_dimension_numbers<[1], [0], [0], [1], [0, 0, 1, 1], [], []>, transpose_lhs_hint = false} : vector<1024x192xf32>, vector<192x192xf32>, vector<1024x192xf32> -> vector<1024x192xf32>
    %get3A_6 = arith.constant 0 : index
    %get3A_7 = arith.constant 0 : index
    %get3A_8 = vector.load %arg4[%get3A_6, %get3A_7] : memref<1x192xf32, #tpu.memory_space<vmem>>, vector<1x192xf32>
    %add3A = vector.broadcast %get3A_8 : vector<1x192xf32> to vector<1024x192xf32>
    %add3A_9 = arith.addf %dot_general3A_5, %add3A : vector<1024x192xf32>
    %get3A_10 = arith.constant 0 : index
    %get3A_11 = arith.constant 0 : index
    %get3A_12 = vector.load %arg3[%get3A_10, %get3A_11] : memref<192x192xf32, #tpu.memory_space<vmem>>, vector<192x192xf32>
    %dot_general3A_13 = arith.constant dense<0.000000e+00> : vector<1024x192xf32>
    %dot_general3A_14 = tpu.matmul %get3A_1, %get3A_12, %dot_general3A_13 {dimension_numbers = #tpu.dot_dimension_numbers<[1], [0], [0], [1], [0, 0, 1, 1], [], []>, transpose_lhs_hint = false} : vector<1024x192xf32>, vector<192x192xf32>, vector<1024x192xf32> -> vector<1024x192xf32>
    %get3A_15 = arith.constant 0 : index
    %get3A_16 = arith.constant 0 : index
    %get3A_17 = vector.load %arg5[%get3A_15, %get3A_16] : memref<1x192xf32, #tpu.memory_space<vmem>>, vector<1x192xf32>
    %add3A_18 = vector.broadcast %get3A_17 : vector<1x192xf32> to vector<1024x192xf32>
    %add3A_19 = arith.addf %dot_general3A_14, %add3A_18 : vector<1024x192xf32>
    %dot_general3A_20 = arith.constant dense<0.000000e+00> : vector<1024x1024xf32>
    %dot_general3A_21 = tpu.matmul %add3A_9, %add3A_19, %dot_general3A_20 {dimension_numbers = #tpu.dot_dimension_numbers<[1], [1], [0], [0], [0, 0, 1, 0], [], []>, transpose_lhs_hint = false} : vector<1024x192xf32>, vector<1024x192xf32>, vector<1024x1024xf32> -> vector<1024x1024xf32>
    %mul3A = arith.constant 0.204124153 : f32
    %mul3A_22 = vector.broadcast %mul3A : f32 to vector<1024x1024xf32>
    %mul3A_23 = arith.mulf %dot_general3A_21, %mul3A_22 : vector<1024x1024xf32>
    %iota3A = tpu.iota {dimensions = array<i32: 1>} : vector<1024x1024xi32>
    %reduce_max3A = arith.constant dense<0xFF800000> : vector<1024xf32>
    %reduce_max3A_24 = vector.multi_reduction <maximumf>, %mul3A_23, %reduce_max3A [1] : vector<1024x1024xf32> to vector<1024xf32>
    %broadcast_in_dim3A = vector.shape_cast %reduce_max3A_24 : vector<1024xf32> to vector<1024x1xf32>
    %ge3A = vector.broadcast %broadcast_in_dim3A : vector<1024x1xf32> to vector<1024x1024xf32>
    %ge3A_25 = arith.cmpf oge, %mul3A_23, %ge3A : vector<1024x1024xf32>
    %jit3A = arith.constant 1024 : i32
    %broadcast_in_dim3A_26 = vector.broadcast %jit3A : i32 to vector<1024x1024xi32>
    %select_n3A = arith.select %ge3A_25, %iota3A, %broadcast_in_dim3A_26 : vector<1024x1024xi1>, vector<1024x1024xi32>
    %reduce_min3A = arith.constant dense<2147483647> : vector<1024xi32>
    %reduce_min3A_27 = vector.multi_reduction <minsi>, %select_n3A, %reduce_min3A [1] : vector<1024x1024xi32> to vector<1024xi32>
    %broadcast_in_dim3A_28 = vector.shape_cast %reduce_min3A_27 : vector<1024xi32> to vector<1024x1xi32>
    %eq3A = vector.broadcast %broadcast_in_dim3A_28 : vector<1024x1xi32> to vector<1024x1024xi32>
    %eq3A_29 = arith.cmpi eq, %iota3A, %eq3A : vector<1024x1024xi32>
    %jit3A_30 = arith.constant 0xFF800000 : f32
    %broadcast_in_dim3A_31 = vector.broadcast %jit3A_30 : f32 to vector<1024x1024xf32>
    %select_n3A_32 = arith.select %eq3A_29, %broadcast_in_dim3A_31, %mul3A_23 : vector<1024x1024xi1>, vector<1024x1024xf32>
    %reduce_max3A_33 = arith.constant dense<0xFF800000> : vector<1024xf32>
    %reduce_max3A_34 = vector.multi_reduction <maximumf>, %select_n3A_32, %reduce_max3A_33 [1] : vector<1024x1024xf32> to vector<1024xf32>
    %broadcast_in_dim3A_35 = vector.shape_cast %reduce_max3A_34 : vector<1024xf32> to vector<1024x1xf32>
    %ge3A_36 = vector.broadcast %broadcast_in_dim3A_35 : vector<1024x1xf32> to vector<1024x1024xf32>
    %ge3A_37 = arith.cmpf oge, %select_n3A_32, %ge3A_36 : vector<1024x1024xf32>
    %jit3A_38 = arith.constant 1024 : i32
    %broadcast_in_dim3A_39 = vector.broadcast %jit3A_38 : i32 to vector<1024x1024xi32>
    %select_n3A_40 = arith.select %ge3A_37, %iota3A, %broadcast_in_dim3A_39 : vector<1024x1024xi1>, vector<1024x1024xi32>
    %reduce_min3A_41 = arith.constant dense<2147483647> : vector<1024xi32>
    %reduce_min3A_42 = vector.multi_reduction <minsi>, %select_n3A_40, %reduce_min3A_41 [1] : vector<1024x1024xi32> to vector<1024xi32>
    %broadcast_in_dim3A_43 = vector.shape_cast %reduce_min3A_42 : vector<1024xi32> to vector<1024x1xi32>
    %eq3A_44 = vector.broadcast %broadcast_in_dim3A_43 : vector<1024x1xi32> to vector<1024x1024xi32>
    %eq3A_45 = arith.cmpi eq, %iota3A, %eq3A_44 : vector<1024x1024xi32>
    %jit3A_46 = arith.constant 0xFF800000 : f32
    %broadcast_in_dim3A_47 = vector.broadcast %jit3A_46 : f32 to vector<1024x1024xf32>
    %select_n3A_48 = arith.select %eq3A_45, %broadcast_in_dim3A_47, %select_n3A_32 : vector<1024x1024xi1>, vector<1024x1024xf32>
    %reduce_max3A_49 = arith.constant dense<0xFF800000> : vector<1024xf32>
    %reduce_max3A_50 = vector.multi_reduction <maximumf>, %select_n3A_48, %reduce_max3A_49 [1] : vector<1024x1024xf32> to vector<1024xf32>
    %broadcast_in_dim3A_51 = vector.shape_cast %reduce_max3A_50 : vector<1024xf32> to vector<1024x1xf32>
    %ge3A_52 = vector.broadcast %broadcast_in_dim3A_51 : vector<1024x1xf32> to vector<1024x1024xf32>
    %ge3A_53 = arith.cmpf oge, %select_n3A_48, %ge3A_52 : vector<1024x1024xf32>
    %jit3A_54 = arith.constant 1024 : i32
    %broadcast_in_dim3A_55 = vector.broadcast %jit3A_54 : i32 to vector<1024x1024xi32>
    %select_n3A_56 = arith.select %ge3A_53, %iota3A, %broadcast_in_dim3A_55 : vector<1024x1024xi1>, vector<1024x1024xi32>
    %reduce_min3A_57 = arith.constant dense<2147483647> : vector<1024xi32>
    %reduce_min3A_58 = vector.multi_reduction <minsi>, %select_n3A_56, %reduce_min3A_57 [1] : vector<1024x1024xi32> to vector<1024xi32>
    %broadcast_in_dim3A_59 = vector.shape_cast %reduce_min3A_58 : vector<1024xi32> to vector<1024x1xi32>
    %eq3A_60 = vector.broadcast %broadcast_in_dim3A_59 : vector<1024x1xi32> to vector<1024x1024xi32>
    %eq3A_61 = arith.cmpi eq, %iota3A, %eq3A_60 : vector<1024x1024xi32>
    %jit3A_62 = arith.constant 0xFF800000 : f32
    %broadcast_in_dim3A_63 = vector.broadcast %jit3A_62 : f32 to vector<1024x1024xf32>
    %select_n3A_64 = arith.select %eq3A_61, %broadcast_in_dim3A_63, %select_n3A_48 : vector<1024x1024xi1>, vector<1024x1024xf32>
    %reduce_max3A_65 = arith.constant dense<0xFF800000> : vector<1024xf32>
    %reduce_max3A_66 = vector.multi_reduction <maximumf>, %select_n3A_64, %reduce_max3A_65 [1] : vector<1024x1024xf32> to vector<1024xf32>
    %broadcast_in_dim3A_67 = vector.shape_cast %reduce_max3A_66 : vector<1024xf32> to vector<1024x1xf32>
    %ge3A_68 = vector.broadcast %broadcast_in_dim3A_67 : vector<1024x1xf32> to vector<1024x1024xf32>
    %ge3A_69 = arith.cmpf oge, %select_n3A_64, %ge3A_68 : vector<1024x1024xf32>
    %jit3A_70 = arith.constant 1024 : i32
    %broadcast_in_dim3A_71 = vector.broadcast %jit3A_70 : i32 to vector<1024x1024xi32>
    %select_n3A_72 = arith.select %ge3A_69, %iota3A, %broadcast_in_dim3A_71 : vector<1024x1024xi1>, vector<1024x1024xi32>
    %reduce_min3A_73 = arith.constant dense<2147483647> : vector<1024xi32>
    %reduce_min3A_74 = vector.multi_reduction <minsi>, %select_n3A_72, %reduce_min3A_73 [1] : vector<1024x1024xi32> to vector<1024xi32>
    %get3A_75 = arith.constant 0 : index
    %get3A_76 = arith.constant 0 : index
    %get3A_77 = vector.load %arg6[%get3A_75, %get3A_76] : memref<192x48xf32, #tpu.memory_space<vmem>>, vector<192x48xf32>
    %dot_general3A_78 = arith.constant dense<0.000000e+00> : vector<1024x48xf32>
    %dot_general3A_79 = tpu.matmul %add3A_9, %get3A_77, %dot_general3A_78 {dimension_numbers = #tpu.dot_dimension_numbers<[1], [0], [0], [1], [0, 0, 1, 1], [], []>, transpose_lhs_hint = false} : vector<1024x192xf32>, vector<192x48xf32>, vector<1024x48xf32> -> vector<1024x48xf32>
    %get3A_80 = arith.constant 0 : index
    %get3A_81 = arith.constant 0 : index
    %get3A_82 = vector.load %arg7[%get3A_80, %get3A_81] : memref<1x48xf32, #tpu.memory_space<vmem>>, vector<1x48xf32>
    %add3A_83 = vector.broadcast %get3A_82 : vector<1x48xf32> to vector<1024x48xf32>
    %add3A_84 = arith.addf %dot_general3A_79, %add3A_83 : vector<1024x48xf32>
    %max3A = arith.constant 0.000000e+00 : f32
    %max3A_85 = vector.broadcast %max3A : f32 to vector<1024x48xf32>
    %max3A_86 = arith.maximumf %add3A_84, %max3A_85 : vector<1024x48xf32>
    %get3A_87 = arith.constant 0 : index
    %get3A_88 = arith.constant 0 : index
    %get3A_89 = vector.load %arg8[%get3A_87, %get3A_88] : memref<48x2xf32, #tpu.memory_space<vmem>>, vector<48x2xf32>
    %dot_general3A_90 = arith.constant dense<0.000000e+00> : vector<1024x2xf32>
    %dot_general3A_91 = tpu.matmul %max3A_86, %get3A_89, %dot_general3A_90 {dimension_numbers = #tpu.dot_dimension_numbers<[1], [0], [0], [1], [0, 0, 1, 1], [], []>, transpose_lhs_hint = false} : vector<1024x48xf32>, vector<48x2xf32>, vector<1024x2xf32> -> vector<1024x2xf32>
    %get3A_92 = arith.constant 0 : index
    %get3A_93 = arith.constant 0 : index
    %get3A_94 = vector.load %arg9[%get3A_92, %get3A_93] : memref<1x2xf32, #tpu.memory_space<vmem>>, vector<1x2xf32>
    %add3A_95 = vector.broadcast %get3A_94 : vector<1x2xf32> to vector<1024x2xf32>
    %add3A_96 = arith.addf %dot_general3A_91, %add3A_95 : vector<1024x2xf32>
    %max3A_97 = arith.constant 0.000000e+00 : f32
    %max3A_98 = vector.broadcast %max3A_97 : f32 to vector<1024x2xf32>
    %max3A_99 = arith.maximumf %add3A_96, %max3A_98 : vector<1024x2xf32>
    %abs3A = math.absf %add3A_96 : vector<1024x2xf32>
    %neg3A = arith.constant 0.000000e+00 : f32
    %neg3A_100 = vector.broadcast %neg3A : f32 to vector<1024x2xf32>
    %neg3A_101 = arith.subf %neg3A_100, %abs3A : vector<1024x2xf32>
    %exp3A = math.exp %neg3A_101 : vector<1024x2xf32>
    %log1p3A = math.log1p %exp3A : vector<1024x2xf32>
    %add3A_102 = arith.addf %max3A_99, %log1p3A : vector<1024x2xf32>
    %slice3A = vector.extract_strided_slice %add3A_102 {offsets = [0, 0], sizes = [1024, 1], strides = [1, 1]} : vector<1024x2xf32> to vector<1024x1xf32>
    %add3A_103 = arith.constant 5.000000e-01 : f32
    %add3A_104 = vector.broadcast %add3A_103 : f32 to vector<1024x1xf32>
    %add3A_105 = arith.addf %slice3A, %add3A_104 : vector<1024x1xf32>
    %slice3A_106 = vector.extract_strided_slice %add3A_102 {offsets = [0, 1], sizes = [1024, 1], strides = [1, 1]} : vector<1024x2xf32> to vector<1024x1xf32>
    %add3A_107 = arith.constant 5.000000e-01 : f32
    %add3A_108 = vector.broadcast %add3A_107 : f32 to vector<1024x1xf32>
    %add3A_109 = arith.addf %slice3A_106, %add3A_108 : vector<1024x1xf32>
    %iota3A_110 = tpu.iota {dimensions = array<i32: 0>} : vector<1024x1xi32>
    %jit3A_111 = arith.constant 32 : i32
    %eq3A_112 = arith.constant 0 : i32
    %eq3A_113 = arith.cmpi eq, %jit3A_111, %eq3A_112 : i32
    %jit3A_114 = arith.constant 1 : i32
    %select_n3A_115 = arith.select %eq3A_113, %jit3A_114, %jit3A_111 : i32
    %rem3A = vector.broadcast %select_n3A_115 : i32 to vector<1024x1xi32>
    %rem3A_116 = arith.remsi %iota3A_110, %rem3A : vector<1024x1xi32>
    %ne3A = arith.constant 0 : i32
    %ne3A_117 = vector.broadcast %ne3A : i32 to vector<1024x1xi32>
    %ne3A_118 = arith.cmpi ne, %rem3A_116, %ne3A_117 : vector<1024x1xi32>
    %lt3A = arith.constant 0 : i32
    %lt3A_119 = vector.broadcast %lt3A : i32 to vector<1024x1xi32>
    %lt3A_120 = arith.cmpi slt, %rem3A_116, %lt3A_119 : vector<1024x1xi32>
    %lt3A_121 = arith.constant 0 : i32
    %lt3A_122 = arith.cmpi slt, %select_n3A_115, %lt3A_121 : i32
    %ne3A_123 = vector.broadcast %lt3A_122 : i1 to vector<1024x1xi1>
    %ne3A_124 = vector.broadcast %ne3A_123 : vector<1024x1xi1> to vector<1024x1xi1>
    %ne3A_125 = arith.xori %lt3A_120, %ne3A_124 : vector<1024x1xi1>
    %and3A = arith.andi %ne3A_125, %ne3A_118 : vector<1024x1xi1>
    %add3A_126 = vector.broadcast %select_n3A_115 : i32 to vector<1024x1xi32>
    %add3A_127 = arith.addi %rem3A_116, %add3A_126 : vector<1024x1xi32>
    %select_n3A_128 = arith.select %and3A, %add3A_127, %rem3A_116 : vector<1024x1xi1>, vector<1024x1xi32>
    %convert_element_type3A = arith.sitofp %select_n3A_128 : vector<1024x1xi32> to vector<1024x1xf32>
    %jit3A_129 = arith.constant 32 : i32
    %div3A = vector.broadcast %jit3A_129 : i32 to vector<1024x1xi32>
    %div3A_130 = arith.divsi %iota3A_110, %div3A : vector<1024x1xi32>
    %sign3A = arith.constant 0 : i32
    %sign3A_131 = vector.broadcast %sign3A : i32 to vector<1024x1xi32>
    %sign3A_132 = arith.cmpi sgt, %iota3A_110, %sign3A_131 : vector<1024x1xi32>
    %sign3A_133 = arith.extui %sign3A_132 : vector<1024x1xi1> to vector<1024x1xi32>
    %sign3A_134 = arith.constant 0 : i32
    %sign3A_135 = vector.broadcast %sign3A_134 : i32 to vector<1024x1xi32>
    %sign3A_136 = arith.cmpi slt, %iota3A_110, %sign3A_135 : vector<1024x1xi32>
    %sign3A_137 = arith.extui %sign3A_136 : vector<1024x1xi1> to vector<1024x1xi32>
    %sign3A_138 = arith.subi %sign3A_133, %sign3A_137 : vector<1024x1xi32>
    %sign3A_139 = arith.constant 0 : i32
    %sign3A_140 = arith.cmpi sgt, %jit3A_129, %sign3A_139 : i32
    %sign3A_141 = arith.extui %sign3A_140 : i1 to i32
    %sign3A_142 = arith.constant 0 : i32
    %sign3A_143 = arith.cmpi slt, %jit3A_129, %sign3A_142 : i32
    %sign3A_144 = arith.extui %sign3A_143 : i1 to i32
    %sign3A_145 = arith.subi %sign3A_141, %sign3A_144 : i32
    %ne3A_146 = vector.broadcast %sign3A_145 : i32 to vector<1024x1xi32>
    %ne3A_147 = arith.cmpi ne, %sign3A_138, %ne3A_146 : vector<1024x1xi32>
    %rem3A_148 = vector.broadcast %jit3A_129 : i32 to vector<1024x1xi32>
    %rem3A_149 = arith.remsi %iota3A_110, %rem3A_148 : vector<1024x1xi32>
    %ne3A_150 = arith.constant 0 : i32
    %ne3A_151 = vector.broadcast %ne3A_150 : i32 to vector<1024x1xi32>
    %ne3A_152 = arith.cmpi ne, %rem3A_149, %ne3A_151 : vector<1024x1xi32>
    %and3A_153 = arith.andi %ne3A_147, %ne3A_152 : vector<1024x1xi1>
    %sub3A = arith.constant 1 : i32
    %sub3A_154 = vector.broadcast %sub3A : i32 to vector<1024x1xi32>
    %sub3A_155 = arith.subi %div3A_130, %sub3A_154 : vector<1024x1xi32>
    %select_n3A_156 = arith.select %and3A_153, %sub3A_155, %div3A_130 : vector<1024x1xi1>, vector<1024x1xi32>
    %convert_element_type3A_157 = arith.sitofp %select_n3A_156 : vector<1024x1xi32> to vector<1024x1xf32>
    %iota3A_158 = tpu.iota {dimensions = array<i32: 1>} : vector<1024x32xi32>
    %convert_element_type3A_159 = arith.sitofp %iota3A_158 : vector<1024x32xi32> to vector<1024x32xf32>
    %sub3A_160 = vector.broadcast %convert_element_type3A : vector<1024x1xf32> to vector<1024x32xf32>
    %sub3A_161 = arith.subf %convert_element_type3A_159, %sub3A_160 : vector<1024x32xf32>
    %div3A_162 = vector.broadcast %add3A_105 : vector<1024x1xf32> to vector<1024x32xf32>
    %div3A_163 = arith.divf %sub3A_161, %div3A_162 : vector<1024x32xf32>
    %integer_pow3A = arith.mulf %div3A_163, %div3A_163 : vector<1024x32xf32>
    %mul3A_164 = arith.constant -5.000000e-01 : f32
    %mul3A_165 = vector.broadcast %mul3A_164 : f32 to vector<1024x32xf32>
    %mul3A_166 = arith.mulf %mul3A_165, %integer_pow3A : vector<1024x32xf32>
    %exp3A_167 = math.exp %mul3A_166 : vector<1024x32xf32>
    %sub3A_168 = vector.broadcast %convert_element_type3A_157 : vector<1024x1xf32> to vector<1024x32xf32>
    %sub3A_169 = arith.subf %convert_element_type3A_159, %sub3A_168 : vector<1024x32xf32>
    %div3A_170 = vector.broadcast %add3A_109 : vector<1024x1xf32> to vector<1024x32xf32>
    %div3A_171 = arith.divf %sub3A_169, %div3A_170 : vector<1024x32xf32>
    %integer_pow3A_172 = arith.mulf %div3A_171, %div3A_171 : vector<1024x32xf32>
    %mul3A_173 = arith.constant -5.000000e-01 : f32
    %mul3A_174 = vector.broadcast %mul3A_173 : f32 to vector<1024x32xf32>
    %mul3A_175 = arith.mulf %mul3A_174, %integer_pow3A_172 : vector<1024x32xf32>
    %exp3A_176 = math.exp %mul3A_175 : vector<1024x32xf32>
    %reduce_sum3A = arith.constant dense<0.000000e+00> : vector<1024xf32>
    %reduce_sum3A_177 = vector.multi_reduction <add>, %exp3A_167, %reduce_sum3A [1] : vector<1024x32xf32> to vector<1024xf32>
    %broadcast_in_dim3A_178 = vector.shape_cast %reduce_sum3A_177 : vector<1024xf32> to vector<1024x1xf32>
    %reduce_sum3A_179 = arith.constant dense<0.000000e+00> : vector<1024xf32>
    %reduce_sum3A_180 = vector.multi_reduction <add>, %exp3A_176, %reduce_sum3A_179 [1] : vector<1024x32xf32> to vector<1024xf32>
    %broadcast_in_dim3A_181 = vector.shape_cast %reduce_sum3A_180 : vector<1024xf32> to vector<1024x1xf32>
    %mul3A_182 = arith.mulf %broadcast_in_dim3A_178, %broadcast_in_dim3A_181 : vector<1024x1xf32>
    %add3A_183 = arith.constant 9.99999997E-7 : f32
    %add3A_184 = vector.broadcast %add3A_183 : f32 to vector<1024x1xf32>
    %add3A_185 = arith.addf %mul3A_182, %add3A_184 : vector<1024x1xf32>
    %broadcast_in_dim3A_186 = vector.shape_cast %reduce_min3A_27 : vector<1024xi32> to vector<1024x1xi32>
    %jit3A_187 = arith.constant 32 : i32
    %eq3A_188 = arith.constant 0 : i32
    %eq3A_189 = arith.cmpi eq, %jit3A_187, %eq3A_188 : i32
    %jit3A_190 = arith.constant 1 : i32
    %select_n3A_191 = arith.select %eq3A_189, %jit3A_190, %jit3A_187 : i32
    %rem3A_192 = vector.broadcast %select_n3A_191 : i32 to vector<1024x1xi32>
    %rem3A_193 = arith.remsi %broadcast_in_dim3A_186, %rem3A_192 : vector<1024x1xi32>
    %ne3A_194 = arith.constant 0 : i32
    %ne3A_195 = vector.broadcast %ne3A_194 : i32 to vector<1024x1xi32>
    %ne3A_196 = arith.cmpi ne, %rem3A_193, %ne3A_195 : vector<1024x1xi32>
    %lt3A_197 = arith.constant 0 : i32
    %lt3A_198 = vector.broadcast %lt3A_197 : i32 to vector<1024x1xi32>
    %lt3A_199 = arith.cmpi slt, %rem3A_193, %lt3A_198 : vector<1024x1xi32>
    %lt3A_200 = arith.constant 0 : i32
    %lt3A_201 = arith.cmpi slt, %select_n3A_191, %lt3A_200 : i32
    %ne3A_202 = vector.broadcast %lt3A_201 : i1 to vector<1024x1xi1>
    %ne3A_203 = vector.broadcast %ne3A_202 : vector<1024x1xi1> to vector<1024x1xi1>
    %ne3A_204 = arith.xori %lt3A_199, %ne3A_203 : vector<1024x1xi1>
    %and3A_205 = arith.andi %ne3A_204, %ne3A_196 : vector<1024x1xi1>
    %add3A_206 = vector.broadcast %select_n3A_191 : i32 to vector<1024x1xi32>
    %add3A_207 = arith.addi %rem3A_193, %add3A_206 : vector<1024x1xi32>
    %select_n3A_208 = arith.select %and3A_205, %add3A_207, %rem3A_193 : vector<1024x1xi1>, vector<1024x1xi32>
    %convert_element_type3A_209 = arith.sitofp %select_n3A_208 : vector<1024x1xi32> to vector<1024x1xf32>
    %jit3A_210 = arith.constant 32 : i32
    %div3A_211 = vector.broadcast %jit3A_210 : i32 to vector<1024x1xi32>
    %div3A_212 = arith.divsi %broadcast_in_dim3A_186, %div3A_211 : vector<1024x1xi32>
    %sign3A_213 = arith.constant 0 : i32
    %sign3A_214 = vector.broadcast %sign3A_213 : i32 to vector<1024x1xi32>
    %sign3A_215 = arith.cmpi sgt, %broadcast_in_dim3A_186, %sign3A_214 : vector<1024x1xi32>
    %sign3A_216 = arith.extui %sign3A_215 : vector<1024x1xi1> to vector<1024x1xi32>
    %sign3A_217 = arith.constant 0 : i32
    %sign3A_218 = vector.broadcast %sign3A_217 : i32 to vector<1024x1xi32>
    %sign3A_219 = arith.cmpi slt, %broadcast_in_dim3A_186, %sign3A_218 : vector<1024x1xi32>
    %sign3A_220 = arith.extui %sign3A_219 : vector<1024x1xi1> to vector<1024x1xi32>
    %sign3A_221 = arith.subi %sign3A_216, %sign3A_220 : vector<1024x1xi32>
    %sign3A_222 = arith.constant 0 : i32
    %sign3A_223 = arith.cmpi sgt, %jit3A_210, %sign3A_222 : i32
    %sign3A_224 = arith.extui %sign3A_223 : i1 to i32
    %sign3A_225 = arith.constant 0 : i32
    %sign3A_226 = arith.cmpi slt, %jit3A_210, %sign3A_225 : i32
    %sign3A_227 = arith.extui %sign3A_226 : i1 to i32
    %sign3A_228 = arith.subi %sign3A_224, %sign3A_227 : i32
    %ne3A_229 = vector.broadcast %sign3A_228 : i32 to vector<1024x1xi32>
    %ne3A_230 = arith.cmpi ne, %sign3A_221, %ne3A_229 : vector<1024x1xi32>
    %rem3A_231 = vector.broadcast %jit3A_210 : i32 to vector<1024x1xi32>
    %rem3A_232 = arith.remsi %broadcast_in_dim3A_186, %rem3A_231 : vector<1024x1xi32>
    %ne3A_233 = arith.constant 0 : i32
    %ne3A_234 = vector.broadcast %ne3A_233 : i32 to vector<1024x1xi32>
    %ne3A_235 = arith.cmpi ne, %rem3A_232, %ne3A_234 : vector<1024x1xi32>
    %and3A_236 = arith.andi %ne3A_230, %ne3A_235 : vector<1024x1xi1>
    %sub3A_237 = arith.constant 1 : i32
    %sub3A_238 = vector.broadcast %sub3A_237 : i32 to vector<1024x1xi32>
    %sub3A_239 = arith.subi %div3A_212, %sub3A_238 : vector<1024x1xi32>
    %select_n3A_240 = arith.select %and3A_236, %sub3A_239, %div3A_212 : vector<1024x1xi1>, vector<1024x1xi32>
    %convert_element_type3A_241 = arith.sitofp %select_n3A_240 : vector<1024x1xi32> to vector<1024x1xf32>
    %sub3A_242 = arith.subf %convert_element_type3A_209, %convert_element_type3A : vector<1024x1xf32>
    %div3A_243 = arith.divf %sub3A_242, %add3A_105 : vector<1024x1xf32>
    %integer_pow3A_244 = arith.mulf %div3A_243, %div3A_243 : vector<1024x1xf32>
    %sub3A_245 = arith.subf %convert_element_type3A_241, %convert_element_type3A_157 : vector<1024x1xf32>
    %div3A_246 = arith.divf %sub3A_245, %add3A_109 : vector<1024x1xf32>
    %integer_pow3A_247 = arith.mulf %div3A_246, %div3A_246 : vector<1024x1xf32>
    %add3A_248 = arith.addf %integer_pow3A_244, %integer_pow3A_247 : vector<1024x1xf32>
    %mul3A_249 = arith.constant -5.000000e-01 : f32
    %mul3A_250 = vector.broadcast %mul3A_249 : f32 to vector<1024x1xf32>
    %mul3A_251 = arith.mulf %mul3A_250, %add3A_248 : vector<1024x1xf32>
    %exp3A_252 = math.exp %mul3A_251 : vector<1024x1xf32>
    %div3A_253 = arith.divf %exp3A_252, %add3A_185 : vector<1024x1xf32>
    %broadcast_in_dim3A_254 = vector.shape_cast %reduce_min3A_42 : vector<1024xi32> to vector<1024x1xi32>
    %jit3A_255 = arith.constant 32 : i32
    %eq3A_256 = arith.constant 0 : i32
    %eq3A_257 = arith.cmpi eq, %jit3A_255, %eq3A_256 : i32
    %jit3A_258 = arith.constant 1 : i32
    %select_n3A_259 = arith.select %eq3A_257, %jit3A_258, %jit3A_255 : i32
    %rem3A_260 = vector.broadcast %select_n3A_259 : i32 to vector<1024x1xi32>
    %rem3A_261 = arith.remsi %broadcast_in_dim3A_254, %rem3A_260 : vector<1024x1xi32>
    %ne3A_262 = arith.constant 0 : i32
    %ne3A_263 = vector.broadcast %ne3A_262 : i32 to vector<1024x1xi32>
    %ne3A_264 = arith.cmpi ne, %rem3A_261, %ne3A_263 : vector<1024x1xi32>
    %lt3A_265 = arith.constant 0 : i32
    %lt3A_266 = vector.broadcast %lt3A_265 : i32 to vector<1024x1xi32>
    %lt3A_267 = arith.cmpi slt, %rem3A_261, %lt3A_266 : vector<1024x1xi32>
    %lt3A_268 = arith.constant 0 : i32
    %lt3A_269 = arith.cmpi slt, %select_n3A_259, %lt3A_268 : i32
    %ne3A_270 = vector.broadcast %lt3A_269 : i1 to vector<1024x1xi1>
    %ne3A_271 = vector.broadcast %ne3A_270 : vector<1024x1xi1> to vector<1024x1xi1>
    %ne3A_272 = arith.xori %lt3A_267, %ne3A_271 : vector<1024x1xi1>
    %and3A_273 = arith.andi %ne3A_272, %ne3A_264 : vector<1024x1xi1>
    %add3A_274 = vector.broadcast %select_n3A_259 : i32 to vector<1024x1xi32>
    %add3A_275 = arith.addi %rem3A_261, %add3A_274 : vector<1024x1xi32>
    %select_n3A_276 = arith.select %and3A_273, %add3A_275, %rem3A_261 : vector<1024x1xi1>, vector<1024x1xi32>
    %convert_element_type3A_277 = arith.sitofp %select_n3A_276 : vector<1024x1xi32> to vector<1024x1xf32>
    %jit3A_278 = arith.constant 32 : i32
    %div3A_279 = vector.broadcast %jit3A_278 : i32 to vector<1024x1xi32>
    %div3A_280 = arith.divsi %broadcast_in_dim3A_254, %div3A_279 : vector<1024x1xi32>
    %sign3A_281 = arith.constant 0 : i32
    %sign3A_282 = vector.broadcast %sign3A_281 : i32 to vector<1024x1xi32>
    %sign3A_283 = arith.cmpi sgt, %broadcast_in_dim3A_254, %sign3A_282 : vector<1024x1xi32>
    %sign3A_284 = arith.extui %sign3A_283 : vector<1024x1xi1> to vector<1024x1xi32>
    %sign3A_285 = arith.constant 0 : i32
    %sign3A_286 = vector.broadcast %sign3A_285 : i32 to vector<1024x1xi32>
    %sign3A_287 = arith.cmpi slt, %broadcast_in_dim3A_254, %sign3A_286 : vector<1024x1xi32>
    %sign3A_288 = arith.extui %sign3A_287 : vector<1024x1xi1> to vector<1024x1xi32>
    %sign3A_289 = arith.subi %sign3A_284, %sign3A_288 : vector<1024x1xi32>
    %sign3A_290 = arith.constant 0 : i32
    %sign3A_291 = arith.cmpi sgt, %jit3A_278, %sign3A_290 : i32
    %sign3A_292 = arith.extui %sign3A_291 : i1 to i32
    %sign3A_293 = arith.constant 0 : i32
    %sign3A_294 = arith.cmpi slt, %jit3A_278, %sign3A_293 : i32
    %sign3A_295 = arith.extui %sign3A_294 : i1 to i32
    %sign3A_296 = arith.subi %sign3A_292, %sign3A_295 : i32
    %ne3A_297 = vector.broadcast %sign3A_296 : i32 to vector<1024x1xi32>
    %ne3A_298 = arith.cmpi ne, %sign3A_289, %ne3A_297 : vector<1024x1xi32>
    %rem3A_299 = vector.broadcast %jit3A_278 : i32 to vector<1024x1xi32>
    %rem3A_300 = arith.remsi %broadcast_in_dim3A_254, %rem3A_299 : vector<1024x1xi32>
    %ne3A_301 = arith.constant 0 : i32
    %ne3A_302 = vector.broadcast %ne3A_301 : i32 to vector<1024x1xi32>
    %ne3A_303 = arith.cmpi ne, %rem3A_300, %ne3A_302 : vector<1024x1xi32>
    %and3A_304 = arith.andi %ne3A_298, %ne3A_303 : vector<1024x1xi1>
    %sub3A_305 = arith.constant 1 : i32
    %sub3A_306 = vector.broadcast %sub3A_305 : i32 to vector<1024x1xi32>
    %sub3A_307 = arith.subi %div3A_280, %sub3A_306 : vector<1024x1xi32>
    %select_n3A_308 = arith.select %and3A_304, %sub3A_307, %div3A_280 : vector<1024x1xi1>, vector<1024x1xi32>
    %convert_element_type3A_309 = arith.sitofp %select_n3A_308 : vector<1024x1xi32> to vector<1024x1xf32>
    %sub3A_310 = arith.subf %convert_element_type3A_277, %convert_element_type3A : vector<1024x1xf32>
    %div3A_311 = arith.divf %sub3A_310, %add3A_105 : vector<1024x1xf32>
    %integer_pow3A_312 = arith.mulf %div3A_311, %div3A_311 : vector<1024x1xf32>
    %sub3A_313 = arith.subf %convert_element_type3A_309, %convert_element_type3A_157 : vector<1024x1xf32>
    %div3A_314 = arith.divf %sub3A_313, %add3A_109 : vector<1024x1xf32>
    %integer_pow3A_315 = arith.mulf %div3A_314, %div3A_314 : vector<1024x1xf32>
    %add3A_316 = arith.addf %integer_pow3A_312, %integer_pow3A_315 : vector<1024x1xf32>
    %mul3A_317 = arith.constant -5.000000e-01 : f32
    %mul3A_318 = vector.broadcast %mul3A_317 : f32 to vector<1024x1xf32>
    %mul3A_319 = arith.mulf %mul3A_318, %add3A_316 : vector<1024x1xf32>
    %exp3A_320 = math.exp %mul3A_319 : vector<1024x1xf32>
    %div3A_321 = arith.divf %exp3A_320, %add3A_185 : vector<1024x1xf32>
    %broadcast_in_dim3A_322 = vector.shape_cast %reduce_min3A_58 : vector<1024xi32> to vector<1024x1xi32>
    %jit3A_323 = arith.constant 32 : i32
    %eq3A_324 = arith.constant 0 : i32
    %eq3A_325 = arith.cmpi eq, %jit3A_323, %eq3A_324 : i32
    %jit3A_326 = arith.constant 1 : i32
    %select_n3A_327 = arith.select %eq3A_325, %jit3A_326, %jit3A_323 : i32
    %rem3A_328 = vector.broadcast %select_n3A_327 : i32 to vector<1024x1xi32>
    %rem3A_329 = arith.remsi %broadcast_in_dim3A_322, %rem3A_328 : vector<1024x1xi32>
    %ne3A_330 = arith.constant 0 : i32
    %ne3A_331 = vector.broadcast %ne3A_330 : i32 to vector<1024x1xi32>
    %ne3A_332 = arith.cmpi ne, %rem3A_329, %ne3A_331 : vector<1024x1xi32>
    %lt3A_333 = arith.constant 0 : i32
    %lt3A_334 = vector.broadcast %lt3A_333 : i32 to vector<1024x1xi32>
    %lt3A_335 = arith.cmpi slt, %rem3A_329, %lt3A_334 : vector<1024x1xi32>
    %lt3A_336 = arith.constant 0 : i32
    %lt3A_337 = arith.cmpi slt, %select_n3A_327, %lt3A_336 : i32
    %ne3A_338 = vector.broadcast %lt3A_337 : i1 to vector<1024x1xi1>
    %ne3A_339 = vector.broadcast %ne3A_338 : vector<1024x1xi1> to vector<1024x1xi1>
    %ne3A_340 = arith.xori %lt3A_335, %ne3A_339 : vector<1024x1xi1>
    %and3A_341 = arith.andi %ne3A_340, %ne3A_332 : vector<1024x1xi1>
    %add3A_342 = vector.broadcast %select_n3A_327 : i32 to vector<1024x1xi32>
    %add3A_343 = arith.addi %rem3A_329, %add3A_342 : vector<1024x1xi32>
    %select_n3A_344 = arith.select %and3A_341, %add3A_343, %rem3A_329 : vector<1024x1xi1>, vector<1024x1xi32>
    %convert_element_type3A_345 = arith.sitofp %select_n3A_344 : vector<1024x1xi32> to vector<1024x1xf32>
    %jit3A_346 = arith.constant 32 : i32
    %div3A_347 = vector.broadcast %jit3A_346 : i32 to vector<1024x1xi32>
    %div3A_348 = arith.divsi %broadcast_in_dim3A_322, %div3A_347 : vector<1024x1xi32>
    %sign3A_349 = arith.constant 0 : i32
    %sign3A_350 = vector.broadcast %sign3A_349 : i32 to vector<1024x1xi32>
    %sign3A_351 = arith.cmpi sgt, %broadcast_in_dim3A_322, %sign3A_350 : vector<1024x1xi32>
    %sign3A_352 = arith.extui %sign3A_351 : vector<1024x1xi1> to vector<1024x1xi32>
    %sign3A_353 = arith.constant 0 : i32
    %sign3A_354 = vector.broadcast %sign3A_353 : i32 to vector<1024x1xi32>
    %sign3A_355 = arith.cmpi slt, %broadcast_in_dim3A_322, %sign3A_354 : vector<1024x1xi32>
    %sign3A_356 = arith.extui %sign3A_355 : vector<1024x1xi1> to vector<1024x1xi32>
    %sign3A_357 = arith.subi %sign3A_352, %sign3A_356 : vector<1024x1xi32>
    %sign3A_358 = arith.constant 0 : i32
    %sign3A_359 = arith.cmpi sgt, %jit3A_346, %sign3A_358 : i32
    %sign3A_360 = arith.extui %sign3A_359 : i1 to i32
    %sign3A_361 = arith.constant 0 : i32
    %sign3A_362 = arith.cmpi slt, %jit3A_346, %sign3A_361 : i32
    %sign3A_363 = arith.extui %sign3A_362 : i1 to i32
    %sign3A_364 = arith.subi %sign3A_360, %sign3A_363 : i32
    %ne3A_365 = vector.broadcast %sign3A_364 : i32 to vector<1024x1xi32>
    %ne3A_366 = arith.cmpi ne, %sign3A_357, %ne3A_365 : vector<1024x1xi32>
    %rem3A_367 = vector.broadcast %jit3A_346 : i32 to vector<1024x1xi32>
    %rem3A_368 = arith.remsi %broadcast_in_dim3A_322, %rem3A_367 : vector<1024x1xi32>
    %ne3A_369 = arith.constant 0 : i32
    %ne3A_370 = vector.broadcast %ne3A_369 : i32 to vector<1024x1xi32>
    %ne3A_371 = arith.cmpi ne, %rem3A_368, %ne3A_370 : vector<1024x1xi32>
    %and3A_372 = arith.andi %ne3A_366, %ne3A_371 : vector<1024x1xi1>
    %sub3A_373 = arith.constant 1 : i32
    %sub3A_374 = vector.broadcast %sub3A_373 : i32 to vector<1024x1xi32>
    %sub3A_375 = arith.subi %div3A_348, %sub3A_374 : vector<1024x1xi32>
    %select_n3A_376 = arith.select %and3A_372, %sub3A_375, %div3A_348 : vector<1024x1xi1>, vector<1024x1xi32>
    %convert_element_type3A_377 = arith.sitofp %select_n3A_376 : vector<1024x1xi32> to vector<1024x1xf32>
    %sub3A_378 = arith.subf %convert_element_type3A_345, %convert_element_type3A : vector<1024x1xf32>
    %div3A_379 = arith.divf %sub3A_378, %add3A_105 : vector<1024x1xf32>
    %integer_pow3A_380 = arith.mulf %div3A_379, %div3A_379 : vector<1024x1xf32>
    %sub3A_381 = arith.subf %convert_element_type3A_377, %convert_element_type3A_157 : vector<1024x1xf32>
    %div3A_382 = arith.divf %sub3A_381, %add3A_109 : vector<1024x1xf32>
    %integer_pow3A_383 = arith.mulf %div3A_382, %div3A_382 : vector<1024x1xf32>
    %add3A_384 = arith.addf %integer_pow3A_380, %integer_pow3A_383 : vector<1024x1xf32>
    %mul3A_385 = arith.constant -5.000000e-01 : f32
    %mul3A_386 = vector.broadcast %mul3A_385 : f32 to vector<1024x1xf32>
    %mul3A_387 = arith.mulf %mul3A_386, %add3A_384 : vector<1024x1xf32>
    %exp3A_388 = math.exp %mul3A_387 : vector<1024x1xf32>
    %div3A_389 = arith.divf %exp3A_388, %add3A_185 : vector<1024x1xf32>
    %broadcast_in_dim3A_390 = vector.shape_cast %reduce_min3A_74 : vector<1024xi32> to vector<1024x1xi32>
    %jit3A_391 = arith.constant 32 : i32
    %eq3A_392 = arith.constant 0 : i32
    %eq3A_393 = arith.cmpi eq, %jit3A_391, %eq3A_392 : i32
    %jit3A_394 = arith.constant 1 : i32
    %select_n3A_395 = arith.select %eq3A_393, %jit3A_394, %jit3A_391 : i32
    %rem3A_396 = vector.broadcast %select_n3A_395 : i32 to vector<1024x1xi32>
    %rem3A_397 = arith.remsi %broadcast_in_dim3A_390, %rem3A_396 : vector<1024x1xi32>
    %ne3A_398 = arith.constant 0 : i32
    %ne3A_399 = vector.broadcast %ne3A_398 : i32 to vector<1024x1xi32>
    %ne3A_400 = arith.cmpi ne, %rem3A_397, %ne3A_399 : vector<1024x1xi32>
    %lt3A_401 = arith.constant 0 : i32
    %lt3A_402 = vector.broadcast %lt3A_401 : i32 to vector<1024x1xi32>
    %lt3A_403 = arith.cmpi slt, %rem3A_397, %lt3A_402 : vector<1024x1xi32>
    %lt3A_404 = arith.constant 0 : i32
    %lt3A_405 = arith.cmpi slt, %select_n3A_395, %lt3A_404 : i32
    %ne3A_406 = vector.broadcast %lt3A_405 : i1 to vector<1024x1xi1>
    %ne3A_407 = vector.broadcast %ne3A_406 : vector<1024x1xi1> to vector<1024x1xi1>
    %ne3A_408 = arith.xori %lt3A_403, %ne3A_407 : vector<1024x1xi1>
    %and3A_409 = arith.andi %ne3A_408, %ne3A_400 : vector<1024x1xi1>
    %add3A_410 = vector.broadcast %select_n3A_395 : i32 to vector<1024x1xi32>
    %add3A_411 = arith.addi %rem3A_397, %add3A_410 : vector<1024x1xi32>
    %select_n3A_412 = arith.select %and3A_409, %add3A_411, %rem3A_397 : vector<1024x1xi1>, vector<1024x1xi32>
    %convert_element_type3A_413 = arith.sitofp %select_n3A_412 : vector<1024x1xi32> to vector<1024x1xf32>
    %jit3A_414 = arith.constant 32 : i32
    %div3A_415 = vector.broadcast %jit3A_414 : i32 to vector<1024x1xi32>
    %div3A_416 = arith.divsi %broadcast_in_dim3A_390, %div3A_415 : vector<1024x1xi32>
    %sign3A_417 = arith.constant 0 : i32
    %sign3A_418 = vector.broadcast %sign3A_417 : i32 to vector<1024x1xi32>
    %sign3A_419 = arith.cmpi sgt, %broadcast_in_dim3A_390, %sign3A_418 : vector<1024x1xi32>
    %sign3A_420 = arith.extui %sign3A_419 : vector<1024x1xi1> to vector<1024x1xi32>
    %sign3A_421 = arith.constant 0 : i32
    %sign3A_422 = vector.broadcast %sign3A_421 : i32 to vector<1024x1xi32>
    %sign3A_423 = arith.cmpi slt, %broadcast_in_dim3A_390, %sign3A_422 : vector<1024x1xi32>
    %sign3A_424 = arith.extui %sign3A_423 : vector<1024x1xi1> to vector<1024x1xi32>
    %sign3A_425 = arith.subi %sign3A_420, %sign3A_424 : vector<1024x1xi32>
    %sign3A_426 = arith.constant 0 : i32
    %sign3A_427 = arith.cmpi sgt, %jit3A_414, %sign3A_426 : i32
    %sign3A_428 = arith.extui %sign3A_427 : i1 to i32
    %sign3A_429 = arith.constant 0 : i32
    %sign3A_430 = arith.cmpi slt, %jit3A_414, %sign3A_429 : i32
    %sign3A_431 = arith.extui %sign3A_430 : i1 to i32
    %sign3A_432 = arith.subi %sign3A_428, %sign3A_431 : i32
    %ne3A_433 = vector.broadcast %sign3A_432 : i32 to vector<1024x1xi32>
    %ne3A_434 = arith.cmpi ne, %sign3A_425, %ne3A_433 : vector<1024x1xi32>
    %rem3A_435 = vector.broadcast %jit3A_414 : i32 to vector<1024x1xi32>
    %rem3A_436 = arith.remsi %broadcast_in_dim3A_390, %rem3A_435 : vector<1024x1xi32>
    %ne3A_437 = arith.constant 0 : i32
    %ne3A_438 = vector.broadcast %ne3A_437 : i32 to vector<1024x1xi32>
    %ne3A_439 = arith.cmpi ne, %rem3A_436, %ne3A_438 : vector<1024x1xi32>
    %and3A_440 = arith.andi %ne3A_434, %ne3A_439 : vector<1024x1xi1>
    %sub3A_441 = arith.constant 1 : i32
    %sub3A_442 = vector.broadcast %sub3A_441 : i32 to vector<1024x1xi32>
    %sub3A_443 = arith.subi %div3A_416, %sub3A_442 : vector<1024x1xi32>
    %select_n3A_444 = arith.select %and3A_440, %sub3A_443, %div3A_416 : vector<1024x1xi1>, vector<1024x1xi32>
    %convert_element_type3A_445 = arith.sitofp %select_n3A_444 : vector<1024x1xi32> to vector<1024x1xf32>
    %sub3A_446 = arith.subf %convert_element_type3A_413, %convert_element_type3A : vector<1024x1xf32>
    %div3A_447 = arith.divf %sub3A_446, %add3A_105 : vector<1024x1xf32>
    %integer_pow3A_448 = arith.mulf %div3A_447, %div3A_447 : vector<1024x1xf32>
    %sub3A_449 = arith.subf %convert_element_type3A_445, %convert_element_type3A_157 : vector<1024x1xf32>
    %div3A_450 = arith.divf %sub3A_449, %add3A_109 : vector<1024x1xf32>
    %integer_pow3A_451 = arith.mulf %div3A_450, %div3A_450 : vector<1024x1xf32>
    %add3A_452 = arith.addf %integer_pow3A_448, %integer_pow3A_451 : vector<1024x1xf32>
    %mul3A_453 = arith.constant -5.000000e-01 : f32
    %mul3A_454 = vector.broadcast %mul3A_453 : f32 to vector<1024x1xf32>
    %mul3A_455 = arith.mulf %mul3A_454, %add3A_452 : vector<1024x1xf32>
    %exp3A_456 = math.exp %mul3A_455 : vector<1024x1xf32>
    %div3A_457 = arith.divf %exp3A_456, %add3A_185 : vector<1024x1xf32>
    %broadcast_in_dim3A_458 = vector.shape_cast %reduce_min3A_27 : vector<1024xi32> to vector<1024x1xi32>
    %broadcast_in_dim3A_459 = vector.shape_cast %reduce_min3A_42 : vector<1024xi32> to vector<1024x1xi32>
    %broadcast_in_dim3A_460 = vector.shape_cast %reduce_min3A_58 : vector<1024xi32> to vector<1024x1xi32>
    %broadcast_in_dim3A_461 = vector.shape_cast %reduce_min3A_74 : vector<1024xi32> to vector<1024x1xi32>
    %concatenate3A = tpu.concatenate %broadcast_in_dim3A_458, %broadcast_in_dim3A_459, %broadcast_in_dim3A_460, %broadcast_in_dim3A_461 in 1 : vector<1024x1xi32>, vector<1024x1xi32>, vector<1024x1xi32>, vector<1024x1xi32> -> vector<1024x4xi32>
    %swap3A = arith.constant 0 : index
    %swap3A_462 = arith.constant 0 : index
    %swap3A_463 = vector.load %arg10[%swap3A, %swap3A_462] : memref<1024x4xi32, #tpu.memory_space<vmem>>, vector<1024x4xi32>
    tpu.vector_store %arg10[%swap3A, %swap3A_462], %concatenate3A {strides = array<i32>} : memref<1024x4xi32, #tpu.memory_space<vmem>>, vector<1024x4xi32>,
    %concatenate3A_464 = tpu.concatenate %div3A_253, %div3A_321, %div3A_389, %div3A_457 in 1 : vector<1024x1xf32>, vector<1024x1xf32>, vector<1024x1xf32>, vector<1024x1xf32> -> vector<1024x4xf32>
    %swap3A_465 = arith.constant 0 : index
    %swap3A_466 = arith.constant 0 : index
    %swap3A_467 = vector.load %arg11[%swap3A_465, %swap3A_466] : memref<1024x4xf32, #tpu.memory_space<vmem>>, vector<1024x4xf32>
    tpu.vector_store %arg11[%swap3A_465, %swap3A_466], %concatenate3A_464 {strides = array<i32>} : memref<1024x4xf32, #tpu.memory_space<vmem>>, vector<1024x4xf32>,
    return
  }
  func.func @transform_0(%arg0: i32) -> (i32, i32) {
    %c0_i32 = arith.constant 0 : i32
    %c0_i32_0 = arith.constant 0 : i32
    %c0_i32_1 = arith.constant 0 : i32
    return %c0_i32, %c0_i32_0 : i32, i32
  }
  func.func @transform_1(%arg0: i32) -> (i32, i32) {
    %c0_i32 = arith.constant 0 : i32
    %c0_i32_0 = arith.constant 0 : i32
    %c0_i32_1 = arith.constant 0 : i32
    return %c0_i32, %c0_i32_0 : i32, i32
  }
  func.func @transform_2(%arg0: i32) -> (i32, i32) {
    %c0_i32 = arith.constant 0 : i32
    %c0_i32_0 = arith.constant 0 : i32
    %c0_i32_1 = arith.constant 0 : i32
    return %c0_i32, %c0_i32_0 : i32, i32
  }
  func.func @transform_3(%arg0: i32) -> (i32, i32) {
    %c0_i32 = arith.constant 0 : i32
    %c0_i32_0 = arith.constant 0 : i32
    %c0_i32_1 = arith.constant 0 : i32
    return %c0_i32, %c0_i32_0 : i32, i32
  }
  func.func @transform_4(%arg0: i32) -> (i32, i32) {
    %c0_i32 = arith.constant 0 : i32
    %c0_i32_0 = arith.constant 0 : i32
    %c0_i32_1 = arith.constant 0 : i32
    return %c0_i32, %c0_i32_0 : i32, i32
  }
  func.func @transform_5(%arg0: i32) -> (i32, i32) {
    %c0_i32 = arith.constant 0 : i32
    %c0_i32_0 = arith.constant 0 : i32
    %c0_i32_1 = arith.constant 0 : i32
    return %c0_i32, %c0_i32_0 : i32, i32
  }
  func.func @transform_6(%arg0: i32) -> (i32, i32) {
    %c0_i32 = arith.constant 0 : i32
    %c0_i32_0 = arith.constant 0 : i32
    %c0_i32_1 = arith.constant 0 : i32
    return %c0_i32, %c0_i32_0 : i32, i32
  }
  func.func @transform_7(%arg0: i32) -> (i32, i32) {
    %c0_i32 = arith.constant 0 : i32
    %c0_i32_0 = arith.constant 0 : i32
    %c0_i32_1 = arith.constant 0 : i32
    return %c0_i32, %c0_i32_0 : i32, i32
  }
  func.func @transform_8(%arg0: i32) -> (i32, i32) {
    %c0_i32 = arith.constant 0 : i32
    %c0_i32_0 = arith.constant 0 : i32
    %c0_i32_1 = arith.constant 0 : i32
    return %c0_i32, %c0_i32_0 : i32, i32
  }
  func.func @transform_9(%arg0: i32) -> (i32, i32) {
    %c0_i32 = arith.constant 0 : i32
    %c0_i32_0 = arith.constant 0 : i32
    %c0_i32_1 = arith.constant 0 : i32
    return %c0_i32, %c0_i32_0 : i32, i32
  }
  func.func @transform_10(%arg0: i32) -> (i32, i32) {
    %c0_i32 = arith.constant 0 : i32
    %c0_i32_0 = arith.constant 0 : i32
    %c0_i32_1 = arith.constant 0 : i32
    return %c0_i32, %c0_i32_0 : i32, i32
  }
}

module attributes {stable_mosaic.version = 14 : i64} {
  func.func @_attn_kernel(%arg0: i32, %arg1: memref<4096xi32, #tpu.memory_space<smem>>, %arg2: memref<4096xf32, #tpu.memory_space<smem>>, %arg3: memref<8x49x192xf32, #tpu.memory_space<vmem>>, %arg4: memref<8x49x192xf32, #tpu.memory_space<vmem>>, %arg5: memref<1x2x49x192xf32, #tpu.memory_space<vmem>>, %arg6: memref<1x2x49x192xf32, #tpu.memory_space<vmem>>, %arg7: memref<1x2x49x192xf32, #tpu.memory_space<vmem>>, %arg8: memref<1x2x49x192xf32, #tpu.memory_space<vmem>>, %arg9: memref<1x2x49x192xf32, #tpu.memory_space<vmem>>, %arg10: memref<1x2x49x192xf32, #tpu.memory_space<vmem>>, %arg11: memref<1x2x49x192xf32, #tpu.memory_space<vmem>>, %arg12: memref<1x2x49x192xf32, #tpu.memory_space<vmem>>, %arg13: memref<1x2x49x192xf32, #tpu.memory_space<vmem>>, %arg14: memref<1x2x49x192xf32, #tpu.memory_space<vmem>>, %arg15: memref<1x2x49x192xf32, #tpu.memory_space<vmem>>, %arg16: memref<1x2x49x192xf32, #tpu.memory_space<vmem>>, %arg17: memref<1x2x49x192xf32, #tpu.memory_space<vmem>>, %arg18: memref<1x2x49x192xf32, #tpu.memory_space<vmem>>, %arg19: memref<1x2x49x192xf32, #tpu.memory_space<vmem>>, %arg20: memref<1x2x49x192xf32, #tpu.memory_space<vmem>>, %arg21: memref<1x2x49x192xf32, #tpu.memory_space<vmem>>, %arg22: memref<1x2x49x192xf32, #tpu.memory_space<vmem>>, %arg23: memref<1x2x49x192xf32, #tpu.memory_space<vmem>>, %arg24: memref<1x2x49x192xf32, #tpu.memory_space<vmem>>, %arg25: memref<1x2x49x192xf32, #tpu.memory_space<vmem>>, %arg26: memref<1x2x49x192xf32, #tpu.memory_space<vmem>>, %arg27: memref<1x2x49x192xf32, #tpu.memory_space<vmem>>, %arg28: memref<1x2x49x192xf32, #tpu.memory_space<vmem>>, %arg29: memref<1x2x49x192xf32, #tpu.memory_space<vmem>>, %arg30: memref<1x2x49x192xf32, #tpu.memory_space<vmem>>, %arg31: memref<1x2x49x192xf32, #tpu.memory_space<vmem>>, %arg32: memref<1x2x49x192xf32, #tpu.memory_space<vmem>>, %arg33: memref<1x2x49x192xf32, #tpu.memory_space<vmem>>, %arg34: memref<1x2x49x192xf32, #tpu.memory_space<vmem>>, %arg35: memref<1x2x49x192xf32, #tpu.memory_space<vmem>>, %arg36: memref<1x2x49x192xf32, #tpu.memory_space<vmem>>, %arg37: memref<192x192xf32, #tpu.memory_space<vmem>>, %arg38: memref<1x192xf32, #tpu.memory_space<vmem>>, %arg39: memref<7x56x192xf32, #tpu.memory_space<vmem>>) attributes {dimension_semantics = [#tpu.dimension_semantics<arbitrary>], iteration_bounds = array<i64: 128>, scalar_prefetch = 2 : i64, scratch_operands = 0 : i64, tpu.core_type = #tpu.core_type<tc>, window_params = [{transform_indices = @transform_0, window_bounds = array<i64: 8, 49, 192>}, {transform_indices = @transform_1, window_bounds = array<i64: 8, 49, 192>}, {transform_indices = @transform_2, window_bounds = array<i64: 1, 2, 49, 192>}, {transform_indices = @transform_3, window_bounds = array<i64: 1, 2, 49, 192>}, {transform_indices = @transform_4, window_bounds = array<i64: 1, 2, 49, 192>}, {transform_indices = @transform_5, window_bounds = array<i64: 1, 2, 49, 192>}, {transform_indices = @transform_6, window_bounds = array<i64: 1, 2, 49, 192>}, {transform_indices = @transform_7, window_bounds = array<i64: 1, 2, 49, 192>}, {transform_indices = @transform_8, window_bounds = array<i64: 1, 2, 49, 192>}, {transform_indices = @transform_9, window_bounds = array<i64: 1, 2, 49, 192>}, {transform_indices = @transform_10, window_bounds = array<i64: 1, 2, 49, 192>}, {transform_indices = @transform_11, window_bounds = array<i64: 1, 2, 49, 192>}, {transform_indices = @transform_12, window_bounds = array<i64: 1, 2, 49, 192>}, {transform_indices = @transform_13, window_bounds = array<i64: 1, 2, 49, 192>}, {transform_indices = @transform_14, window_bounds = array<i64: 1, 2, 49, 192>}, {transform_indices = @transform_15, window_bounds = array<i64: 1, 2, 49, 192>}, {transform_indices = @transform_16, window_bounds = array<i64: 1, 2, 49, 192>}, {transform_indices = @transform_17, window_bounds = array<i64: 1, 2, 49, 192>}, {transform_indices = @transform_18, window_bounds = array<i64: 1, 2, 49, 192>}, {transform_indices = @transform_19, window_bounds = array<i64: 1, 2, 49, 192>}, {transform_indices = @transform_20, window_bounds = array<i64: 1, 2, 49, 192>}, {transform_indices = @transform_21, window_bounds = array<i64: 1, 2, 49, 192>}, {transform_indices = @transform_22, window_bounds = array<i64: 1, 2, 49, 192>}, {transform_indices = @transform_23, window_bounds = array<i64: 1, 2, 49, 192>}, {transform_indices = @transform_24, window_bounds = array<i64: 1, 2, 49, 192>}, {transform_indices = @transform_25, window_bounds = array<i64: 1, 2, 49, 192>}, {transform_indices = @transform_26, window_bounds = array<i64: 1, 2, 49, 192>}, {transform_indices = @transform_27, window_bounds = array<i64: 1, 2, 49, 192>}, {transform_indices = @transform_28, window_bounds = array<i64: 1, 2, 49, 192>}, {transform_indices = @transform_29, window_bounds = array<i64: 1, 2, 49, 192>}, {transform_indices = @transform_30, window_bounds = array<i64: 1, 2, 49, 192>}, {transform_indices = @transform_31, window_bounds = array<i64: 1, 2, 49, 192>}, {transform_indices = @transform_32, window_bounds = array<i64: 1, 2, 49, 192>}, {transform_indices = @transform_33, window_bounds = array<i64: 1, 2, 49, 192>}, {pipeline_mode = #tpu.pipeline_mode<synchronous>, transform_indices = @transform_34, window_bounds = array<i64: 192, 192>}, {pipeline_mode = #tpu.pipeline_mode<synchronous>, transform_indices = @transform_35, window_bounds = array<i64: 1, 192>}, {transform_indices = @transform_36, window_bounds = array<i64: 7, 56, 192>}]} {
    %get3A = arith.constant 0 : index
    %get3A_0 = arith.constant 0 : index
    %get3A_1 = arith.constant 0 : index
    %get3A_2 = vector.load %arg3[%get3A, %get3A_0, %get3A_1] : memref<8x49x192xf32, #tpu.memory_space<vmem>>, vector<1x49x192xf32>
    %get3A_3 = vector.shape_cast %get3A_2 : vector<1x49x192xf32> to vector<49x192xf32>
    %mul3A = arith.constant 8 : i32
    %mul3A_4 = arith.muli %arg0, %mul3A : i32
    %add3A = arith.constant 0 : i32
    %add3A_5 = arith.addi %mul3A_4, %add3A : i32
    %mul3A_6 = arith.constant 4 : i32
    %mul3A_7 = arith.muli %add3A_5, %mul3A_6 : i32
    %add3A_8 = arith.constant 0 : i32
    %add3A_9 = arith.addi %mul3A_7, %add3A_8 : i32
    %get3A_10 = arith.index_cast %add3A_9 : i32 to index
    %get3A_11 = memref.load %arg2[%get3A_10] : memref<4096xf32, #tpu.memory_space<smem>>
    %add3A_12 = arith.constant 1 : i32
    %add3A_13 = arith.addi %mul3A_7, %add3A_12 : i32
    %get3A_14 = arith.index_cast %add3A_13 : i32 to index
    %get3A_15 = memref.load %arg2[%get3A_14] : memref<4096xf32, #tpu.memory_space<smem>>
    %add3A_16 = arith.constant 2 : i32
    %add3A_17 = arith.addi %mul3A_7, %add3A_16 : i32
    %get3A_18 = arith.index_cast %add3A_17 : i32 to index
    %get3A_19 = memref.load %arg2[%get3A_18] : memref<4096xf32, #tpu.memory_space<smem>>
    %add3A_20 = arith.constant 3 : i32
    %add3A_21 = arith.addi %mul3A_7, %add3A_20 : i32
    %get3A_22 = arith.index_cast %add3A_21 : i32 to index
    %get3A_23 = memref.load %arg2[%get3A_22] : memref<4096xf32, #tpu.memory_space<smem>>
    %get3A_24 = arith.constant 0 : index
    %get3A_25 = arith.constant 0 : index
    %get3A_26 = arith.constant 0 : index
    %get3A_27 = arith.constant 0 : index
    %get3A_28 = vector.load %arg5[%get3A_24, %get3A_25, %get3A_26, %get3A_27] : memref<1x2x49x192xf32, #tpu.memory_space<vmem>>, vector<1x1x49x192xf32>
    %get3A_29 = vector.shape_cast %get3A_28 : vector<1x1x49x192xf32> to vector<49x192xf32>
    %mul3A_30 = vector.broadcast %get3A_11 : f32 to vector<49x192xf32>
    %mul3A_31 = arith.mulf %get3A_29, %mul3A_30 : vector<49x192xf32>
    %get3A_32 = arith.constant 0 : index
    %get3A_33 = arith.constant 0 : index
    %get3A_34 = arith.constant 0 : index
    %get3A_35 = arith.constant 0 : index
    %get3A_36 = vector.load %arg6[%get3A_32, %get3A_33, %get3A_34, %get3A_35] : memref<1x2x49x192xf32, #tpu.memory_space<vmem>>, vector<1x1x49x192xf32>
    %get3A_37 = vector.shape_cast %get3A_36 : vector<1x1x49x192xf32> to vector<49x192xf32>
    %mul3A_38 = vector.broadcast %get3A_15 : f32 to vector<49x192xf32>
    %mul3A_39 = arith.mulf %get3A_37, %mul3A_38 : vector<49x192xf32>
    %get3A_40 = arith.constant 0 : index
    %get3A_41 = arith.constant 0 : index
    %get3A_42 = arith.constant 0 : index
    %get3A_43 = arith.constant 0 : index
    %get3A_44 = vector.load %arg7[%get3A_40, %get3A_41, %get3A_42, %get3A_43] : memref<1x2x49x192xf32, #tpu.memory_space<vmem>>, vector<1x1x49x192xf32>
    %get3A_45 = vector.shape_cast %get3A_44 : vector<1x1x49x192xf32> to vector<49x192xf32>
    %mul3A_46 = vector.broadcast %get3A_19 : f32 to vector<49x192xf32>
    %mul3A_47 = arith.mulf %get3A_45, %mul3A_46 : vector<49x192xf32>
    %get3A_48 = arith.constant 0 : index
    %get3A_49 = arith.constant 0 : index
    %get3A_50 = arith.constant 0 : index
    %get3A_51 = arith.constant 0 : index
    %get3A_52 = vector.load %arg8[%get3A_48, %get3A_49, %get3A_50, %get3A_51] : memref<1x2x49x192xf32, #tpu.memory_space<vmem>>, vector<1x1x49x192xf32>
    %get3A_53 = vector.shape_cast %get3A_52 : vector<1x1x49x192xf32> to vector<49x192xf32>
    %mul3A_54 = vector.broadcast %get3A_23 : f32 to vector<49x192xf32>
    %mul3A_55 = arith.mulf %get3A_53, %mul3A_54 : vector<49x192xf32>
    %concatenate3A = tpu.concatenate %mul3A_31, %mul3A_39, %mul3A_47, %mul3A_55 in 0 : vector<49x192xf32>, vector<49x192xf32>, vector<49x192xf32>, vector<49x192xf32> -> vector<196x192xf32>
    %get3A_56 = arith.constant 0 : index
    %get3A_57 = arith.constant 1 : index
    %get3A_58 = arith.constant 0 : index
    %get3A_59 = arith.constant 0 : index
    %get3A_60 = vector.load %arg5[%get3A_56, %get3A_57, %get3A_58, %get3A_59] : memref<1x2x49x192xf32, #tpu.memory_space<vmem>>, vector<1x1x49x192xf32>
    %get3A_61 = vector.shape_cast %get3A_60 : vector<1x1x49x192xf32> to vector<49x192xf32>
    %mul3A_62 = vector.broadcast %get3A_11 : f32 to vector<49x192xf32>
    %mul3A_63 = arith.mulf %get3A_61, %mul3A_62 : vector<49x192xf32>
    %get3A_64 = arith.constant 0 : index
    %get3A_65 = arith.constant 1 : index
    %get3A_66 = arith.constant 0 : index
    %get3A_67 = arith.constant 0 : index
    %get3A_68 = vector.load %arg6[%get3A_64, %get3A_65, %get3A_66, %get3A_67] : memref<1x2x49x192xf32, #tpu.memory_space<vmem>>, vector<1x1x49x192xf32>
    %get3A_69 = vector.shape_cast %get3A_68 : vector<1x1x49x192xf32> to vector<49x192xf32>
    %mul3A_70 = vector.broadcast %get3A_15 : f32 to vector<49x192xf32>
    %mul3A_71 = arith.mulf %get3A_69, %mul3A_70 : vector<49x192xf32>
    %get3A_72 = arith.constant 0 : index
    %get3A_73 = arith.constant 1 : index
    %get3A_74 = arith.constant 0 : index
    %get3A_75 = arith.constant 0 : index
    %get3A_76 = vector.load %arg7[%get3A_72, %get3A_73, %get3A_74, %get3A_75] : memref<1x2x49x192xf32, #tpu.memory_space<vmem>>, vector<1x1x49x192xf32>
    %get3A_77 = vector.shape_cast %get3A_76 : vector<1x1x49x192xf32> to vector<49x192xf32>
    %mul3A_78 = vector.broadcast %get3A_19 : f32 to vector<49x192xf32>
    %mul3A_79 = arith.mulf %get3A_77, %mul3A_78 : vector<49x192xf32>
    %get3A_80 = arith.constant 0 : index
    %get3A_81 = arith.constant 1 : index
    %get3A_82 = arith.constant 0 : index
    %get3A_83 = arith.constant 0 : index
    %get3A_84 = vector.load %arg8[%get3A_80, %get3A_81, %get3A_82, %get3A_83] : memref<1x2x49x192xf32, #tpu.memory_space<vmem>>, vector<1x1x49x192xf32>
    %get3A_85 = vector.shape_cast %get3A_84 : vector<1x1x49x192xf32> to vector<49x192xf32>
    %mul3A_86 = vector.broadcast %get3A_23 : f32 to vector<49x192xf32>
    %mul3A_87 = arith.mulf %get3A_85, %mul3A_86 : vector<49x192xf32>
    %concatenate3A_88 = tpu.concatenate %mul3A_63, %mul3A_71, %mul3A_79, %mul3A_87 in 0 : vector<49x192xf32>, vector<49x192xf32>, vector<49x192xf32>, vector<49x192xf32> -> vector<196x192xf32>
    %dot_general3A = arith.constant dense<0.000000e+00> : vector<49x196xf32>
    %dot_general3A_89 = tpu.matmul %get3A_3, %concatenate3A, %dot_general3A {dimension_numbers = #tpu.dot_dimension_numbers<[1], [1], [0], [0], [0, 0, 1, 0], [], []>, transpose_lhs_hint = false} : vector<49x192xf32>, vector<196x192xf32>, vector<49x196xf32> -> vector<49x196xf32>
    %mul3A_90 = arith.constant 0.204124153 : f32
    %mul3A_91 = vector.broadcast %mul3A_90 : f32 to vector<49x196xf32>
    %mul3A_92 = arith.mulf %dot_general3A_89, %mul3A_91 : vector<49x196xf32>
    %reduce_max3A = arith.constant dense<0xFF800000> : vector<49xf32>
    %reduce_max3A_93 = vector.multi_reduction <maximumf>, %mul3A_92, %reduce_max3A [1] : vector<49x196xf32> to vector<49xf32>
    %broadcast_in_dim3A = vector.shape_cast %reduce_max3A_93 : vector<49xf32> to vector<49x1xf32>
    %sub3A = vector.broadcast %broadcast_in_dim3A : vector<49x1xf32> to vector<49x196xf32>
    %sub3A_94 = arith.subf %mul3A_92, %sub3A : vector<49x196xf32>
    %exp3A = math.exp %sub3A_94 : vector<49x196xf32>
    %reduce_sum3A = arith.constant dense<0.000000e+00> : vector<49xf32>
    %reduce_sum3A_95 = vector.multi_reduction <add>, %exp3A, %reduce_sum3A [1] : vector<49x196xf32> to vector<49xf32>
    %broadcast_in_dim3A_96 = vector.shape_cast %reduce_sum3A_95 : vector<49xf32> to vector<49x1xf32>
    %div3A = vector.broadcast %broadcast_in_dim3A_96 : vector<49x1xf32> to vector<49x196xf32>
    %div3A_97 = arith.divf %exp3A, %div3A : vector<49x196xf32>
    %dot_general3A_98 = arith.constant dense<0.000000e+00> : vector<49x192xf32>
    %dot_general3A_99 = tpu.matmul %div3A_97, %concatenate3A_88, %dot_general3A_98 {dimension_numbers = #tpu.dot_dimension_numbers<[1], [0], [0], [1], [0, 0, 1, 1], [], []>, transpose_lhs_hint = false} : vector<49x196xf32>, vector<196x192xf32>, vector<49x192xf32> -> vector<49x192xf32>
    %get3A_100 = arith.constant 0 : index
    %get3A_101 = arith.constant 0 : index
    %get3A_102 = arith.constant 0 : index
    %get3A_103 = vector.load %arg4[%get3A_100, %get3A_101, %get3A_102] : memref<8x49x192xf32, #tpu.memory_space<vmem>>, vector<1x49x192xf32>
    %get3A_104 = vector.shape_cast %get3A_103 : vector<1x49x192xf32> to vector<49x192xf32>
    %add3A_105 = arith.addf %dot_general3A_99, %get3A_104 : vector<49x192xf32>
    %get3A_106 = arith.constant 1 : index
    %get3A_107 = arith.constant 0 : index
    %get3A_108 = arith.constant 0 : index
    %get3A_109 = vector.load %arg3[%get3A_106, %get3A_107, %get3A_108] : memref<8x49x192xf32, #tpu.memory_space<vmem>>, vector<1x49x192xf32>
    %get3A_110 = vector.shape_cast %get3A_109 : vector<1x49x192xf32> to vector<49x192xf32>
    %mul3A_111 = arith.constant 8 : i32
    %mul3A_112 = arith.muli %arg0, %mul3A_111 : i32
    %add3A_113 = arith.constant 1 : i32
    %add3A_114 = arith.addi %mul3A_112, %add3A_113 : i32
    %mul3A_115 = arith.constant 4 : i32
    %mul3A_116 = arith.muli %add3A_114, %mul3A_115 : i32
    %add3A_117 = arith.constant 0 : i32
    %add3A_118 = arith.addi %mul3A_116, %add3A_117 : i32
    %get3A_119 = arith.index_cast %add3A_118 : i32 to index
    %get3A_120 = memref.load %arg2[%get3A_119] : memref<4096xf32, #tpu.memory_space<smem>>
    %add3A_121 = arith.constant 1 : i32
    %add3A_122 = arith.addi %mul3A_116, %add3A_121 : i32
    %get3A_123 = arith.index_cast %add3A_122 : i32 to index
    %get3A_124 = memref.load %arg2[%get3A_123] : memref<4096xf32, #tpu.memory_space<smem>>
    %add3A_125 = arith.constant 2 : i32
    %add3A_126 = arith.addi %mul3A_116, %add3A_125 : i32
    %get3A_127 = arith.index_cast %add3A_126 : i32 to index
    %get3A_128 = memref.load %arg2[%get3A_127] : memref<4096xf32, #tpu.memory_space<smem>>
    %add3A_129 = arith.constant 3 : i32
    %add3A_130 = arith.addi %mul3A_116, %add3A_129 : i32
    %get3A_131 = arith.index_cast %add3A_130 : i32 to index
    %get3A_132 = memref.load %arg2[%get3A_131] : memref<4096xf32, #tpu.memory_space<smem>>
    %get3A_133 = arith.constant 0 : index
    %get3A_134 = arith.constant 0 : index
    %get3A_135 = arith.constant 0 : index
    %get3A_136 = arith.constant 0 : index
    %get3A_137 = vector.load %arg9[%get3A_133, %get3A_134, %get3A_135, %get3A_136] : memref<1x2x49x192xf32, #tpu.memory_space<vmem>>, vector<1x1x49x192xf32>
    %get3A_138 = vector.shape_cast %get3A_137 : vector<1x1x49x192xf32> to vector<49x192xf32>
    %mul3A_139 = vector.broadcast %get3A_120 : f32 to vector<49x192xf32>
    %mul3A_140 = arith.mulf %get3A_138, %mul3A_139 : vector<49x192xf32>
    %get3A_141 = arith.constant 0 : index
    %get3A_142 = arith.constant 0 : index
    %get3A_143 = arith.constant 0 : index
    %get3A_144 = arith.constant 0 : index
    %get3A_145 = vector.load %arg10[%get3A_141, %get3A_142, %get3A_143, %get3A_144] : memref<1x2x49x192xf32, #tpu.memory_space<vmem>>, vector<1x1x49x192xf32>
    %get3A_146 = vector.shape_cast %get3A_145 : vector<1x1x49x192xf32> to vector<49x192xf32>
    %mul3A_147 = vector.broadcast %get3A_124 : f32 to vector<49x192xf32>
    %mul3A_148 = arith.mulf %get3A_146, %mul3A_147 : vector<49x192xf32>
    %get3A_149 = arith.constant 0 : index
    %get3A_150 = arith.constant 0 : index
    %get3A_151 = arith.constant 0 : index
    %get3A_152 = arith.constant 0 : index
    %get3A_153 = vector.load %arg11[%get3A_149, %get3A_150, %get3A_151, %get3A_152] : memref<1x2x49x192xf32, #tpu.memory_space<vmem>>, vector<1x1x49x192xf32>
    %get3A_154 = vector.shape_cast %get3A_153 : vector<1x1x49x192xf32> to vector<49x192xf32>
    %mul3A_155 = vector.broadcast %get3A_128 : f32 to vector<49x192xf32>
    %mul3A_156 = arith.mulf %get3A_154, %mul3A_155 : vector<49x192xf32>
    %get3A_157 = arith.constant 0 : index
    %get3A_158 = arith.constant 0 : index
    %get3A_159 = arith.constant 0 : index
    %get3A_160 = arith.constant 0 : index
    %get3A_161 = vector.load %arg12[%get3A_157, %get3A_158, %get3A_159, %get3A_160] : memref<1x2x49x192xf32, #tpu.memory_space<vmem>>, vector<1x1x49x192xf32>
    %get3A_162 = vector.shape_cast %get3A_161 : vector<1x1x49x192xf32> to vector<49x192xf32>
    %mul3A_163 = vector.broadcast %get3A_132 : f32 to vector<49x192xf32>
    %mul3A_164 = arith.mulf %get3A_162, %mul3A_163 : vector<49x192xf32>
    %concatenate3A_165 = tpu.concatenate %mul3A_140, %mul3A_148, %mul3A_156, %mul3A_164 in 0 : vector<49x192xf32>, vector<49x192xf32>, vector<49x192xf32>, vector<49x192xf32> -> vector<196x192xf32>
    %get3A_166 = arith.constant 0 : index
    %get3A_167 = arith.constant 1 : index
    %get3A_168 = arith.constant 0 : index
    %get3A_169 = arith.constant 0 : index
    %get3A_170 = vector.load %arg9[%get3A_166, %get3A_167, %get3A_168, %get3A_169] : memref<1x2x49x192xf32, #tpu.memory_space<vmem>>, vector<1x1x49x192xf32>
    %get3A_171 = vector.shape_cast %get3A_170 : vector<1x1x49x192xf32> to vector<49x192xf32>
    %mul3A_172 = vector.broadcast %get3A_120 : f32 to vector<49x192xf32>
    %mul3A_173 = arith.mulf %get3A_171, %mul3A_172 : vector<49x192xf32>
    %get3A_174 = arith.constant 0 : index
    %get3A_175 = arith.constant 1 : index
    %get3A_176 = arith.constant 0 : index
    %get3A_177 = arith.constant 0 : index
    %get3A_178 = vector.load %arg10[%get3A_174, %get3A_175, %get3A_176, %get3A_177] : memref<1x2x49x192xf32, #tpu.memory_space<vmem>>, vector<1x1x49x192xf32>
    %get3A_179 = vector.shape_cast %get3A_178 : vector<1x1x49x192xf32> to vector<49x192xf32>
    %mul3A_180 = vector.broadcast %get3A_124 : f32 to vector<49x192xf32>
    %mul3A_181 = arith.mulf %get3A_179, %mul3A_180 : vector<49x192xf32>
    %get3A_182 = arith.constant 0 : index
    %get3A_183 = arith.constant 1 : index
    %get3A_184 = arith.constant 0 : index
    %get3A_185 = arith.constant 0 : index
    %get3A_186 = vector.load %arg11[%get3A_182, %get3A_183, %get3A_184, %get3A_185] : memref<1x2x49x192xf32, #tpu.memory_space<vmem>>, vector<1x1x49x192xf32>
    %get3A_187 = vector.shape_cast %get3A_186 : vector<1x1x49x192xf32> to vector<49x192xf32>
    %mul3A_188 = vector.broadcast %get3A_128 : f32 to vector<49x192xf32>
    %mul3A_189 = arith.mulf %get3A_187, %mul3A_188 : vector<49x192xf32>
    %get3A_190 = arith.constant 0 : index
    %get3A_191 = arith.constant 1 : index
    %get3A_192 = arith.constant 0 : index
    %get3A_193 = arith.constant 0 : index
    %get3A_194 = vector.load %arg12[%get3A_190, %get3A_191, %get3A_192, %get3A_193] : memref<1x2x49x192xf32, #tpu.memory_space<vmem>>, vector<1x1x49x192xf32>
    %get3A_195 = vector.shape_cast %get3A_194 : vector<1x1x49x192xf32> to vector<49x192xf32>
    %mul3A_196 = vector.broadcast %get3A_132 : f32 to vector<49x192xf32>
    %mul3A_197 = arith.mulf %get3A_195, %mul3A_196 : vector<49x192xf32>
    %concatenate3A_198 = tpu.concatenate %mul3A_173, %mul3A_181, %mul3A_189, %mul3A_197 in 0 : vector<49x192xf32>, vector<49x192xf32>, vector<49x192xf32>, vector<49x192xf32> -> vector<196x192xf32>
    %dot_general3A_199 = arith.constant dense<0.000000e+00> : vector<49x196xf32>
    %dot_general3A_200 = tpu.matmul %get3A_110, %concatenate3A_165, %dot_general3A_199 {dimension_numbers = #tpu.dot_dimension_numbers<[1], [1], [0], [0], [0, 0, 1, 0], [], []>, transpose_lhs_hint = false} : vector<49x192xf32>, vector<196x192xf32>, vector<49x196xf32> -> vector<49x196xf32>
    %mul3A_201 = arith.constant 0.204124153 : f32
    %mul3A_202 = vector.broadcast %mul3A_201 : f32 to vector<49x196xf32>
    %mul3A_203 = arith.mulf %dot_general3A_200, %mul3A_202 : vector<49x196xf32>
    %reduce_max3A_204 = arith.constant dense<0xFF800000> : vector<49xf32>
    %reduce_max3A_205 = vector.multi_reduction <maximumf>, %mul3A_203, %reduce_max3A_204 [1] : vector<49x196xf32> to vector<49xf32>
    %broadcast_in_dim3A_206 = vector.shape_cast %reduce_max3A_205 : vector<49xf32> to vector<49x1xf32>
    %sub3A_207 = vector.broadcast %broadcast_in_dim3A_206 : vector<49x1xf32> to vector<49x196xf32>
    %sub3A_208 = arith.subf %mul3A_203, %sub3A_207 : vector<49x196xf32>
    %exp3A_209 = math.exp %sub3A_208 : vector<49x196xf32>
    %reduce_sum3A_210 = arith.constant dense<0.000000e+00> : vector<49xf32>
    %reduce_sum3A_211 = vector.multi_reduction <add>, %exp3A_209, %reduce_sum3A_210 [1] : vector<49x196xf32> to vector<49xf32>
    %broadcast_in_dim3A_212 = vector.shape_cast %reduce_sum3A_211 : vector<49xf32> to vector<49x1xf32>
    %div3A_213 = vector.broadcast %broadcast_in_dim3A_212 : vector<49x1xf32> to vector<49x196xf32>
    %div3A_214 = arith.divf %exp3A_209, %div3A_213 : vector<49x196xf32>
    %dot_general3A_215 = arith.constant dense<0.000000e+00> : vector<49x192xf32>
    %dot_general3A_216 = tpu.matmul %div3A_214, %concatenate3A_198, %dot_general3A_215 {dimension_numbers = #tpu.dot_dimension_numbers<[1], [0], [0], [1], [0, 0, 1, 1], [], []>, transpose_lhs_hint = false} : vector<49x196xf32>, vector<196x192xf32>, vector<49x192xf32> -> vector<49x192xf32>
    %get3A_217 = arith.constant 1 : index
    %get3A_218 = arith.constant 0 : index
    %get3A_219 = arith.constant 0 : index
    %get3A_220 = vector.load %arg4[%get3A_217, %get3A_218, %get3A_219] : memref<8x49x192xf32, #tpu.memory_space<vmem>>, vector<1x49x192xf32>
    %get3A_221 = vector.shape_cast %get3A_220 : vector<1x49x192xf32> to vector<49x192xf32>
    %add3A_222 = arith.addf %dot_general3A_216, %get3A_221 : vector<49x192xf32>
    %get3A_223 = arith.constant 2 : index
    %get3A_224 = arith.constant 0 : index
    %get3A_225 = arith.constant 0 : index
    %get3A_226 = vector.load %arg3[%get3A_223, %get3A_224, %get3A_225] : memref<8x49x192xf32, #tpu.memory_space<vmem>>, vector<1x49x192xf32>
    %get3A_227 = vector.shape_cast %get3A_226 : vector<1x49x192xf32> to vector<49x192xf32>
    %mul3A_228 = arith.constant 8 : i32
    %mul3A_229 = arith.muli %arg0, %mul3A_228 : i32
    %add3A_230 = arith.constant 2 : i32
    %add3A_231 = arith.addi %mul3A_229, %add3A_230 : i32
    %mul3A_232 = arith.constant 4 : i32
    %mul3A_233 = arith.muli %add3A_231, %mul3A_232 : i32
    %add3A_234 = arith.constant 0 : i32
    %add3A_235 = arith.addi %mul3A_233, %add3A_234 : i32
    %get3A_236 = arith.index_cast %add3A_235 : i32 to index
    %get3A_237 = memref.load %arg2[%get3A_236] : memref<4096xf32, #tpu.memory_space<smem>>
    %add3A_238 = arith.constant 1 : i32
    %add3A_239 = arith.addi %mul3A_233, %add3A_238 : i32
    %get3A_240 = arith.index_cast %add3A_239 : i32 to index
    %get3A_241 = memref.load %arg2[%get3A_240] : memref<4096xf32, #tpu.memory_space<smem>>
    %add3A_242 = arith.constant 2 : i32
    %add3A_243 = arith.addi %mul3A_233, %add3A_242 : i32
    %get3A_244 = arith.index_cast %add3A_243 : i32 to index
    %get3A_245 = memref.load %arg2[%get3A_244] : memref<4096xf32, #tpu.memory_space<smem>>
    %add3A_246 = arith.constant 3 : i32
    %add3A_247 = arith.addi %mul3A_233, %add3A_246 : i32
    %get3A_248 = arith.index_cast %add3A_247 : i32 to index
    %get3A_249 = memref.load %arg2[%get3A_248] : memref<4096xf32, #tpu.memory_space<smem>>
    %get3A_250 = arith.constant 0 : index
    %get3A_251 = arith.constant 0 : index
    %get3A_252 = arith.constant 0 : index
    %get3A_253 = arith.constant 0 : index
    %get3A_254 = vector.load %arg13[%get3A_250, %get3A_251, %get3A_252, %get3A_253] : memref<1x2x49x192xf32, #tpu.memory_space<vmem>>, vector<1x1x49x192xf32>
    %get3A_255 = vector.shape_cast %get3A_254 : vector<1x1x49x192xf32> to vector<49x192xf32>
    %mul3A_256 = vector.broadcast %get3A_237 : f32 to vector<49x192xf32>
    %mul3A_257 = arith.mulf %get3A_255, %mul3A_256 : vector<49x192xf32>
    %get3A_258 = arith.constant 0 : index
    %get3A_259 = arith.constant 0 : index
    %get3A_260 = arith.constant 0 : index
    %get3A_261 = arith.constant 0 : index
    %get3A_262 = vector.load %arg14[%get3A_258, %get3A_259, %get3A_260, %get3A_261] : memref<1x2x49x192xf32, #tpu.memory_space<vmem>>, vector<1x1x49x192xf32>
    %get3A_263 = vector.shape_cast %get3A_262 : vector<1x1x49x192xf32> to vector<49x192xf32>
    %mul3A_264 = vector.broadcast %get3A_241 : f32 to vector<49x192xf32>
    %mul3A_265 = arith.mulf %get3A_263, %mul3A_264 : vector<49x192xf32>
    %get3A_266 = arith.constant 0 : index
    %get3A_267 = arith.constant 0 : index
    %get3A_268 = arith.constant 0 : index
    %get3A_269 = arith.constant 0 : index
    %get3A_270 = vector.load %arg15[%get3A_266, %get3A_267, %get3A_268, %get3A_269] : memref<1x2x49x192xf32, #tpu.memory_space<vmem>>, vector<1x1x49x192xf32>
    %get3A_271 = vector.shape_cast %get3A_270 : vector<1x1x49x192xf32> to vector<49x192xf32>
    %mul3A_272 = vector.broadcast %get3A_245 : f32 to vector<49x192xf32>
    %mul3A_273 = arith.mulf %get3A_271, %mul3A_272 : vector<49x192xf32>
    %get3A_274 = arith.constant 0 : index
    %get3A_275 = arith.constant 0 : index
    %get3A_276 = arith.constant 0 : index
    %get3A_277 = arith.constant 0 : index
    %get3A_278 = vector.load %arg16[%get3A_274, %get3A_275, %get3A_276, %get3A_277] : memref<1x2x49x192xf32, #tpu.memory_space<vmem>>, vector<1x1x49x192xf32>
    %get3A_279 = vector.shape_cast %get3A_278 : vector<1x1x49x192xf32> to vector<49x192xf32>
    %mul3A_280 = vector.broadcast %get3A_249 : f32 to vector<49x192xf32>
    %mul3A_281 = arith.mulf %get3A_279, %mul3A_280 : vector<49x192xf32>
    %concatenate3A_282 = tpu.concatenate %mul3A_257, %mul3A_265, %mul3A_273, %mul3A_281 in 0 : vector<49x192xf32>, vector<49x192xf32>, vector<49x192xf32>, vector<49x192xf32> -> vector<196x192xf32>
    %get3A_283 = arith.constant 0 : index
    %get3A_284 = arith.constant 1 : index
    %get3A_285 = arith.constant 0 : index
    %get3A_286 = arith.constant 0 : index
    %get3A_287 = vector.load %arg13[%get3A_283, %get3A_284, %get3A_285, %get3A_286] : memref<1x2x49x192xf32, #tpu.memory_space<vmem>>, vector<1x1x49x192xf32>
    %get3A_288 = vector.shape_cast %get3A_287 : vector<1x1x49x192xf32> to vector<49x192xf32>
    %mul3A_289 = vector.broadcast %get3A_237 : f32 to vector<49x192xf32>
    %mul3A_290 = arith.mulf %get3A_288, %mul3A_289 : vector<49x192xf32>
    %get3A_291 = arith.constant 0 : index
    %get3A_292 = arith.constant 1 : index
    %get3A_293 = arith.constant 0 : index
    %get3A_294 = arith.constant 0 : index
    %get3A_295 = vector.load %arg14[%get3A_291, %get3A_292, %get3A_293, %get3A_294] : memref<1x2x49x192xf32, #tpu.memory_space<vmem>>, vector<1x1x49x192xf32>
    %get3A_296 = vector.shape_cast %get3A_295 : vector<1x1x49x192xf32> to vector<49x192xf32>
    %mul3A_297 = vector.broadcast %get3A_241 : f32 to vector<49x192xf32>
    %mul3A_298 = arith.mulf %get3A_296, %mul3A_297 : vector<49x192xf32>
    %get3A_299 = arith.constant 0 : index
    %get3A_300 = arith.constant 1 : index
    %get3A_301 = arith.constant 0 : index
    %get3A_302 = arith.constant 0 : index
    %get3A_303 = vector.load %arg15[%get3A_299, %get3A_300, %get3A_301, %get3A_302] : memref<1x2x49x192xf32, #tpu.memory_space<vmem>>, vector<1x1x49x192xf32>
    %get3A_304 = vector.shape_cast %get3A_303 : vector<1x1x49x192xf32> to vector<49x192xf32>
    %mul3A_305 = vector.broadcast %get3A_245 : f32 to vector<49x192xf32>
    %mul3A_306 = arith.mulf %get3A_304, %mul3A_305 : vector<49x192xf32>
    %get3A_307 = arith.constant 0 : index
    %get3A_308 = arith.constant 1 : index
    %get3A_309 = arith.constant 0 : index
    %get3A_310 = arith.constant 0 : index
    %get3A_311 = vector.load %arg16[%get3A_307, %get3A_308, %get3A_309, %get3A_310] : memref<1x2x49x192xf32, #tpu.memory_space<vmem>>, vector<1x1x49x192xf32>
    %get3A_312 = vector.shape_cast %get3A_311 : vector<1x1x49x192xf32> to vector<49x192xf32>
    %mul3A_313 = vector.broadcast %get3A_249 : f32 to vector<49x192xf32>
    %mul3A_314 = arith.mulf %get3A_312, %mul3A_313 : vector<49x192xf32>
    %concatenate3A_315 = tpu.concatenate %mul3A_290, %mul3A_298, %mul3A_306, %mul3A_314 in 0 : vector<49x192xf32>, vector<49x192xf32>, vector<49x192xf32>, vector<49x192xf32> -> vector<196x192xf32>
    %dot_general3A_316 = arith.constant dense<0.000000e+00> : vector<49x196xf32>
    %dot_general3A_317 = tpu.matmul %get3A_227, %concatenate3A_282, %dot_general3A_316 {dimension_numbers = #tpu.dot_dimension_numbers<[1], [1], [0], [0], [0, 0, 1, 0], [], []>, transpose_lhs_hint = false} : vector<49x192xf32>, vector<196x192xf32>, vector<49x196xf32> -> vector<49x196xf32>
    %mul3A_318 = arith.constant 0.204124153 : f32
    %mul3A_319 = vector.broadcast %mul3A_318 : f32 to vector<49x196xf32>
    %mul3A_320 = arith.mulf %dot_general3A_317, %mul3A_319 : vector<49x196xf32>
    %reduce_max3A_321 = arith.constant dense<0xFF800000> : vector<49xf32>
    %reduce_max3A_322 = vector.multi_reduction <maximumf>, %mul3A_320, %reduce_max3A_321 [1] : vector<49x196xf32> to vector<49xf32>
    %broadcast_in_dim3A_323 = vector.shape_cast %reduce_max3A_322 : vector<49xf32> to vector<49x1xf32>
    %sub3A_324 = vector.broadcast %broadcast_in_dim3A_323 : vector<49x1xf32> to vector<49x196xf32>
    %sub3A_325 = arith.subf %mul3A_320, %sub3A_324 : vector<49x196xf32>
    %exp3A_326 = math.exp %sub3A_325 : vector<49x196xf32>
    %reduce_sum3A_327 = arith.constant dense<0.000000e+00> : vector<49xf32>
    %reduce_sum3A_328 = vector.multi_reduction <add>, %exp3A_326, %reduce_sum3A_327 [1] : vector<49x196xf32> to vector<49xf32>
    %broadcast_in_dim3A_329 = vector.shape_cast %reduce_sum3A_328 : vector<49xf32> to vector<49x1xf32>
    %div3A_330 = vector.broadcast %broadcast_in_dim3A_329 : vector<49x1xf32> to vector<49x196xf32>
    %div3A_331 = arith.divf %exp3A_326, %div3A_330 : vector<49x196xf32>
    %dot_general3A_332 = arith.constant dense<0.000000e+00> : vector<49x192xf32>
    %dot_general3A_333 = tpu.matmul %div3A_331, %concatenate3A_315, %dot_general3A_332 {dimension_numbers = #tpu.dot_dimension_numbers<[1], [0], [0], [1], [0, 0, 1, 1], [], []>, transpose_lhs_hint = false} : vector<49x196xf32>, vector<196x192xf32>, vector<49x192xf32> -> vector<49x192xf32>
    %get3A_334 = arith.constant 2 : index
    %get3A_335 = arith.constant 0 : index
    %get3A_336 = arith.constant 0 : index
    %get3A_337 = vector.load %arg4[%get3A_334, %get3A_335, %get3A_336] : memref<8x49x192xf32, #tpu.memory_space<vmem>>, vector<1x49x192xf32>
    %get3A_338 = vector.shape_cast %get3A_337 : vector<1x49x192xf32> to vector<49x192xf32>
    %add3A_339 = arith.addf %dot_general3A_333, %get3A_338 : vector<49x192xf32>
    %get3A_340 = arith.constant 3 : index
    %get3A_341 = arith.constant 0 : index
    %get3A_342 = arith.constant 0 : index
    %get3A_343 = vector.load %arg3[%get3A_340, %get3A_341, %get3A_342] : memref<8x49x192xf32, #tpu.memory_space<vmem>>, vector<1x49x192xf32>
    %get3A_344 = vector.shape_cast %get3A_343 : vector<1x49x192xf32> to vector<49x192xf32>
    %mul3A_345 = arith.constant 8 : i32
    %mul3A_346 = arith.muli %arg0, %mul3A_345 : i32
    %add3A_347 = arith.constant 3 : i32
    %add3A_348 = arith.addi %mul3A_346, %add3A_347 : i32
    %mul3A_349 = arith.constant 4 : i32
    %mul3A_350 = arith.muli %add3A_348, %mul3A_349 : i32
    %add3A_351 = arith.constant 0 : i32
    %add3A_352 = arith.addi %mul3A_350, %add3A_351 : i32
    %get3A_353 = arith.index_cast %add3A_352 : i32 to index
    %get3A_354 = memref.load %arg2[%get3A_353] : memref<4096xf32, #tpu.memory_space<smem>>
    %add3A_355 = arith.constant 1 : i32
    %add3A_356 = arith.addi %mul3A_350, %add3A_355 : i32
    %get3A_357 = arith.index_cast %add3A_356 : i32 to index
    %get3A_358 = memref.load %arg2[%get3A_357] : memref<4096xf32, #tpu.memory_space<smem>>
    %add3A_359 = arith.constant 2 : i32
    %add3A_360 = arith.addi %mul3A_350, %add3A_359 : i32
    %get3A_361 = arith.index_cast %add3A_360 : i32 to index
    %get3A_362 = memref.load %arg2[%get3A_361] : memref<4096xf32, #tpu.memory_space<smem>>
    %add3A_363 = arith.constant 3 : i32
    %add3A_364 = arith.addi %mul3A_350, %add3A_363 : i32
    %get3A_365 = arith.index_cast %add3A_364 : i32 to index
    %get3A_366 = memref.load %arg2[%get3A_365] : memref<4096xf32, #tpu.memory_space<smem>>
    %get3A_367 = arith.constant 0 : index
    %get3A_368 = arith.constant 0 : index
    %get3A_369 = arith.constant 0 : index
    %get3A_370 = arith.constant 0 : index
    %get3A_371 = vector.load %arg17[%get3A_367, %get3A_368, %get3A_369, %get3A_370] : memref<1x2x49x192xf32, #tpu.memory_space<vmem>>, vector<1x1x49x192xf32>
    %get3A_372 = vector.shape_cast %get3A_371 : vector<1x1x49x192xf32> to vector<49x192xf32>
    %mul3A_373 = vector.broadcast %get3A_354 : f32 to vector<49x192xf32>
    %mul3A_374 = arith.mulf %get3A_372, %mul3A_373 : vector<49x192xf32>
    %get3A_375 = arith.constant 0 : index
    %get3A_376 = arith.constant 0 : index
    %get3A_377 = arith.constant 0 : index
    %get3A_378 = arith.constant 0 : index
    %get3A_379 = vector.load %arg18[%get3A_375, %get3A_376, %get3A_377, %get3A_378] : memref<1x2x49x192xf32, #tpu.memory_space<vmem>>, vector<1x1x49x192xf32>
    %get3A_380 = vector.shape_cast %get3A_379 : vector<1x1x49x192xf32> to vector<49x192xf32>
    %mul3A_381 = vector.broadcast %get3A_358 : f32 to vector<49x192xf32>
    %mul3A_382 = arith.mulf %get3A_380, %mul3A_381 : vector<49x192xf32>
    %get3A_383 = arith.constant 0 : index
    %get3A_384 = arith.constant 0 : index
    %get3A_385 = arith.constant 0 : index
    %get3A_386 = arith.constant 0 : index
    %get3A_387 = vector.load %arg19[%get3A_383, %get3A_384, %get3A_385, %get3A_386] : memref<1x2x49x192xf32, #tpu.memory_space<vmem>>, vector<1x1x49x192xf32>
    %get3A_388 = vector.shape_cast %get3A_387 : vector<1x1x49x192xf32> to vector<49x192xf32>
    %mul3A_389 = vector.broadcast %get3A_362 : f32 to vector<49x192xf32>
    %mul3A_390 = arith.mulf %get3A_388, %mul3A_389 : vector<49x192xf32>
    %get3A_391 = arith.constant 0 : index
    %get3A_392 = arith.constant 0 : index
    %get3A_393 = arith.constant 0 : index
    %get3A_394 = arith.constant 0 : index
    %get3A_395 = vector.load %arg20[%get3A_391, %get3A_392, %get3A_393, %get3A_394] : memref<1x2x49x192xf32, #tpu.memory_space<vmem>>, vector<1x1x49x192xf32>
    %get3A_396 = vector.shape_cast %get3A_395 : vector<1x1x49x192xf32> to vector<49x192xf32>
    %mul3A_397 = vector.broadcast %get3A_366 : f32 to vector<49x192xf32>
    %mul3A_398 = arith.mulf %get3A_396, %mul3A_397 : vector<49x192xf32>
    %concatenate3A_399 = tpu.concatenate %mul3A_374, %mul3A_382, %mul3A_390, %mul3A_398 in 0 : vector<49x192xf32>, vector<49x192xf32>, vector<49x192xf32>, vector<49x192xf32> -> vector<196x192xf32>
    %get3A_400 = arith.constant 0 : index
    %get3A_401 = arith.constant 1 : index
    %get3A_402 = arith.constant 0 : index
    %get3A_403 = arith.constant 0 : index
    %get3A_404 = vector.load %arg17[%get3A_400, %get3A_401, %get3A_402, %get3A_403] : memref<1x2x49x192xf32, #tpu.memory_space<vmem>>, vector<1x1x49x192xf32>
    %get3A_405 = vector.shape_cast %get3A_404 : vector<1x1x49x192xf32> to vector<49x192xf32>
    %mul3A_406 = vector.broadcast %get3A_354 : f32 to vector<49x192xf32>
    %mul3A_407 = arith.mulf %get3A_405, %mul3A_406 : vector<49x192xf32>
    %get3A_408 = arith.constant 0 : index
    %get3A_409 = arith.constant 1 : index
    %get3A_410 = arith.constant 0 : index
    %get3A_411 = arith.constant 0 : index
    %get3A_412 = vector.load %arg18[%get3A_408, %get3A_409, %get3A_410, %get3A_411] : memref<1x2x49x192xf32, #tpu.memory_space<vmem>>, vector<1x1x49x192xf32>
    %get3A_413 = vector.shape_cast %get3A_412 : vector<1x1x49x192xf32> to vector<49x192xf32>
    %mul3A_414 = vector.broadcast %get3A_358 : f32 to vector<49x192xf32>
    %mul3A_415 = arith.mulf %get3A_413, %mul3A_414 : vector<49x192xf32>
    %get3A_416 = arith.constant 0 : index
    %get3A_417 = arith.constant 1 : index
    %get3A_418 = arith.constant 0 : index
    %get3A_419 = arith.constant 0 : index
    %get3A_420 = vector.load %arg19[%get3A_416, %get3A_417, %get3A_418, %get3A_419] : memref<1x2x49x192xf32, #tpu.memory_space<vmem>>, vector<1x1x49x192xf32>
    %get3A_421 = vector.shape_cast %get3A_420 : vector<1x1x49x192xf32> to vector<49x192xf32>
    %mul3A_422 = vector.broadcast %get3A_362 : f32 to vector<49x192xf32>
    %mul3A_423 = arith.mulf %get3A_421, %mul3A_422 : vector<49x192xf32>
    %get3A_424 = arith.constant 0 : index
    %get3A_425 = arith.constant 1 : index
    %get3A_426 = arith.constant 0 : index
    %get3A_427 = arith.constant 0 : index
    %get3A_428 = vector.load %arg20[%get3A_424, %get3A_425, %get3A_426, %get3A_427] : memref<1x2x49x192xf32, #tpu.memory_space<vmem>>, vector<1x1x49x192xf32>
    %get3A_429 = vector.shape_cast %get3A_428 : vector<1x1x49x192xf32> to vector<49x192xf32>
    %mul3A_430 = vector.broadcast %get3A_366 : f32 to vector<49x192xf32>
    %mul3A_431 = arith.mulf %get3A_429, %mul3A_430 : vector<49x192xf32>
    %concatenate3A_432 = tpu.concatenate %mul3A_407, %mul3A_415, %mul3A_423, %mul3A_431 in 0 : vector<49x192xf32>, vector<49x192xf32>, vector<49x192xf32>, vector<49x192xf32> -> vector<196x192xf32>
    %dot_general3A_433 = arith.constant dense<0.000000e+00> : vector<49x196xf32>
    %dot_general3A_434 = tpu.matmul %get3A_344, %concatenate3A_399, %dot_general3A_433 {dimension_numbers = #tpu.dot_dimension_numbers<[1], [1], [0], [0], [0, 0, 1, 0], [], []>, transpose_lhs_hint = false} : vector<49x192xf32>, vector<196x192xf32>, vector<49x196xf32> -> vector<49x196xf32>
    %mul3A_435 = arith.constant 0.204124153 : f32
    %mul3A_436 = vector.broadcast %mul3A_435 : f32 to vector<49x196xf32>
    %mul3A_437 = arith.mulf %dot_general3A_434, %mul3A_436 : vector<49x196xf32>
    %reduce_max3A_438 = arith.constant dense<0xFF800000> : vector<49xf32>
    %reduce_max3A_439 = vector.multi_reduction <maximumf>, %mul3A_437, %reduce_max3A_438 [1] : vector<49x196xf32> to vector<49xf32>
    %broadcast_in_dim3A_440 = vector.shape_cast %reduce_max3A_439 : vector<49xf32> to vector<49x1xf32>
    %sub3A_441 = vector.broadcast %broadcast_in_dim3A_440 : vector<49x1xf32> to vector<49x196xf32>
    %sub3A_442 = arith.subf %mul3A_437, %sub3A_441 : vector<49x196xf32>
    %exp3A_443 = math.exp %sub3A_442 : vector<49x196xf32>
    %reduce_sum3A_444 = arith.constant dense<0.000000e+00> : vector<49xf32>
    %reduce_sum3A_445 = vector.multi_reduction <add>, %exp3A_443, %reduce_sum3A_444 [1] : vector<49x196xf32> to vector<49xf32>
    %broadcast_in_dim3A_446 = vector.shape_cast %reduce_sum3A_445 : vector<49xf32> to vector<49x1xf32>
    %div3A_447 = vector.broadcast %broadcast_in_dim3A_446 : vector<49x1xf32> to vector<49x196xf32>
    %div3A_448 = arith.divf %exp3A_443, %div3A_447 : vector<49x196xf32>
    %dot_general3A_449 = arith.constant dense<0.000000e+00> : vector<49x192xf32>
    %dot_general3A_450 = tpu.matmul %div3A_448, %concatenate3A_432, %dot_general3A_449 {dimension_numbers = #tpu.dot_dimension_numbers<[1], [0], [0], [1], [0, 0, 1, 1], [], []>, transpose_lhs_hint = false} : vector<49x196xf32>, vector<196x192xf32>, vector<49x192xf32> -> vector<49x192xf32>
    %get3A_451 = arith.constant 3 : index
    %get3A_452 = arith.constant 0 : index
    %get3A_453 = arith.constant 0 : index
    %get3A_454 = vector.load %arg4[%get3A_451, %get3A_452, %get3A_453] : memref<8x49x192xf32, #tpu.memory_space<vmem>>, vector<1x49x192xf32>
    %get3A_455 = vector.shape_cast %get3A_454 : vector<1x49x192xf32> to vector<49x192xf32>
    %add3A_456 = arith.addf %dot_general3A_450, %get3A_455 : vector<49x192xf32>
    %get3A_457 = arith.constant 4 : index
    %get3A_458 = arith.constant 0 : index
    %get3A_459 = arith.constant 0 : index
    %get3A_460 = vector.load %arg3[%get3A_457, %get3A_458, %get3A_459] : memref<8x49x192xf32, #tpu.memory_space<vmem>>, vector<1x49x192xf32>
    %get3A_461 = vector.shape_cast %get3A_460 : vector<1x49x192xf32> to vector<49x192xf32>
    %mul3A_462 = arith.constant 8 : i32
    %mul3A_463 = arith.muli %arg0, %mul3A_462 : i32
    %add3A_464 = arith.constant 4 : i32
    %add3A_465 = arith.addi %mul3A_463, %add3A_464 : i32
    %mul3A_466 = arith.constant 4 : i32
    %mul3A_467 = arith.muli %add3A_465, %mul3A_466 : i32
    %add3A_468 = arith.constant 0 : i32
    %add3A_469 = arith.addi %mul3A_467, %add3A_468 : i32
    %get3A_470 = arith.index_cast %add3A_469 : i32 to index
    %get3A_471 = memref.load %arg2[%get3A_470] : memref<4096xf32, #tpu.memory_space<smem>>
    %add3A_472 = arith.constant 1 : i32
    %add3A_473 = arith.addi %mul3A_467, %add3A_472 : i32
    %get3A_474 = arith.index_cast %add3A_473 : i32 to index
    %get3A_475 = memref.load %arg2[%get3A_474] : memref<4096xf32, #tpu.memory_space<smem>>
    %add3A_476 = arith.constant 2 : i32
    %add3A_477 = arith.addi %mul3A_467, %add3A_476 : i32
    %get3A_478 = arith.index_cast %add3A_477 : i32 to index
    %get3A_479 = memref.load %arg2[%get3A_478] : memref<4096xf32, #tpu.memory_space<smem>>
    %add3A_480 = arith.constant 3 : i32
    %add3A_481 = arith.addi %mul3A_467, %add3A_480 : i32
    %get3A_482 = arith.index_cast %add3A_481 : i32 to index
    %get3A_483 = memref.load %arg2[%get3A_482] : memref<4096xf32, #tpu.memory_space<smem>>
    %get3A_484 = arith.constant 0 : index
    %get3A_485 = arith.constant 0 : index
    %get3A_486 = arith.constant 0 : index
    %get3A_487 = arith.constant 0 : index
    %get3A_488 = vector.load %arg21[%get3A_484, %get3A_485, %get3A_486, %get3A_487] : memref<1x2x49x192xf32, #tpu.memory_space<vmem>>, vector<1x1x49x192xf32>
    %get3A_489 = vector.shape_cast %get3A_488 : vector<1x1x49x192xf32> to vector<49x192xf32>
    %mul3A_490 = vector.broadcast %get3A_471 : f32 to vector<49x192xf32>
    %mul3A_491 = arith.mulf %get3A_489, %mul3A_490 : vector<49x192xf32>
    %get3A_492 = arith.constant 0 : index
    %get3A_493 = arith.constant 0 : index
    %get3A_494 = arith.constant 0 : index
    %get3A_495 = arith.constant 0 : index
    %get3A_496 = vector.load %arg22[%get3A_492, %get3A_493, %get3A_494, %get3A_495] : memref<1x2x49x192xf32, #tpu.memory_space<vmem>>, vector<1x1x49x192xf32>
    %get3A_497 = vector.shape_cast %get3A_496 : vector<1x1x49x192xf32> to vector<49x192xf32>
    %mul3A_498 = vector.broadcast %get3A_475 : f32 to vector<49x192xf32>
    %mul3A_499 = arith.mulf %get3A_497, %mul3A_498 : vector<49x192xf32>
    %get3A_500 = arith.constant 0 : index
    %get3A_501 = arith.constant 0 : index
    %get3A_502 = arith.constant 0 : index
    %get3A_503 = arith.constant 0 : index
    %get3A_504 = vector.load %arg23[%get3A_500, %get3A_501, %get3A_502, %get3A_503] : memref<1x2x49x192xf32, #tpu.memory_space<vmem>>, vector<1x1x49x192xf32>
    %get3A_505 = vector.shape_cast %get3A_504 : vector<1x1x49x192xf32> to vector<49x192xf32>
    %mul3A_506 = vector.broadcast %get3A_479 : f32 to vector<49x192xf32>
    %mul3A_507 = arith.mulf %get3A_505, %mul3A_506 : vector<49x192xf32>
    %get3A_508 = arith.constant 0 : index
    %get3A_509 = arith.constant 0 : index
    %get3A_510 = arith.constant 0 : index
    %get3A_511 = arith.constant 0 : index
    %get3A_512 = vector.load %arg24[%get3A_508, %get3A_509, %get3A_510, %get3A_511] : memref<1x2x49x192xf32, #tpu.memory_space<vmem>>, vector<1x1x49x192xf32>
    %get3A_513 = vector.shape_cast %get3A_512 : vector<1x1x49x192xf32> to vector<49x192xf32>
    %mul3A_514 = vector.broadcast %get3A_483 : f32 to vector<49x192xf32>
    %mul3A_515 = arith.mulf %get3A_513, %mul3A_514 : vector<49x192xf32>
    %concatenate3A_516 = tpu.concatenate %mul3A_491, %mul3A_499, %mul3A_507, %mul3A_515 in 0 : vector<49x192xf32>, vector<49x192xf32>, vector<49x192xf32>, vector<49x192xf32> -> vector<196x192xf32>
    %get3A_517 = arith.constant 0 : index
    %get3A_518 = arith.constant 1 : index
    %get3A_519 = arith.constant 0 : index
    %get3A_520 = arith.constant 0 : index
    %get3A_521 = vector.load %arg21[%get3A_517, %get3A_518, %get3A_519, %get3A_520] : memref<1x2x49x192xf32, #tpu.memory_space<vmem>>, vector<1x1x49x192xf32>
    %get3A_522 = vector.shape_cast %get3A_521 : vector<1x1x49x192xf32> to vector<49x192xf32>
    %mul3A_523 = vector.broadcast %get3A_471 : f32 to vector<49x192xf32>
    %mul3A_524 = arith.mulf %get3A_522, %mul3A_523 : vector<49x192xf32>
    %get3A_525 = arith.constant 0 : index
    %get3A_526 = arith.constant 1 : index
    %get3A_527 = arith.constant 0 : index
    %get3A_528 = arith.constant 0 : index
    %get3A_529 = vector.load %arg22[%get3A_525, %get3A_526, %get3A_527, %get3A_528] : memref<1x2x49x192xf32, #tpu.memory_space<vmem>>, vector<1x1x49x192xf32>
    %get3A_530 = vector.shape_cast %get3A_529 : vector<1x1x49x192xf32> to vector<49x192xf32>
    %mul3A_531 = vector.broadcast %get3A_475 : f32 to vector<49x192xf32>
    %mul3A_532 = arith.mulf %get3A_530, %mul3A_531 : vector<49x192xf32>
    %get3A_533 = arith.constant 0 : index
    %get3A_534 = arith.constant 1 : index
    %get3A_535 = arith.constant 0 : index
    %get3A_536 = arith.constant 0 : index
    %get3A_537 = vector.load %arg23[%get3A_533, %get3A_534, %get3A_535, %get3A_536] : memref<1x2x49x192xf32, #tpu.memory_space<vmem>>, vector<1x1x49x192xf32>
    %get3A_538 = vector.shape_cast %get3A_537 : vector<1x1x49x192xf32> to vector<49x192xf32>
    %mul3A_539 = vector.broadcast %get3A_479 : f32 to vector<49x192xf32>
    %mul3A_540 = arith.mulf %get3A_538, %mul3A_539 : vector<49x192xf32>
    %get3A_541 = arith.constant 0 : index
    %get3A_542 = arith.constant 1 : index
    %get3A_543 = arith.constant 0 : index
    %get3A_544 = arith.constant 0 : index
    %get3A_545 = vector.load %arg24[%get3A_541, %get3A_542, %get3A_543, %get3A_544] : memref<1x2x49x192xf32, #tpu.memory_space<vmem>>, vector<1x1x49x192xf32>
    %get3A_546 = vector.shape_cast %get3A_545 : vector<1x1x49x192xf32> to vector<49x192xf32>
    %mul3A_547 = vector.broadcast %get3A_483 : f32 to vector<49x192xf32>
    %mul3A_548 = arith.mulf %get3A_546, %mul3A_547 : vector<49x192xf32>
    %concatenate3A_549 = tpu.concatenate %mul3A_524, %mul3A_532, %mul3A_540, %mul3A_548 in 0 : vector<49x192xf32>, vector<49x192xf32>, vector<49x192xf32>, vector<49x192xf32> -> vector<196x192xf32>
    %dot_general3A_550 = arith.constant dense<0.000000e+00> : vector<49x196xf32>
    %dot_general3A_551 = tpu.matmul %get3A_461, %concatenate3A_516, %dot_general3A_550 {dimension_numbers = #tpu.dot_dimension_numbers<[1], [1], [0], [0], [0, 0, 1, 0], [], []>, transpose_lhs_hint = false} : vector<49x192xf32>, vector<196x192xf32>, vector<49x196xf32> -> vector<49x196xf32>
    %mul3A_552 = arith.constant 0.204124153 : f32
    %mul3A_553 = vector.broadcast %mul3A_552 : f32 to vector<49x196xf32>
    %mul3A_554 = arith.mulf %dot_general3A_551, %mul3A_553 : vector<49x196xf32>
    %reduce_max3A_555 = arith.constant dense<0xFF800000> : vector<49xf32>
    %reduce_max3A_556 = vector.multi_reduction <maximumf>, %mul3A_554, %reduce_max3A_555 [1] : vector<49x196xf32> to vector<49xf32>
    %broadcast_in_dim3A_557 = vector.shape_cast %reduce_max3A_556 : vector<49xf32> to vector<49x1xf32>
    %sub3A_558 = vector.broadcast %broadcast_in_dim3A_557 : vector<49x1xf32> to vector<49x196xf32>
    %sub3A_559 = arith.subf %mul3A_554, %sub3A_558 : vector<49x196xf32>
    %exp3A_560 = math.exp %sub3A_559 : vector<49x196xf32>
    %reduce_sum3A_561 = arith.constant dense<0.000000e+00> : vector<49xf32>
    %reduce_sum3A_562 = vector.multi_reduction <add>, %exp3A_560, %reduce_sum3A_561 [1] : vector<49x196xf32> to vector<49xf32>
    %broadcast_in_dim3A_563 = vector.shape_cast %reduce_sum3A_562 : vector<49xf32> to vector<49x1xf32>
    %div3A_564 = vector.broadcast %broadcast_in_dim3A_563 : vector<49x1xf32> to vector<49x196xf32>
    %div3A_565 = arith.divf %exp3A_560, %div3A_564 : vector<49x196xf32>
    %dot_general3A_566 = arith.constant dense<0.000000e+00> : vector<49x192xf32>
    %dot_general3A_567 = tpu.matmul %div3A_565, %concatenate3A_549, %dot_general3A_566 {dimension_numbers = #tpu.dot_dimension_numbers<[1], [0], [0], [1], [0, 0, 1, 1], [], []>, transpose_lhs_hint = false} : vector<49x196xf32>, vector<196x192xf32>, vector<49x192xf32> -> vector<49x192xf32>
    %get3A_568 = arith.constant 4 : index
    %get3A_569 = arith.constant 0 : index
    %get3A_570 = arith.constant 0 : index
    %get3A_571 = vector.load %arg4[%get3A_568, %get3A_569, %get3A_570] : memref<8x49x192xf32, #tpu.memory_space<vmem>>, vector<1x49x192xf32>
    %get3A_572 = vector.shape_cast %get3A_571 : vector<1x49x192xf32> to vector<49x192xf32>
    %add3A_573 = arith.addf %dot_general3A_567, %get3A_572 : vector<49x192xf32>
    %get3A_574 = arith.constant 5 : index
    %get3A_575 = arith.constant 0 : index
    %get3A_576 = arith.constant 0 : index
    %get3A_577 = vector.load %arg3[%get3A_574, %get3A_575, %get3A_576] : memref<8x49x192xf32, #tpu.memory_space<vmem>>, vector<1x49x192xf32>
    %get3A_578 = vector.shape_cast %get3A_577 : vector<1x49x192xf32> to vector<49x192xf32>
    %mul3A_579 = arith.constant 8 : i32
    %mul3A_580 = arith.muli %arg0, %mul3A_579 : i32
    %add3A_581 = arith.constant 5 : i32
    %add3A_582 = arith.addi %mul3A_580, %add3A_581 : i32
    %mul3A_583 = arith.constant 4 : i32
    %mul3A_584 = arith.muli %add3A_582, %mul3A_583 : i32
    %add3A_585 = arith.constant 0 : i32
    %add3A_586 = arith.addi %mul3A_584, %add3A_585 : i32
    %get3A_587 = arith.index_cast %add3A_586 : i32 to index
    %get3A_588 = memref.load %arg2[%get3A_587] : memref<4096xf32, #tpu.memory_space<smem>>
    %add3A_589 = arith.constant 1 : i32
    %add3A_590 = arith.addi %mul3A_584, %add3A_589 : i32
    %get3A_591 = arith.index_cast %add3A_590 : i32 to index
    %get3A_592 = memref.load %arg2[%get3A_591] : memref<4096xf32, #tpu.memory_space<smem>>
    %add3A_593 = arith.constant 2 : i32
    %add3A_594 = arith.addi %mul3A_584, %add3A_593 : i32
    %get3A_595 = arith.index_cast %add3A_594 : i32 to index
    %get3A_596 = memref.load %arg2[%get3A_595] : memref<4096xf32, #tpu.memory_space<smem>>
    %add3A_597 = arith.constant 3 : i32
    %add3A_598 = arith.addi %mul3A_584, %add3A_597 : i32
    %get3A_599 = arith.index_cast %add3A_598 : i32 to index
    %get3A_600 = memref.load %arg2[%get3A_599] : memref<4096xf32, #tpu.memory_space<smem>>
    %get3A_601 = arith.constant 0 : index
    %get3A_602 = arith.constant 0 : index
    %get3A_603 = arith.constant 0 : index
    %get3A_604 = arith.constant 0 : index
    %get3A_605 = vector.load %arg25[%get3A_601, %get3A_602, %get3A_603, %get3A_604] : memref<1x2x49x192xf32, #tpu.memory_space<vmem>>, vector<1x1x49x192xf32>
    %get3A_606 = vector.shape_cast %get3A_605 : vector<1x1x49x192xf32> to vector<49x192xf32>
    %mul3A_607 = vector.broadcast %get3A_588 : f32 to vector<49x192xf32>
    %mul3A_608 = arith.mulf %get3A_606, %mul3A_607 : vector<49x192xf32>
    %get3A_609 = arith.constant 0 : index
    %get3A_610 = arith.constant 0 : index
    %get3A_611 = arith.constant 0 : index
    %get3A_612 = arith.constant 0 : index
    %get3A_613 = vector.load %arg26[%get3A_609, %get3A_610, %get3A_611, %get3A_612] : memref<1x2x49x192xf32, #tpu.memory_space<vmem>>, vector<1x1x49x192xf32>
    %get3A_614 = vector.shape_cast %get3A_613 : vector<1x1x49x192xf32> to vector<49x192xf32>
    %mul3A_615 = vector.broadcast %get3A_592 : f32 to vector<49x192xf32>
    %mul3A_616 = arith.mulf %get3A_614, %mul3A_615 : vector<49x192xf32>
    %get3A_617 = arith.constant 0 : index
    %get3A_618 = arith.constant 0 : index
    %get3A_619 = arith.constant 0 : index
    %get3A_620 = arith.constant 0 : index
    %get3A_621 = vector.load %arg27[%get3A_617, %get3A_618, %get3A_619, %get3A_620] : memref<1x2x49x192xf32, #tpu.memory_space<vmem>>, vector<1x1x49x192xf32>
    %get3A_622 = vector.shape_cast %get3A_621 : vector<1x1x49x192xf32> to vector<49x192xf32>
    %mul3A_623 = vector.broadcast %get3A_596 : f32 to vector<49x192xf32>
    %mul3A_624 = arith.mulf %get3A_622, %mul3A_623 : vector<49x192xf32>
    %get3A_625 = arith.constant 0 : index
    %get3A_626 = arith.constant 0 : index
    %get3A_627 = arith.constant 0 : index
    %get3A_628 = arith.constant 0 : index
    %get3A_629 = vector.load %arg28[%get3A_625, %get3A_626, %get3A_627, %get3A_628] : memref<1x2x49x192xf32, #tpu.memory_space<vmem>>, vector<1x1x49x192xf32>
    %get3A_630 = vector.shape_cast %get3A_629 : vector<1x1x49x192xf32> to vector<49x192xf32>
    %mul3A_631 = vector.broadcast %get3A_600 : f32 to vector<49x192xf32>
    %mul3A_632 = arith.mulf %get3A_630, %mul3A_631 : vector<49x192xf32>
    %concatenate3A_633 = tpu.concatenate %mul3A_608, %mul3A_616, %mul3A_624, %mul3A_632 in 0 : vector<49x192xf32>, vector<49x192xf32>, vector<49x192xf32>, vector<49x192xf32> -> vector<196x192xf32>
    %get3A_634 = arith.constant 0 : index
    %get3A_635 = arith.constant 1 : index
    %get3A_636 = arith.constant 0 : index
    %get3A_637 = arith.constant 0 : index
    %get3A_638 = vector.load %arg25[%get3A_634, %get3A_635, %get3A_636, %get3A_637] : memref<1x2x49x192xf32, #tpu.memory_space<vmem>>, vector<1x1x49x192xf32>
    %get3A_639 = vector.shape_cast %get3A_638 : vector<1x1x49x192xf32> to vector<49x192xf32>
    %mul3A_640 = vector.broadcast %get3A_588 : f32 to vector<49x192xf32>
    %mul3A_641 = arith.mulf %get3A_639, %mul3A_640 : vector<49x192xf32>
    %get3A_642 = arith.constant 0 : index
    %get3A_643 = arith.constant 1 : index
    %get3A_644 = arith.constant 0 : index
    %get3A_645 = arith.constant 0 : index
    %get3A_646 = vector.load %arg26[%get3A_642, %get3A_643, %get3A_644, %get3A_645] : memref<1x2x49x192xf32, #tpu.memory_space<vmem>>, vector<1x1x49x192xf32>
    %get3A_647 = vector.shape_cast %get3A_646 : vector<1x1x49x192xf32> to vector<49x192xf32>
    %mul3A_648 = vector.broadcast %get3A_592 : f32 to vector<49x192xf32>
    %mul3A_649 = arith.mulf %get3A_647, %mul3A_648 : vector<49x192xf32>
    %get3A_650 = arith.constant 0 : index
    %get3A_651 = arith.constant 1 : index
    %get3A_652 = arith.constant 0 : index
    %get3A_653 = arith.constant 0 : index
    %get3A_654 = vector.load %arg27[%get3A_650, %get3A_651, %get3A_652, %get3A_653] : memref<1x2x49x192xf32, #tpu.memory_space<vmem>>, vector<1x1x49x192xf32>
    %get3A_655 = vector.shape_cast %get3A_654 : vector<1x1x49x192xf32> to vector<49x192xf32>
    %mul3A_656 = vector.broadcast %get3A_596 : f32 to vector<49x192xf32>
    %mul3A_657 = arith.mulf %get3A_655, %mul3A_656 : vector<49x192xf32>
    %get3A_658 = arith.constant 0 : index
    %get3A_659 = arith.constant 1 : index
    %get3A_660 = arith.constant 0 : index
    %get3A_661 = arith.constant 0 : index
    %get3A_662 = vector.load %arg28[%get3A_658, %get3A_659, %get3A_660, %get3A_661] : memref<1x2x49x192xf32, #tpu.memory_space<vmem>>, vector<1x1x49x192xf32>
    %get3A_663 = vector.shape_cast %get3A_662 : vector<1x1x49x192xf32> to vector<49x192xf32>
    %mul3A_664 = vector.broadcast %get3A_600 : f32 to vector<49x192xf32>
    %mul3A_665 = arith.mulf %get3A_663, %mul3A_664 : vector<49x192xf32>
    %concatenate3A_666 = tpu.concatenate %mul3A_641, %mul3A_649, %mul3A_657, %mul3A_665 in 0 : vector<49x192xf32>, vector<49x192xf32>, vector<49x192xf32>, vector<49x192xf32> -> vector<196x192xf32>
    %dot_general3A_667 = arith.constant dense<0.000000e+00> : vector<49x196xf32>
    %dot_general3A_668 = tpu.matmul %get3A_578, %concatenate3A_633, %dot_general3A_667 {dimension_numbers = #tpu.dot_dimension_numbers<[1], [1], [0], [0], [0, 0, 1, 0], [], []>, transpose_lhs_hint = false} : vector<49x192xf32>, vector<196x192xf32>, vector<49x196xf32> -> vector<49x196xf32>
    %mul3A_669 = arith.constant 0.204124153 : f32
    %mul3A_670 = vector.broadcast %mul3A_669 : f32 to vector<49x196xf32>
    %mul3A_671 = arith.mulf %dot_general3A_668, %mul3A_670 : vector<49x196xf32>
    %reduce_max3A_672 = arith.constant dense<0xFF800000> : vector<49xf32>
    %reduce_max3A_673 = vector.multi_reduction <maximumf>, %mul3A_671, %reduce_max3A_672 [1] : vector<49x196xf32> to vector<49xf32>
    %broadcast_in_dim3A_674 = vector.shape_cast %reduce_max3A_673 : vector<49xf32> to vector<49x1xf32>
    %sub3A_675 = vector.broadcast %broadcast_in_dim3A_674 : vector<49x1xf32> to vector<49x196xf32>
    %sub3A_676 = arith.subf %mul3A_671, %sub3A_675 : vector<49x196xf32>
    %exp3A_677 = math.exp %sub3A_676 : vector<49x196xf32>
    %reduce_sum3A_678 = arith.constant dense<0.000000e+00> : vector<49xf32>
    %reduce_sum3A_679 = vector.multi_reduction <add>, %exp3A_677, %reduce_sum3A_678 [1] : vector<49x196xf32> to vector<49xf32>
    %broadcast_in_dim3A_680 = vector.shape_cast %reduce_sum3A_679 : vector<49xf32> to vector<49x1xf32>
    %div3A_681 = vector.broadcast %broadcast_in_dim3A_680 : vector<49x1xf32> to vector<49x196xf32>
    %div3A_682 = arith.divf %exp3A_677, %div3A_681 : vector<49x196xf32>
    %dot_general3A_683 = arith.constant dense<0.000000e+00> : vector<49x192xf32>
    %dot_general3A_684 = tpu.matmul %div3A_682, %concatenate3A_666, %dot_general3A_683 {dimension_numbers = #tpu.dot_dimension_numbers<[1], [0], [0], [1], [0, 0, 1, 1], [], []>, transpose_lhs_hint = false} : vector<49x196xf32>, vector<196x192xf32>, vector<49x192xf32> -> vector<49x192xf32>
    %get3A_685 = arith.constant 5 : index
    %get3A_686 = arith.constant 0 : index
    %get3A_687 = arith.constant 0 : index
    %get3A_688 = vector.load %arg4[%get3A_685, %get3A_686, %get3A_687] : memref<8x49x192xf32, #tpu.memory_space<vmem>>, vector<1x49x192xf32>
    %get3A_689 = vector.shape_cast %get3A_688 : vector<1x49x192xf32> to vector<49x192xf32>
    %add3A_690 = arith.addf %dot_general3A_684, %get3A_689 : vector<49x192xf32>
    %get3A_691 = arith.constant 6 : index
    %get3A_692 = arith.constant 0 : index
    %get3A_693 = arith.constant 0 : index
    %get3A_694 = vector.load %arg3[%get3A_691, %get3A_692, %get3A_693] : memref<8x49x192xf32, #tpu.memory_space<vmem>>, vector<1x49x192xf32>
    %get3A_695 = vector.shape_cast %get3A_694 : vector<1x49x192xf32> to vector<49x192xf32>
    %mul3A_696 = arith.constant 8 : i32
    %mul3A_697 = arith.muli %arg0, %mul3A_696 : i32
    %add3A_698 = arith.constant 6 : i32
    %add3A_699 = arith.addi %mul3A_697, %add3A_698 : i32
    %mul3A_700 = arith.constant 4 : i32
    %mul3A_701 = arith.muli %add3A_699, %mul3A_700 : i32
    %add3A_702 = arith.constant 0 : i32
    %add3A_703 = arith.addi %mul3A_701, %add3A_702 : i32
    %get3A_704 = arith.index_cast %add3A_703 : i32 to index
    %get3A_705 = memref.load %arg2[%get3A_704] : memref<4096xf32, #tpu.memory_space<smem>>
    %add3A_706 = arith.constant 1 : i32
    %add3A_707 = arith.addi %mul3A_701, %add3A_706 : i32
    %get3A_708 = arith.index_cast %add3A_707 : i32 to index
    %get3A_709 = memref.load %arg2[%get3A_708] : memref<4096xf32, #tpu.memory_space<smem>>
    %add3A_710 = arith.constant 2 : i32
    %add3A_711 = arith.addi %mul3A_701, %add3A_710 : i32
    %get3A_712 = arith.index_cast %add3A_711 : i32 to index
    %get3A_713 = memref.load %arg2[%get3A_712] : memref<4096xf32, #tpu.memory_space<smem>>
    %add3A_714 = arith.constant 3 : i32
    %add3A_715 = arith.addi %mul3A_701, %add3A_714 : i32
    %get3A_716 = arith.index_cast %add3A_715 : i32 to index
    %get3A_717 = memref.load %arg2[%get3A_716] : memref<4096xf32, #tpu.memory_space<smem>>
    %get3A_718 = arith.constant 0 : index
    %get3A_719 = arith.constant 0 : index
    %get3A_720 = arith.constant 0 : index
    %get3A_721 = arith.constant 0 : index
    %get3A_722 = vector.load %arg29[%get3A_718, %get3A_719, %get3A_720, %get3A_721] : memref<1x2x49x192xf32, #tpu.memory_space<vmem>>, vector<1x1x49x192xf32>
    %get3A_723 = vector.shape_cast %get3A_722 : vector<1x1x49x192xf32> to vector<49x192xf32>
    %mul3A_724 = vector.broadcast %get3A_705 : f32 to vector<49x192xf32>
    %mul3A_725 = arith.mulf %get3A_723, %mul3A_724 : vector<49x192xf32>
    %get3A_726 = arith.constant 0 : index
    %get3A_727 = arith.constant 0 : index
    %get3A_728 = arith.constant 0 : index
    %get3A_729 = arith.constant 0 : index
    %get3A_730 = vector.load %arg30[%get3A_726, %get3A_727, %get3A_728, %get3A_729] : memref<1x2x49x192xf32, #tpu.memory_space<vmem>>, vector<1x1x49x192xf32>
    %get3A_731 = vector.shape_cast %get3A_730 : vector<1x1x49x192xf32> to vector<49x192xf32>
    %mul3A_732 = vector.broadcast %get3A_709 : f32 to vector<49x192xf32>
    %mul3A_733 = arith.mulf %get3A_731, %mul3A_732 : vector<49x192xf32>
    %get3A_734 = arith.constant 0 : index
    %get3A_735 = arith.constant 0 : index
    %get3A_736 = arith.constant 0 : index
    %get3A_737 = arith.constant 0 : index
    %get3A_738 = vector.load %arg31[%get3A_734, %get3A_735, %get3A_736, %get3A_737] : memref<1x2x49x192xf32, #tpu.memory_space<vmem>>, vector<1x1x49x192xf32>
    %get3A_739 = vector.shape_cast %get3A_738 : vector<1x1x49x192xf32> to vector<49x192xf32>
    %mul3A_740 = vector.broadcast %get3A_713 : f32 to vector<49x192xf32>
    %mul3A_741 = arith.mulf %get3A_739, %mul3A_740 : vector<49x192xf32>
    %get3A_742 = arith.constant 0 : index
    %get3A_743 = arith.constant 0 : index
    %get3A_744 = arith.constant 0 : index
    %get3A_745 = arith.constant 0 : index
    %get3A_746 = vector.load %arg32[%get3A_742, %get3A_743, %get3A_744, %get3A_745] : memref<1x2x49x192xf32, #tpu.memory_space<vmem>>, vector<1x1x49x192xf32>
    %get3A_747 = vector.shape_cast %get3A_746 : vector<1x1x49x192xf32> to vector<49x192xf32>
    %mul3A_748 = vector.broadcast %get3A_717 : f32 to vector<49x192xf32>
    %mul3A_749 = arith.mulf %get3A_747, %mul3A_748 : vector<49x192xf32>
    %concatenate3A_750 = tpu.concatenate %mul3A_725, %mul3A_733, %mul3A_741, %mul3A_749 in 0 : vector<49x192xf32>, vector<49x192xf32>, vector<49x192xf32>, vector<49x192xf32> -> vector<196x192xf32>
    %get3A_751 = arith.constant 0 : index
    %get3A_752 = arith.constant 1 : index
    %get3A_753 = arith.constant 0 : index
    %get3A_754 = arith.constant 0 : index
    %get3A_755 = vector.load %arg29[%get3A_751, %get3A_752, %get3A_753, %get3A_754] : memref<1x2x49x192xf32, #tpu.memory_space<vmem>>, vector<1x1x49x192xf32>
    %get3A_756 = vector.shape_cast %get3A_755 : vector<1x1x49x192xf32> to vector<49x192xf32>
    %mul3A_757 = vector.broadcast %get3A_705 : f32 to vector<49x192xf32>
    %mul3A_758 = arith.mulf %get3A_756, %mul3A_757 : vector<49x192xf32>
    %get3A_759 = arith.constant 0 : index
    %get3A_760 = arith.constant 1 : index
    %get3A_761 = arith.constant 0 : index
    %get3A_762 = arith.constant 0 : index
    %get3A_763 = vector.load %arg30[%get3A_759, %get3A_760, %get3A_761, %get3A_762] : memref<1x2x49x192xf32, #tpu.memory_space<vmem>>, vector<1x1x49x192xf32>
    %get3A_764 = vector.shape_cast %get3A_763 : vector<1x1x49x192xf32> to vector<49x192xf32>
    %mul3A_765 = vector.broadcast %get3A_709 : f32 to vector<49x192xf32>
    %mul3A_766 = arith.mulf %get3A_764, %mul3A_765 : vector<49x192xf32>
    %get3A_767 = arith.constant 0 : index
    %get3A_768 = arith.constant 1 : index
    %get3A_769 = arith.constant 0 : index
    %get3A_770 = arith.constant 0 : index
    %get3A_771 = vector.load %arg31[%get3A_767, %get3A_768, %get3A_769, %get3A_770] : memref<1x2x49x192xf32, #tpu.memory_space<vmem>>, vector<1x1x49x192xf32>
    %get3A_772 = vector.shape_cast %get3A_771 : vector<1x1x49x192xf32> to vector<49x192xf32>
    %mul3A_773 = vector.broadcast %get3A_713 : f32 to vector<49x192xf32>
    %mul3A_774 = arith.mulf %get3A_772, %mul3A_773 : vector<49x192xf32>
    %get3A_775 = arith.constant 0 : index
    %get3A_776 = arith.constant 1 : index
    %get3A_777 = arith.constant 0 : index
    %get3A_778 = arith.constant 0 : index
    %get3A_779 = vector.load %arg32[%get3A_775, %get3A_776, %get3A_777, %get3A_778] : memref<1x2x49x192xf32, #tpu.memory_space<vmem>>, vector<1x1x49x192xf32>
    %get3A_780 = vector.shape_cast %get3A_779 : vector<1x1x49x192xf32> to vector<49x192xf32>
    %mul3A_781 = vector.broadcast %get3A_717 : f32 to vector<49x192xf32>
    %mul3A_782 = arith.mulf %get3A_780, %mul3A_781 : vector<49x192xf32>
    %concatenate3A_783 = tpu.concatenate %mul3A_758, %mul3A_766, %mul3A_774, %mul3A_782 in 0 : vector<49x192xf32>, vector<49x192xf32>, vector<49x192xf32>, vector<49x192xf32> -> vector<196x192xf32>
    %dot_general3A_784 = arith.constant dense<0.000000e+00> : vector<49x196xf32>
    %dot_general3A_785 = tpu.matmul %get3A_695, %concatenate3A_750, %dot_general3A_784 {dimension_numbers = #tpu.dot_dimension_numbers<[1], [1], [0], [0], [0, 0, 1, 0], [], []>, transpose_lhs_hint = false} : vector<49x192xf32>, vector<196x192xf32>, vector<49x196xf32> -> vector<49x196xf32>
    %mul3A_786 = arith.constant 0.204124153 : f32
    %mul3A_787 = vector.broadcast %mul3A_786 : f32 to vector<49x196xf32>
    %mul3A_788 = arith.mulf %dot_general3A_785, %mul3A_787 : vector<49x196xf32>
    %reduce_max3A_789 = arith.constant dense<0xFF800000> : vector<49xf32>
    %reduce_max3A_790 = vector.multi_reduction <maximumf>, %mul3A_788, %reduce_max3A_789 [1] : vector<49x196xf32> to vector<49xf32>
    %broadcast_in_dim3A_791 = vector.shape_cast %reduce_max3A_790 : vector<49xf32> to vector<49x1xf32>
    %sub3A_792 = vector.broadcast %broadcast_in_dim3A_791 : vector<49x1xf32> to vector<49x196xf32>
    %sub3A_793 = arith.subf %mul3A_788, %sub3A_792 : vector<49x196xf32>
    %exp3A_794 = math.exp %sub3A_793 : vector<49x196xf32>
    %reduce_sum3A_795 = arith.constant dense<0.000000e+00> : vector<49xf32>
    %reduce_sum3A_796 = vector.multi_reduction <add>, %exp3A_794, %reduce_sum3A_795 [1] : vector<49x196xf32> to vector<49xf32>
    %broadcast_in_dim3A_797 = vector.shape_cast %reduce_sum3A_796 : vector<49xf32> to vector<49x1xf32>
    %div3A_798 = vector.broadcast %broadcast_in_dim3A_797 : vector<49x1xf32> to vector<49x196xf32>
    %div3A_799 = arith.divf %exp3A_794, %div3A_798 : vector<49x196xf32>
    %dot_general3A_800 = arith.constant dense<0.000000e+00> : vector<49x192xf32>
    %dot_general3A_801 = tpu.matmul %div3A_799, %concatenate3A_783, %dot_general3A_800 {dimension_numbers = #tpu.dot_dimension_numbers<[1], [0], [0], [1], [0, 0, 1, 1], [], []>, transpose_lhs_hint = false} : vector<49x196xf32>, vector<196x192xf32>, vector<49x192xf32> -> vector<49x192xf32>
    %get3A_802 = arith.constant 6 : index
    %get3A_803 = arith.constant 0 : index
    %get3A_804 = arith.constant 0 : index
    %get3A_805 = vector.load %arg4[%get3A_802, %get3A_803, %get3A_804] : memref<8x49x192xf32, #tpu.memory_space<vmem>>, vector<1x49x192xf32>
    %get3A_806 = vector.shape_cast %get3A_805 : vector<1x49x192xf32> to vector<49x192xf32>
    %add3A_807 = arith.addf %dot_general3A_801, %get3A_806 : vector<49x192xf32>
    %get3A_808 = arith.constant 7 : index
    %get3A_809 = arith.constant 0 : index
    %get3A_810 = arith.constant 0 : index
    %get3A_811 = vector.load %arg3[%get3A_808, %get3A_809, %get3A_810] : memref<8x49x192xf32, #tpu.memory_space<vmem>>, vector<1x49x192xf32>
    %get3A_812 = vector.shape_cast %get3A_811 : vector<1x49x192xf32> to vector<49x192xf32>
    %mul3A_813 = arith.constant 8 : i32
    %mul3A_814 = arith.muli %arg0, %mul3A_813 : i32
    %add3A_815 = arith.constant 7 : i32
    %add3A_816 = arith.addi %mul3A_814, %add3A_815 : i32
    %mul3A_817 = arith.constant 4 : i32
    %mul3A_818 = arith.muli %add3A_816, %mul3A_817 : i32
    %add3A_819 = arith.constant 0 : i32
    %add3A_820 = arith.addi %mul3A_818, %add3A_819 : i32
    %get3A_821 = arith.index_cast %add3A_820 : i32 to index
    %get3A_822 = memref.load %arg2[%get3A_821] : memref<4096xf32, #tpu.memory_space<smem>>
    %add3A_823 = arith.constant 1 : i32
    %add3A_824 = arith.addi %mul3A_818, %add3A_823 : i32
    %get3A_825 = arith.index_cast %add3A_824 : i32 to index
    %get3A_826 = memref.load %arg2[%get3A_825] : memref<4096xf32, #tpu.memory_space<smem>>
    %add3A_827 = arith.constant 2 : i32
    %add3A_828 = arith.addi %mul3A_818, %add3A_827 : i32
    %get3A_829 = arith.index_cast %add3A_828 : i32 to index
    %get3A_830 = memref.load %arg2[%get3A_829] : memref<4096xf32, #tpu.memory_space<smem>>
    %add3A_831 = arith.constant 3 : i32
    %add3A_832 = arith.addi %mul3A_818, %add3A_831 : i32
    %get3A_833 = arith.index_cast %add3A_832 : i32 to index
    %get3A_834 = memref.load %arg2[%get3A_833] : memref<4096xf32, #tpu.memory_space<smem>>
    %get3A_835 = arith.constant 0 : index
    %get3A_836 = arith.constant 0 : index
    %get3A_837 = arith.constant 0 : index
    %get3A_838 = arith.constant 0 : index
    %get3A_839 = vector.load %arg33[%get3A_835, %get3A_836, %get3A_837, %get3A_838] : memref<1x2x49x192xf32, #tpu.memory_space<vmem>>, vector<1x1x49x192xf32>
    %get3A_840 = vector.shape_cast %get3A_839 : vector<1x1x49x192xf32> to vector<49x192xf32>
    %mul3A_841 = vector.broadcast %get3A_822 : f32 to vector<49x192xf32>
    %mul3A_842 = arith.mulf %get3A_840, %mul3A_841 : vector<49x192xf32>
    %get3A_843 = arith.constant 0 : index
    %get3A_844 = arith.constant 0 : index
    %get3A_845 = arith.constant 0 : index
    %get3A_846 = arith.constant 0 : index
    %get3A_847 = vector.load %arg34[%get3A_843, %get3A_844, %get3A_845, %get3A_846] : memref<1x2x49x192xf32, #tpu.memory_space<vmem>>, vector<1x1x49x192xf32>
    %get3A_848 = vector.shape_cast %get3A_847 : vector<1x1x49x192xf32> to vector<49x192xf32>
    %mul3A_849 = vector.broadcast %get3A_826 : f32 to vector<49x192xf32>
    %mul3A_850 = arith.mulf %get3A_848, %mul3A_849 : vector<49x192xf32>
    %get3A_851 = arith.constant 0 : index
    %get3A_852 = arith.constant 0 : index
    %get3A_853 = arith.constant 0 : index
    %get3A_854 = arith.constant 0 : index
    %get3A_855 = vector.load %arg35[%get3A_851, %get3A_852, %get3A_853, %get3A_854] : memref<1x2x49x192xf32, #tpu.memory_space<vmem>>, vector<1x1x49x192xf32>
    %get3A_856 = vector.shape_cast %get3A_855 : vector<1x1x49x192xf32> to vector<49x192xf32>
    %mul3A_857 = vector.broadcast %get3A_830 : f32 to vector<49x192xf32>
    %mul3A_858 = arith.mulf %get3A_856, %mul3A_857 : vector<49x192xf32>
    %get3A_859 = arith.constant 0 : index
    %get3A_860 = arith.constant 0 : index
    %get3A_861 = arith.constant 0 : index
    %get3A_862 = arith.constant 0 : index
    %get3A_863 = vector.load %arg36[%get3A_859, %get3A_860, %get3A_861, %get3A_862] : memref<1x2x49x192xf32, #tpu.memory_space<vmem>>, vector<1x1x49x192xf32>
    %get3A_864 = vector.shape_cast %get3A_863 : vector<1x1x49x192xf32> to vector<49x192xf32>
    %mul3A_865 = vector.broadcast %get3A_834 : f32 to vector<49x192xf32>
    %mul3A_866 = arith.mulf %get3A_864, %mul3A_865 : vector<49x192xf32>
    %concatenate3A_867 = tpu.concatenate %mul3A_842, %mul3A_850, %mul3A_858, %mul3A_866 in 0 : vector<49x192xf32>, vector<49x192xf32>, vector<49x192xf32>, vector<49x192xf32> -> vector<196x192xf32>
    %get3A_868 = arith.constant 0 : index
    %get3A_869 = arith.constant 1 : index
    %get3A_870 = arith.constant 0 : index
    %get3A_871 = arith.constant 0 : index
    %get3A_872 = vector.load %arg33[%get3A_868, %get3A_869, %get3A_870, %get3A_871] : memref<1x2x49x192xf32, #tpu.memory_space<vmem>>, vector<1x1x49x192xf32>
    %get3A_873 = vector.shape_cast %get3A_872 : vector<1x1x49x192xf32> to vector<49x192xf32>
    %mul3A_874 = vector.broadcast %get3A_822 : f32 to vector<49x192xf32>
    %mul3A_875 = arith.mulf %get3A_873, %mul3A_874 : vector<49x192xf32>
    %get3A_876 = arith.constant 0 : index
    %get3A_877 = arith.constant 1 : index
    %get3A_878 = arith.constant 0 : index
    %get3A_879 = arith.constant 0 : index
    %get3A_880 = vector.load %arg34[%get3A_876, %get3A_877, %get3A_878, %get3A_879] : memref<1x2x49x192xf32, #tpu.memory_space<vmem>>, vector<1x1x49x192xf32>
    %get3A_881 = vector.shape_cast %get3A_880 : vector<1x1x49x192xf32> to vector<49x192xf32>
    %mul3A_882 = vector.broadcast %get3A_826 : f32 to vector<49x192xf32>
    %mul3A_883 = arith.mulf %get3A_881, %mul3A_882 : vector<49x192xf32>
    %get3A_884 = arith.constant 0 : index
    %get3A_885 = arith.constant 1 : index
    %get3A_886 = arith.constant 0 : index
    %get3A_887 = arith.constant 0 : index
    %get3A_888 = vector.load %arg35[%get3A_884, %get3A_885, %get3A_886, %get3A_887] : memref<1x2x49x192xf32, #tpu.memory_space<vmem>>, vector<1x1x49x192xf32>
    %get3A_889 = vector.shape_cast %get3A_888 : vector<1x1x49x192xf32> to vector<49x192xf32>
    %mul3A_890 = vector.broadcast %get3A_830 : f32 to vector<49x192xf32>
    %mul3A_891 = arith.mulf %get3A_889, %mul3A_890 : vector<49x192xf32>
    %get3A_892 = arith.constant 0 : index
    %get3A_893 = arith.constant 1 : index
    %get3A_894 = arith.constant 0 : index
    %get3A_895 = arith.constant 0 : index
    %get3A_896 = vector.load %arg36[%get3A_892, %get3A_893, %get3A_894, %get3A_895] : memref<1x2x49x192xf32, #tpu.memory_space<vmem>>, vector<1x1x49x192xf32>
    %get3A_897 = vector.shape_cast %get3A_896 : vector<1x1x49x192xf32> to vector<49x192xf32>
    %mul3A_898 = vector.broadcast %get3A_834 : f32 to vector<49x192xf32>
    %mul3A_899 = arith.mulf %get3A_897, %mul3A_898 : vector<49x192xf32>
    %concatenate3A_900 = tpu.concatenate %mul3A_875, %mul3A_883, %mul3A_891, %mul3A_899 in 0 : vector<49x192xf32>, vector<49x192xf32>, vector<49x192xf32>, vector<49x192xf32> -> vector<196x192xf32>
    %dot_general3A_901 = arith.constant dense<0.000000e+00> : vector<49x196xf32>
    %dot_general3A_902 = tpu.matmul %get3A_812, %concatenate3A_867, %dot_general3A_901 {dimension_numbers = #tpu.dot_dimension_numbers<[1], [1], [0], [0], [0, 0, 1, 0], [], []>, transpose_lhs_hint = false} : vector<49x192xf32>, vector<196x192xf32>, vector<49x196xf32> -> vector<49x196xf32>
    %mul3A_903 = arith.constant 0.204124153 : f32
    %mul3A_904 = vector.broadcast %mul3A_903 : f32 to vector<49x196xf32>
    %mul3A_905 = arith.mulf %dot_general3A_902, %mul3A_904 : vector<49x196xf32>
    %reduce_max3A_906 = arith.constant dense<0xFF800000> : vector<49xf32>
    %reduce_max3A_907 = vector.multi_reduction <maximumf>, %mul3A_905, %reduce_max3A_906 [1] : vector<49x196xf32> to vector<49xf32>
    %broadcast_in_dim3A_908 = vector.shape_cast %reduce_max3A_907 : vector<49xf32> to vector<49x1xf32>
    %sub3A_909 = vector.broadcast %broadcast_in_dim3A_908 : vector<49x1xf32> to vector<49x196xf32>
    %sub3A_910 = arith.subf %mul3A_905, %sub3A_909 : vector<49x196xf32>
    %exp3A_911 = math.exp %sub3A_910 : vector<49x196xf32>
    %reduce_sum3A_912 = arith.constant dense<0.000000e+00> : vector<49xf32>
    %reduce_sum3A_913 = vector.multi_reduction <add>, %exp3A_911, %reduce_sum3A_912 [1] : vector<49x196xf32> to vector<49xf32>
    %broadcast_in_dim3A_914 = vector.shape_cast %reduce_sum3A_913 : vector<49xf32> to vector<49x1xf32>
    %div3A_915 = vector.broadcast %broadcast_in_dim3A_914 : vector<49x1xf32> to vector<49x196xf32>
    %div3A_916 = arith.divf %exp3A_911, %div3A_915 : vector<49x196xf32>
    %dot_general3A_917 = arith.constant dense<0.000000e+00> : vector<49x192xf32>
    %dot_general3A_918 = tpu.matmul %div3A_916, %concatenate3A_900, %dot_general3A_917 {dimension_numbers = #tpu.dot_dimension_numbers<[1], [0], [0], [1], [0, 0, 1, 1], [], []>, transpose_lhs_hint = false} : vector<49x196xf32>, vector<196x192xf32>, vector<49x192xf32> -> vector<49x192xf32>
    %get3A_919 = arith.constant 7 : index
    %get3A_920 = arith.constant 0 : index
    %get3A_921 = arith.constant 0 : index
    %get3A_922 = vector.load %arg4[%get3A_919, %get3A_920, %get3A_921] : memref<8x49x192xf32, #tpu.memory_space<vmem>>, vector<1x49x192xf32>
    %get3A_923 = vector.shape_cast %get3A_922 : vector<1x49x192xf32> to vector<49x192xf32>
    %add3A_924 = arith.addf %dot_general3A_918, %get3A_923 : vector<49x192xf32>
    %concatenate3A_925 = tpu.concatenate %add3A_105, %add3A_222, %add3A_339, %add3A_456, %add3A_573, %add3A_690, %add3A_807, %add3A_924 in 0 : vector<49x192xf32>, vector<49x192xf32>, vector<49x192xf32>, vector<49x192xf32>, vector<49x192xf32>, vector<49x192xf32>, vector<49x192xf32>, vector<49x192xf32> -> vector<392x192xf32>
    %get3A_926 = arith.constant 0 : index
    %get3A_927 = arith.constant 0 : index
    %get3A_928 = vector.load %arg37[%get3A_926, %get3A_927] : memref<192x192xf32, #tpu.memory_space<vmem>>, vector<192x192xf32>
    %dot_general3A_929 = arith.constant dense<0.000000e+00> : vector<392x192xf32>
    %dot_general3A_930 = tpu.matmul %concatenate3A_925, %get3A_928, %dot_general3A_929 {dimension_numbers = #tpu.dot_dimension_numbers<[1], [0], [0], [1], [0, 0, 1, 1], [], []>, transpose_lhs_hint = false} : vector<392x192xf32>, vector<192x192xf32>, vector<392x192xf32> -> vector<392x192xf32>
    %get3A_931 = arith.constant 0 : index
    %get3A_932 = arith.constant 0 : index
    %get3A_933 = vector.load %arg38[%get3A_931, %get3A_932] : memref<1x192xf32, #tpu.memory_space<vmem>>, vector<1x192xf32>
    %add3A_934 = vector.broadcast %get3A_933 : vector<1x192xf32> to vector<392x192xf32>
    %add3A_935 = arith.addf %dot_general3A_930, %add3A_934 : vector<392x192xf32>
    %reshape3A = vector.shape_cast %add3A_935 : vector<392x192xf32> to vector<8x7x7x192xf32>
    %transpose3A = tpu.transpose %reshape3A, [1, 0, 2, 3] : vector<8x7x7x192xf32> -> vector<7x8x7x192xf32>
    %reshape3A_936 = vector.shape_cast %transpose3A : vector<7x8x7x192xf32> to vector<7x56x192xf32>
    %swap3A = arith.constant 0 : index
    %swap3A_937 = arith.constant 0 : index
    %swap3A_938 = arith.constant 0 : index
    %swap3A_939 = vector.load %arg39[%swap3A, %swap3A_937, %swap3A_938] : memref<7x56x192xf32, #tpu.memory_space<vmem>>, vector<7x56x192xf32>
    tpu.vector_store %arg39[%swap3A, %swap3A_937, %swap3A_938], %reshape3A_936 {strides = array<i32>} : memref<7x56x192xf32, #tpu.memory_space<vmem>>, vector<7x56x192xf32>,
    return
  }
  func.func @transform_0(%arg0: i32, %arg1: memref<4096xi32, #tpu.memory_space<smem>>, %arg2: memref<4096xf32, #tpu.memory_space<smem>>) -> (i32, i32, i32) {
    %c0_i32 = arith.constant 0 : i32
    %c0_i32_0 = arith.constant 0 : i32
    %c0_i32_1 = arith.constant 0 : i32
    return %arg0, %c0_i32, %c0_i32_0 : i32, i32, i32
  }
  func.func @transform_1(%arg0: i32, %arg1: memref<4096xi32, #tpu.memory_space<smem>>, %arg2: memref<4096xf32, #tpu.memory_space<smem>>) -> (i32, i32, i32) {
    %c0_i32 = arith.constant 0 : i32
    %c0_i32_0 = arith.constant 0 : i32
    %c0_i32_1 = arith.constant 0 : i32
    return %arg0, %c0_i32, %c0_i32_0 : i32, i32, i32
  }
  func.func @transform_2(%arg0: i32, %arg1: memref<4096xi32, #tpu.memory_space<smem>>, %arg2: memref<4096xf32, #tpu.memory_space<smem>>) -> (i32, i32, i32, i32) {
    %mul3A = arith.constant 8 : i32
    %mul3A_0 = arith.muli %arg0, %mul3A : i32
    %add3A = arith.constant 0 : i32
    %add3A_1 = arith.addi %mul3A_0, %add3A : i32
    %mul3A_2 = arith.constant 4 : i32
    %mul3A_3 = arith.muli %add3A_1, %mul3A_2 : i32
    %add3A_4 = arith.constant 0 : i32
    %add3A_5 = arith.addi %mul3A_3, %add3A_4 : i32
    %get3A = arith.index_cast %add3A_5 : i32 to index
    %get3A_6 = memref.load %arg1[%get3A] : memref<4096xi32, #tpu.memory_space<smem>>
    %c0_i32 = arith.constant 0 : i32
    %c0_i32_7 = arith.constant 0 : i32
    %c0_i32_8 = arith.constant 0 : i32
    %c0_i32_9 = arith.constant 0 : i32
    return %get3A_6, %c0_i32, %c0_i32_7, %c0_i32_8 : i32, i32, i32, i32
  }
  func.func @transform_3(%arg0: i32, %arg1: memref<4096xi32, #tpu.memory_space<smem>>, %arg2: memref<4096xf32, #tpu.memory_space<smem>>) -> (i32, i32, i32, i32) {
    %mul3A = arith.constant 8 : i32
    %mul3A_0 = arith.muli %arg0, %mul3A : i32
    %add3A = arith.constant 0 : i32
    %add3A_1 = arith.addi %mul3A_0, %add3A : i32
    %mul3A_2 = arith.constant 4 : i32
    %mul3A_3 = arith.muli %add3A_1, %mul3A_2 : i32
    %add3A_4 = arith.constant 1 : i32
    %add3A_5 = arith.addi %mul3A_3, %add3A_4 : i32
    %get3A = arith.index_cast %add3A_5 : i32 to index
    %get3A_6 = memref.load %arg1[%get3A] : memref<4096xi32, #tpu.memory_space<smem>>
    %c0_i32 = arith.constant 0 : i32
    %c0_i32_7 = arith.constant 0 : i32
    %c0_i32_8 = arith.constant 0 : i32
    %c0_i32_9 = arith.constant 0 : i32
    return %get3A_6, %c0_i32, %c0_i32_7, %c0_i32_8 : i32, i32, i32, i32
  }
  func.func @transform_4(%arg0: i32, %arg1: memref<4096xi32, #tpu.memory_space<smem>>, %arg2: memref<4096xf32, #tpu.memory_space<smem>>) -> (i32, i32, i32, i32) {
    %mul3A = arith.constant 8 : i32
    %mul3A_0 = arith.muli %arg0, %mul3A : i32
    %add3A = arith.constant 0 : i32
    %add3A_1 = arith.addi %mul3A_0, %add3A : i32
    %mul3A_2 = arith.constant 4 : i32
    %mul3A_3 = arith.muli %add3A_1, %mul3A_2 : i32
    %add3A_4 = arith.constant 2 : i32
    %add3A_5 = arith.addi %mul3A_3, %add3A_4 : i32
    %get3A = arith.index_cast %add3A_5 : i32 to index
    %get3A_6 = memref.load %arg1[%get3A] : memref<4096xi32, #tpu.memory_space<smem>>
    %c0_i32 = arith.constant 0 : i32
    %c0_i32_7 = arith.constant 0 : i32
    %c0_i32_8 = arith.constant 0 : i32
    %c0_i32_9 = arith.constant 0 : i32
    return %get3A_6, %c0_i32, %c0_i32_7, %c0_i32_8 : i32, i32, i32, i32
  }
  func.func @transform_5(%arg0: i32, %arg1: memref<4096xi32, #tpu.memory_space<smem>>, %arg2: memref<4096xf32, #tpu.memory_space<smem>>) -> (i32, i32, i32, i32) {
    %mul3A = arith.constant 8 : i32
    %mul3A_0 = arith.muli %arg0, %mul3A : i32
    %add3A = arith.constant 0 : i32
    %add3A_1 = arith.addi %mul3A_0, %add3A : i32
    %mul3A_2 = arith.constant 4 : i32
    %mul3A_3 = arith.muli %add3A_1, %mul3A_2 : i32
    %add3A_4 = arith.constant 3 : i32
    %add3A_5 = arith.addi %mul3A_3, %add3A_4 : i32
    %get3A = arith.index_cast %add3A_5 : i32 to index
    %get3A_6 = memref.load %arg1[%get3A] : memref<4096xi32, #tpu.memory_space<smem>>
    %c0_i32 = arith.constant 0 : i32
    %c0_i32_7 = arith.constant 0 : i32
    %c0_i32_8 = arith.constant 0 : i32
    %c0_i32_9 = arith.constant 0 : i32
    return %get3A_6, %c0_i32, %c0_i32_7, %c0_i32_8 : i32, i32, i32, i32
  }
  func.func @transform_6(%arg0: i32, %arg1: memref<4096xi32, #tpu.memory_space<smem>>, %arg2: memref<4096xf32, #tpu.memory_space<smem>>) -> (i32, i32, i32, i32) {
    %mul3A = arith.constant 8 : i32
    %mul3A_0 = arith.muli %arg0, %mul3A : i32
    %add3A = arith.constant 1 : i32
    %add3A_1 = arith.addi %mul3A_0, %add3A : i32
    %mul3A_2 = arith.constant 4 : i32
    %mul3A_3 = arith.muli %add3A_1, %mul3A_2 : i32
    %add3A_4 = arith.constant 0 : i32
    %add3A_5 = arith.addi %mul3A_3, %add3A_4 : i32
    %get3A = arith.index_cast %add3A_5 : i32 to index
    %get3A_6 = memref.load %arg1[%get3A] : memref<4096xi32, #tpu.memory_space<smem>>
    %c0_i32 = arith.constant 0 : i32
    %c0_i32_7 = arith.constant 0 : i32
    %c0_i32_8 = arith.constant 0 : i32
    %c0_i32_9 = arith.constant 0 : i32
    return %get3A_6, %c0_i32, %c0_i32_7, %c0_i32_8 : i32, i32, i32, i32
  }
  func.func @transform_7(%arg0: i32, %arg1: memref<4096xi32, #tpu.memory_space<smem>>, %arg2: memref<4096xf32, #tpu.memory_space<smem>>) -> (i32, i32, i32, i32) {
    %mul3A = arith.constant 8 : i32
    %mul3A_0 = arith.muli %arg0, %mul3A : i32
    %add3A = arith.constant 1 : i32
    %add3A_1 = arith.addi %mul3A_0, %add3A : i32
    %mul3A_2 = arith.constant 4 : i32
    %mul3A_3 = arith.muli %add3A_1, %mul3A_2 : i32
    %add3A_4 = arith.constant 1 : i32
    %add3A_5 = arith.addi %mul3A_3, %add3A_4 : i32
    %get3A = arith.index_cast %add3A_5 : i32 to index
    %get3A_6 = memref.load %arg1[%get3A] : memref<4096xi32, #tpu.memory_space<smem>>
    %c0_i32 = arith.constant 0 : i32
    %c0_i32_7 = arith.constant 0 : i32
    %c0_i32_8 = arith.constant 0 : i32
    %c0_i32_9 = arith.constant 0 : i32
    return %get3A_6, %c0_i32, %c0_i32_7, %c0_i32_8 : i32, i32, i32, i32
  }
  func.func @transform_8(%arg0: i32, %arg1: memref<4096xi32, #tpu.memory_space<smem>>, %arg2: memref<4096xf32, #tpu.memory_space<smem>>) -> (i32, i32, i32, i32) {
    %mul3A = arith.constant 8 : i32
    %mul3A_0 = arith.muli %arg0, %mul3A : i32
    %add3A = arith.constant 1 : i32
    %add3A_1 = arith.addi %mul3A_0, %add3A : i32
    %mul3A_2 = arith.constant 4 : i32
    %mul3A_3 = arith.muli %add3A_1, %mul3A_2 : i32
    %add3A_4 = arith.constant 2 : i32
    %add3A_5 = arith.addi %mul3A_3, %add3A_4 : i32
    %get3A = arith.index_cast %add3A_5 : i32 to index
    %get3A_6 = memref.load %arg1[%get3A] : memref<4096xi32, #tpu.memory_space<smem>>
    %c0_i32 = arith.constant 0 : i32
    %c0_i32_7 = arith.constant 0 : i32
    %c0_i32_8 = arith.constant 0 : i32
    %c0_i32_9 = arith.constant 0 : i32
    return %get3A_6, %c0_i32, %c0_i32_7, %c0_i32_8 : i32, i32, i32, i32
  }
  func.func @transform_9(%arg0: i32, %arg1: memref<4096xi32, #tpu.memory_space<smem>>, %arg2: memref<4096xf32, #tpu.memory_space<smem>>) -> (i32, i32, i32, i32) {
    %mul3A = arith.constant 8 : i32
    %mul3A_0 = arith.muli %arg0, %mul3A : i32
    %add3A = arith.constant 1 : i32
    %add3A_1 = arith.addi %mul3A_0, %add3A : i32
    %mul3A_2 = arith.constant 4 : i32
    %mul3A_3 = arith.muli %add3A_1, %mul3A_2 : i32
    %add3A_4 = arith.constant 3 : i32
    %add3A_5 = arith.addi %mul3A_3, %add3A_4 : i32
    %get3A = arith.index_cast %add3A_5 : i32 to index
    %get3A_6 = memref.load %arg1[%get3A] : memref<4096xi32, #tpu.memory_space<smem>>
    %c0_i32 = arith.constant 0 : i32
    %c0_i32_7 = arith.constant 0 : i32
    %c0_i32_8 = arith.constant 0 : i32
    %c0_i32_9 = arith.constant 0 : i32
    return %get3A_6, %c0_i32, %c0_i32_7, %c0_i32_8 : i32, i32, i32, i32
  }
  func.func @transform_10(%arg0: i32, %arg1: memref<4096xi32, #tpu.memory_space<smem>>, %arg2: memref<4096xf32, #tpu.memory_space<smem>>) -> (i32, i32, i32, i32) {
    %mul3A = arith.constant 8 : i32
    %mul3A_0 = arith.muli %arg0, %mul3A : i32
    %add3A = arith.constant 2 : i32
    %add3A_1 = arith.addi %mul3A_0, %add3A : i32
    %mul3A_2 = arith.constant 4 : i32
    %mul3A_3 = arith.muli %add3A_1, %mul3A_2 : i32
    %add3A_4 = arith.constant 0 : i32
    %add3A_5 = arith.addi %mul3A_3, %add3A_4 : i32
    %get3A = arith.index_cast %add3A_5 : i32 to index
    %get3A_6 = memref.load %arg1[%get3A] : memref<4096xi32, #tpu.memory_space<smem>>
    %c0_i32 = arith.constant 0 : i32
    %c0_i32_7 = arith.constant 0 : i32
    %c0_i32_8 = arith.constant 0 : i32
    %c0_i32_9 = arith.constant 0 : i32
    return %get3A_6, %c0_i32, %c0_i32_7, %c0_i32_8 : i32, i32, i32, i32
  }
  func.func @transform_11(%arg0: i32, %arg1: memref<4096xi32, #tpu.memory_space<smem>>, %arg2: memref<4096xf32, #tpu.memory_space<smem>>) -> (i32, i32, i32, i32) {
    %mul3A = arith.constant 8 : i32
    %mul3A_0 = arith.muli %arg0, %mul3A : i32
    %add3A = arith.constant 2 : i32
    %add3A_1 = arith.addi %mul3A_0, %add3A : i32
    %mul3A_2 = arith.constant 4 : i32
    %mul3A_3 = arith.muli %add3A_1, %mul3A_2 : i32
    %add3A_4 = arith.constant 1 : i32
    %add3A_5 = arith.addi %mul3A_3, %add3A_4 : i32
    %get3A = arith.index_cast %add3A_5 : i32 to index
    %get3A_6 = memref.load %arg1[%get3A] : memref<4096xi32, #tpu.memory_space<smem>>
    %c0_i32 = arith.constant 0 : i32
    %c0_i32_7 = arith.constant 0 : i32
    %c0_i32_8 = arith.constant 0 : i32
    %c0_i32_9 = arith.constant 0 : i32
    return %get3A_6, %c0_i32, %c0_i32_7, %c0_i32_8 : i32, i32, i32, i32
  }
  func.func @transform_12(%arg0: i32, %arg1: memref<4096xi32, #tpu.memory_space<smem>>, %arg2: memref<4096xf32, #tpu.memory_space<smem>>) -> (i32, i32, i32, i32) {
    %mul3A = arith.constant 8 : i32
    %mul3A_0 = arith.muli %arg0, %mul3A : i32
    %add3A = arith.constant 2 : i32
    %add3A_1 = arith.addi %mul3A_0, %add3A : i32
    %mul3A_2 = arith.constant 4 : i32
    %mul3A_3 = arith.muli %add3A_1, %mul3A_2 : i32
    %add3A_4 = arith.constant 2 : i32
    %add3A_5 = arith.addi %mul3A_3, %add3A_4 : i32
    %get3A = arith.index_cast %add3A_5 : i32 to index
    %get3A_6 = memref.load %arg1[%get3A] : memref<4096xi32, #tpu.memory_space<smem>>
    %c0_i32 = arith.constant 0 : i32
    %c0_i32_7 = arith.constant 0 : i32
    %c0_i32_8 = arith.constant 0 : i32
    %c0_i32_9 = arith.constant 0 : i32
    return %get3A_6, %c0_i32, %c0_i32_7, %c0_i32_8 : i32, i32, i32, i32
  }
  func.func @transform_13(%arg0: i32, %arg1: memref<4096xi32, #tpu.memory_space<smem>>, %arg2: memref<4096xf32, #tpu.memory_space<smem>>) -> (i32, i32, i32, i32) {
    %mul3A = arith.constant 8 : i32
    %mul3A_0 = arith.muli %arg0, %mul3A : i32
    %add3A = arith.constant 2 : i32
    %add3A_1 = arith.addi %mul3A_0, %add3A : i32
    %mul3A_2 = arith.constant 4 : i32
    %mul3A_3 = arith.muli %add3A_1, %mul3A_2 : i32
    %add3A_4 = arith.constant 3 : i32
    %add3A_5 = arith.addi %mul3A_3, %add3A_4 : i32
    %get3A = arith.index_cast %add3A_5 : i32 to index
    %get3A_6 = memref.load %arg1[%get3A] : memref<4096xi32, #tpu.memory_space<smem>>
    %c0_i32 = arith.constant 0 : i32
    %c0_i32_7 = arith.constant 0 : i32
    %c0_i32_8 = arith.constant 0 : i32
    %c0_i32_9 = arith.constant 0 : i32
    return %get3A_6, %c0_i32, %c0_i32_7, %c0_i32_8 : i32, i32, i32, i32
  }
  func.func @transform_14(%arg0: i32, %arg1: memref<4096xi32, #tpu.memory_space<smem>>, %arg2: memref<4096xf32, #tpu.memory_space<smem>>) -> (i32, i32, i32, i32) {
    %mul3A = arith.constant 8 : i32
    %mul3A_0 = arith.muli %arg0, %mul3A : i32
    %add3A = arith.constant 3 : i32
    %add3A_1 = arith.addi %mul3A_0, %add3A : i32
    %mul3A_2 = arith.constant 4 : i32
    %mul3A_3 = arith.muli %add3A_1, %mul3A_2 : i32
    %add3A_4 = arith.constant 0 : i32
    %add3A_5 = arith.addi %mul3A_3, %add3A_4 : i32
    %get3A = arith.index_cast %add3A_5 : i32 to index
    %get3A_6 = memref.load %arg1[%get3A] : memref<4096xi32, #tpu.memory_space<smem>>
    %c0_i32 = arith.constant 0 : i32
    %c0_i32_7 = arith.constant 0 : i32
    %c0_i32_8 = arith.constant 0 : i32
    %c0_i32_9 = arith.constant 0 : i32
    return %get3A_6, %c0_i32, %c0_i32_7, %c0_i32_8 : i32, i32, i32, i32
  }
  func.func @transform_15(%arg0: i32, %arg1: memref<4096xi32, #tpu.memory_space<smem>>, %arg2: memref<4096xf32, #tpu.memory_space<smem>>) -> (i32, i32, i32, i32) {
    %mul3A = arith.constant 8 : i32
    %mul3A_0 = arith.muli %arg0, %mul3A : i32
    %add3A = arith.constant 3 : i32
    %add3A_1 = arith.addi %mul3A_0, %add3A : i32
    %mul3A_2 = arith.constant 4 : i32
    %mul3A_3 = arith.muli %add3A_1, %mul3A_2 : i32
    %add3A_4 = arith.constant 1 : i32
    %add3A_5 = arith.addi %mul3A_3, %add3A_4 : i32
    %get3A = arith.index_cast %add3A_5 : i32 to index
    %get3A_6 = memref.load %arg1[%get3A] : memref<4096xi32, #tpu.memory_space<smem>>
    %c0_i32 = arith.constant 0 : i32
    %c0_i32_7 = arith.constant 0 : i32
    %c0_i32_8 = arith.constant 0 : i32
    %c0_i32_9 = arith.constant 0 : i32
    return %get3A_6, %c0_i32, %c0_i32_7, %c0_i32_8 : i32, i32, i32, i32
  }
  func.func @transform_16(%arg0: i32, %arg1: memref<4096xi32, #tpu.memory_space<smem>>, %arg2: memref<4096xf32, #tpu.memory_space<smem>>) -> (i32, i32, i32, i32) {
    %mul3A = arith.constant 8 : i32
    %mul3A_0 = arith.muli %arg0, %mul3A : i32
    %add3A = arith.constant 3 : i32
    %add3A_1 = arith.addi %mul3A_0, %add3A : i32
    %mul3A_2 = arith.constant 4 : i32
    %mul3A_3 = arith.muli %add3A_1, %mul3A_2 : i32
    %add3A_4 = arith.constant 2 : i32
    %add3A_5 = arith.addi %mul3A_3, %add3A_4 : i32
    %get3A = arith.index_cast %add3A_5 : i32 to index
    %get3A_6 = memref.load %arg1[%get3A] : memref<4096xi32, #tpu.memory_space<smem>>
    %c0_i32 = arith.constant 0 : i32
    %c0_i32_7 = arith.constant 0 : i32
    %c0_i32_8 = arith.constant 0 : i32
    %c0_i32_9 = arith.constant 0 : i32
    return %get3A_6, %c0_i32, %c0_i32_7, %c0_i32_8 : i32, i32, i32, i32
  }
  func.func @transform_17(%arg0: i32, %arg1: memref<4096xi32, #tpu.memory_space<smem>>, %arg2: memref<4096xf32, #tpu.memory_space<smem>>) -> (i32, i32, i32, i32) {
    %mul3A = arith.constant 8 : i32
    %mul3A_0 = arith.muli %arg0, %mul3A : i32
    %add3A = arith.constant 3 : i32
    %add3A_1 = arith.addi %mul3A_0, %add3A : i32
    %mul3A_2 = arith.constant 4 : i32
    %mul3A_3 = arith.muli %add3A_1, %mul3A_2 : i32
    %add3A_4 = arith.constant 3 : i32
    %add3A_5 = arith.addi %mul3A_3, %add3A_4 : i32
    %get3A = arith.index_cast %add3A_5 : i32 to index
    %get3A_6 = memref.load %arg1[%get3A] : memref<4096xi32, #tpu.memory_space<smem>>
    %c0_i32 = arith.constant 0 : i32
    %c0_i32_7 = arith.constant 0 : i32
    %c0_i32_8 = arith.constant 0 : i32
    %c0_i32_9 = arith.constant 0 : i32
    return %get3A_6, %c0_i32, %c0_i32_7, %c0_i32_8 : i32, i32, i32, i32
  }
  func.func @transform_18(%arg0: i32, %arg1: memref<4096xi32, #tpu.memory_space<smem>>, %arg2: memref<4096xf32, #tpu.memory_space<smem>>) -> (i32, i32, i32, i32) {
    %mul3A = arith.constant 8 : i32
    %mul3A_0 = arith.muli %arg0, %mul3A : i32
    %add3A = arith.constant 4 : i32
    %add3A_1 = arith.addi %mul3A_0, %add3A : i32
    %mul3A_2 = arith.constant 4 : i32
    %mul3A_3 = arith.muli %add3A_1, %mul3A_2 : i32
    %add3A_4 = arith.constant 0 : i32
    %add3A_5 = arith.addi %mul3A_3, %add3A_4 : i32
    %get3A = arith.index_cast %add3A_5 : i32 to index
    %get3A_6 = memref.load %arg1[%get3A] : memref<4096xi32, #tpu.memory_space<smem>>
    %c0_i32 = arith.constant 0 : i32
    %c0_i32_7 = arith.constant 0 : i32
    %c0_i32_8 = arith.constant 0 : i32
    %c0_i32_9 = arith.constant 0 : i32
    return %get3A_6, %c0_i32, %c0_i32_7, %c0_i32_8 : i32, i32, i32, i32
  }
  func.func @transform_19(%arg0: i32, %arg1: memref<4096xi32, #tpu.memory_space<smem>>, %arg2: memref<4096xf32, #tpu.memory_space<smem>>) -> (i32, i32, i32, i32) {
    %mul3A = arith.constant 8 : i32
    %mul3A_0 = arith.muli %arg0, %mul3A : i32
    %add3A = arith.constant 4 : i32
    %add3A_1 = arith.addi %mul3A_0, %add3A : i32
    %mul3A_2 = arith.constant 4 : i32
    %mul3A_3 = arith.muli %add3A_1, %mul3A_2 : i32
    %add3A_4 = arith.constant 1 : i32
    %add3A_5 = arith.addi %mul3A_3, %add3A_4 : i32
    %get3A = arith.index_cast %add3A_5 : i32 to index
    %get3A_6 = memref.load %arg1[%get3A] : memref<4096xi32, #tpu.memory_space<smem>>
    %c0_i32 = arith.constant 0 : i32
    %c0_i32_7 = arith.constant 0 : i32
    %c0_i32_8 = arith.constant 0 : i32
    %c0_i32_9 = arith.constant 0 : i32
    return %get3A_6, %c0_i32, %c0_i32_7, %c0_i32_8 : i32, i32, i32, i32
  }
  func.func @transform_20(%arg0: i32, %arg1: memref<4096xi32, #tpu.memory_space<smem>>, %arg2: memref<4096xf32, #tpu.memory_space<smem>>) -> (i32, i32, i32, i32) {
    %mul3A = arith.constant 8 : i32
    %mul3A_0 = arith.muli %arg0, %mul3A : i32
    %add3A = arith.constant 4 : i32
    %add3A_1 = arith.addi %mul3A_0, %add3A : i32
    %mul3A_2 = arith.constant 4 : i32
    %mul3A_3 = arith.muli %add3A_1, %mul3A_2 : i32
    %add3A_4 = arith.constant 2 : i32
    %add3A_5 = arith.addi %mul3A_3, %add3A_4 : i32
    %get3A = arith.index_cast %add3A_5 : i32 to index
    %get3A_6 = memref.load %arg1[%get3A] : memref<4096xi32, #tpu.memory_space<smem>>
    %c0_i32 = arith.constant 0 : i32
    %c0_i32_7 = arith.constant 0 : i32
    %c0_i32_8 = arith.constant 0 : i32
    %c0_i32_9 = arith.constant 0 : i32
    return %get3A_6, %c0_i32, %c0_i32_7, %c0_i32_8 : i32, i32, i32, i32
  }
  func.func @transform_21(%arg0: i32, %arg1: memref<4096xi32, #tpu.memory_space<smem>>, %arg2: memref<4096xf32, #tpu.memory_space<smem>>) -> (i32, i32, i32, i32) {
    %mul3A = arith.constant 8 : i32
    %mul3A_0 = arith.muli %arg0, %mul3A : i32
    %add3A = arith.constant 4 : i32
    %add3A_1 = arith.addi %mul3A_0, %add3A : i32
    %mul3A_2 = arith.constant 4 : i32
    %mul3A_3 = arith.muli %add3A_1, %mul3A_2 : i32
    %add3A_4 = arith.constant 3 : i32
    %add3A_5 = arith.addi %mul3A_3, %add3A_4 : i32
    %get3A = arith.index_cast %add3A_5 : i32 to index
    %get3A_6 = memref.load %arg1[%get3A] : memref<4096xi32, #tpu.memory_space<smem>>
    %c0_i32 = arith.constant 0 : i32
    %c0_i32_7 = arith.constant 0 : i32
    %c0_i32_8 = arith.constant 0 : i32
    %c0_i32_9 = arith.constant 0 : i32
    return %get3A_6, %c0_i32, %c0_i32_7, %c0_i32_8 : i32, i32, i32, i32
  }
  func.func @transform_22(%arg0: i32, %arg1: memref<4096xi32, #tpu.memory_space<smem>>, %arg2: memref<4096xf32, #tpu.memory_space<smem>>) -> (i32, i32, i32, i32) {
    %mul3A = arith.constant 8 : i32
    %mul3A_0 = arith.muli %arg0, %mul3A : i32
    %add3A = arith.constant 5 : i32
    %add3A_1 = arith.addi %mul3A_0, %add3A : i32
    %mul3A_2 = arith.constant 4 : i32
    %mul3A_3 = arith.muli %add3A_1, %mul3A_2 : i32
    %add3A_4 = arith.constant 0 : i32
    %add3A_5 = arith.addi %mul3A_3, %add3A_4 : i32
    %get3A = arith.index_cast %add3A_5 : i32 to index
    %get3A_6 = memref.load %arg1[%get3A] : memref<4096xi32, #tpu.memory_space<smem>>
    %c0_i32 = arith.constant 0 : i32
    %c0_i32_7 = arith.constant 0 : i32
    %c0_i32_8 = arith.constant 0 : i32
    %c0_i32_9 = arith.constant 0 : i32
    return %get3A_6, %c0_i32, %c0_i32_7, %c0_i32_8 : i32, i32, i32, i32
  }
  func.func @transform_23(%arg0: i32, %arg1: memref<4096xi32, #tpu.memory_space<smem>>, %arg2: memref<4096xf32, #tpu.memory_space<smem>>) -> (i32, i32, i32, i32) {
    %mul3A = arith.constant 8 : i32
    %mul3A_0 = arith.muli %arg0, %mul3A : i32
    %add3A = arith.constant 5 : i32
    %add3A_1 = arith.addi %mul3A_0, %add3A : i32
    %mul3A_2 = arith.constant 4 : i32
    %mul3A_3 = arith.muli %add3A_1, %mul3A_2 : i32
    %add3A_4 = arith.constant 1 : i32
    %add3A_5 = arith.addi %mul3A_3, %add3A_4 : i32
    %get3A = arith.index_cast %add3A_5 : i32 to index
    %get3A_6 = memref.load %arg1[%get3A] : memref<4096xi32, #tpu.memory_space<smem>>
    %c0_i32 = arith.constant 0 : i32
    %c0_i32_7 = arith.constant 0 : i32
    %c0_i32_8 = arith.constant 0 : i32
    %c0_i32_9 = arith.constant 0 : i32
    return %get3A_6, %c0_i32, %c0_i32_7, %c0_i32_8 : i32, i32, i32, i32
  }
  func.func @transform_24(%arg0: i32, %arg1: memref<4096xi32, #tpu.memory_space<smem>>, %arg2: memref<4096xf32, #tpu.memory_space<smem>>) -> (i32, i32, i32, i32) {
    %mul3A = arith.constant 8 : i32
    %mul3A_0 = arith.muli %arg0, %mul3A : i32
    %add3A = arith.constant 5 : i32
    %add3A_1 = arith.addi %mul3A_0, %add3A : i32
    %mul3A_2 = arith.constant 4 : i32
    %mul3A_3 = arith.muli %add3A_1, %mul3A_2 : i32
    %add3A_4 = arith.constant 2 : i32
    %add3A_5 = arith.addi %mul3A_3, %add3A_4 : i32
    %get3A = arith.index_cast %add3A_5 : i32 to index
    %get3A_6 = memref.load %arg1[%get3A] : memref<4096xi32, #tpu.memory_space<smem>>
    %c0_i32 = arith.constant 0 : i32
    %c0_i32_7 = arith.constant 0 : i32
    %c0_i32_8 = arith.constant 0 : i32
    %c0_i32_9 = arith.constant 0 : i32
    return %get3A_6, %c0_i32, %c0_i32_7, %c0_i32_8 : i32, i32, i32, i32
  }
  func.func @transform_25(%arg0: i32, %arg1: memref<4096xi32, #tpu.memory_space<smem>>, %arg2: memref<4096xf32, #tpu.memory_space<smem>>) -> (i32, i32, i32, i32) {
    %mul3A = arith.constant 8 : i32
    %mul3A_0 = arith.muli %arg0, %mul3A : i32
    %add3A = arith.constant 5 : i32
    %add3A_1 = arith.addi %mul3A_0, %add3A : i32
    %mul3A_2 = arith.constant 4 : i32
    %mul3A_3 = arith.muli %add3A_1, %mul3A_2 : i32
    %add3A_4 = arith.constant 3 : i32
    %add3A_5 = arith.addi %mul3A_3, %add3A_4 : i32
    %get3A = arith.index_cast %add3A_5 : i32 to index
    %get3A_6 = memref.load %arg1[%get3A] : memref<4096xi32, #tpu.memory_space<smem>>
    %c0_i32 = arith.constant 0 : i32
    %c0_i32_7 = arith.constant 0 : i32
    %c0_i32_8 = arith.constant 0 : i32
    %c0_i32_9 = arith.constant 0 : i32
    return %get3A_6, %c0_i32, %c0_i32_7, %c0_i32_8 : i32, i32, i32, i32
  }
  func.func @transform_26(%arg0: i32, %arg1: memref<4096xi32, #tpu.memory_space<smem>>, %arg2: memref<4096xf32, #tpu.memory_space<smem>>) -> (i32, i32, i32, i32) {
    %mul3A = arith.constant 8 : i32
    %mul3A_0 = arith.muli %arg0, %mul3A : i32
    %add3A = arith.constant 6 : i32
    %add3A_1 = arith.addi %mul3A_0, %add3A : i32
    %mul3A_2 = arith.constant 4 : i32
    %mul3A_3 = arith.muli %add3A_1, %mul3A_2 : i32
    %add3A_4 = arith.constant 0 : i32
    %add3A_5 = arith.addi %mul3A_3, %add3A_4 : i32
    %get3A = arith.index_cast %add3A_5 : i32 to index
    %get3A_6 = memref.load %arg1[%get3A] : memref<4096xi32, #tpu.memory_space<smem>>
    %c0_i32 = arith.constant 0 : i32
    %c0_i32_7 = arith.constant 0 : i32
    %c0_i32_8 = arith.constant 0 : i32
    %c0_i32_9 = arith.constant 0 : i32
    return %get3A_6, %c0_i32, %c0_i32_7, %c0_i32_8 : i32, i32, i32, i32
  }
  func.func @transform_27(%arg0: i32, %arg1: memref<4096xi32, #tpu.memory_space<smem>>, %arg2: memref<4096xf32, #tpu.memory_space<smem>>) -> (i32, i32, i32, i32) {
    %mul3A = arith.constant 8 : i32
    %mul3A_0 = arith.muli %arg0, %mul3A : i32
    %add3A = arith.constant 6 : i32
    %add3A_1 = arith.addi %mul3A_0, %add3A : i32
    %mul3A_2 = arith.constant 4 : i32
    %mul3A_3 = arith.muli %add3A_1, %mul3A_2 : i32
    %add3A_4 = arith.constant 1 : i32
    %add3A_5 = arith.addi %mul3A_3, %add3A_4 : i32
    %get3A = arith.index_cast %add3A_5 : i32 to index
    %get3A_6 = memref.load %arg1[%get3A] : memref<4096xi32, #tpu.memory_space<smem>>
    %c0_i32 = arith.constant 0 : i32
    %c0_i32_7 = arith.constant 0 : i32
    %c0_i32_8 = arith.constant 0 : i32
    %c0_i32_9 = arith.constant 0 : i32
    return %get3A_6, %c0_i32, %c0_i32_7, %c0_i32_8 : i32, i32, i32, i32
  }
  func.func @transform_28(%arg0: i32, %arg1: memref<4096xi32, #tpu.memory_space<smem>>, %arg2: memref<4096xf32, #tpu.memory_space<smem>>) -> (i32, i32, i32, i32) {
    %mul3A = arith.constant 8 : i32
    %mul3A_0 = arith.muli %arg0, %mul3A : i32
    %add3A = arith.constant 6 : i32
    %add3A_1 = arith.addi %mul3A_0, %add3A : i32
    %mul3A_2 = arith.constant 4 : i32
    %mul3A_3 = arith.muli %add3A_1, %mul3A_2 : i32
    %add3A_4 = arith.constant 2 : i32
    %add3A_5 = arith.addi %mul3A_3, %add3A_4 : i32
    %get3A = arith.index_cast %add3A_5 : i32 to index
    %get3A_6 = memref.load %arg1[%get3A] : memref<4096xi32, #tpu.memory_space<smem>>
    %c0_i32 = arith.constant 0 : i32
    %c0_i32_7 = arith.constant 0 : i32
    %c0_i32_8 = arith.constant 0 : i32
    %c0_i32_9 = arith.constant 0 : i32
    return %get3A_6, %c0_i32, %c0_i32_7, %c0_i32_8 : i32, i32, i32, i32
  }
  func.func @transform_29(%arg0: i32, %arg1: memref<4096xi32, #tpu.memory_space<smem>>, %arg2: memref<4096xf32, #tpu.memory_space<smem>>) -> (i32, i32, i32, i32) {
    %mul3A = arith.constant 8 : i32
    %mul3A_0 = arith.muli %arg0, %mul3A : i32
    %add3A = arith.constant 6 : i32
    %add3A_1 = arith.addi %mul3A_0, %add3A : i32
    %mul3A_2 = arith.constant 4 : i32
    %mul3A_3 = arith.muli %add3A_1, %mul3A_2 : i32
    %add3A_4 = arith.constant 3 : i32
    %add3A_5 = arith.addi %mul3A_3, %add3A_4 : i32
    %get3A = arith.index_cast %add3A_5 : i32 to index
    %get3A_6 = memref.load %arg1[%get3A] : memref<4096xi32, #tpu.memory_space<smem>>
    %c0_i32 = arith.constant 0 : i32
    %c0_i32_7 = arith.constant 0 : i32
    %c0_i32_8 = arith.constant 0 : i32
    %c0_i32_9 = arith.constant 0 : i32
    return %get3A_6, %c0_i32, %c0_i32_7, %c0_i32_8 : i32, i32, i32, i32
  }
  func.func @transform_30(%arg0: i32, %arg1: memref<4096xi32, #tpu.memory_space<smem>>, %arg2: memref<4096xf32, #tpu.memory_space<smem>>) -> (i32, i32, i32, i32) {
    %mul3A = arith.constant 8 : i32
    %mul3A_0 = arith.muli %arg0, %mul3A : i32
    %add3A = arith.constant 7 : i32
    %add3A_1 = arith.addi %mul3A_0, %add3A : i32
    %mul3A_2 = arith.constant 4 : i32
    %mul3A_3 = arith.muli %add3A_1, %mul3A_2 : i32
    %add3A_4 = arith.constant 0 : i32
    %add3A_5 = arith.addi %mul3A_3, %add3A_4 : i32
    %get3A = arith.index_cast %add3A_5 : i32 to index
    %get3A_6 = memref.load %arg1[%get3A] : memref<4096xi32, #tpu.memory_space<smem>>
    %c0_i32 = arith.constant 0 : i32
    %c0_i32_7 = arith.constant 0 : i32
    %c0_i32_8 = arith.constant 0 : i32
    %c0_i32_9 = arith.constant 0 : i32
    return %get3A_6, %c0_i32, %c0_i32_7, %c0_i32_8 : i32, i32, i32, i32
  }
  func.func @transform_31(%arg0: i32, %arg1: memref<4096xi32, #tpu.memory_space<smem>>, %arg2: memref<4096xf32, #tpu.memory_space<smem>>) -> (i32, i32, i32, i32) {
    %mul3A = arith.constant 8 : i32
    %mul3A_0 = arith.muli %arg0, %mul3A : i32
    %add3A = arith.constant 7 : i32
    %add3A_1 = arith.addi %mul3A_0, %add3A : i32
    %mul3A_2 = arith.constant 4 : i32
    %mul3A_3 = arith.muli %add3A_1, %mul3A_2 : i32
    %add3A_4 = arith.constant 1 : i32
    %add3A_5 = arith.addi %mul3A_3, %add3A_4 : i32
    %get3A = arith.index_cast %add3A_5 : i32 to index
    %get3A_6 = memref.load %arg1[%get3A] : memref<4096xi32, #tpu.memory_space<smem>>
    %c0_i32 = arith.constant 0 : i32
    %c0_i32_7 = arith.constant 0 : i32
    %c0_i32_8 = arith.constant 0 : i32
    %c0_i32_9 = arith.constant 0 : i32
    return %get3A_6, %c0_i32, %c0_i32_7, %c0_i32_8 : i32, i32, i32, i32
  }
  func.func @transform_32(%arg0: i32, %arg1: memref<4096xi32, #tpu.memory_space<smem>>, %arg2: memref<4096xf32, #tpu.memory_space<smem>>) -> (i32, i32, i32, i32) {
    %mul3A = arith.constant 8 : i32
    %mul3A_0 = arith.muli %arg0, %mul3A : i32
    %add3A = arith.constant 7 : i32
    %add3A_1 = arith.addi %mul3A_0, %add3A : i32
    %mul3A_2 = arith.constant 4 : i32
    %mul3A_3 = arith.muli %add3A_1, %mul3A_2 : i32
    %add3A_4 = arith.constant 2 : i32
    %add3A_5 = arith.addi %mul3A_3, %add3A_4 : i32
    %get3A = arith.index_cast %add3A_5 : i32 to index
    %get3A_6 = memref.load %arg1[%get3A] : memref<4096xi32, #tpu.memory_space<smem>>
    %c0_i32 = arith.constant 0 : i32
    %c0_i32_7 = arith.constant 0 : i32
    %c0_i32_8 = arith.constant 0 : i32
    %c0_i32_9 = arith.constant 0 : i32
    return %get3A_6, %c0_i32, %c0_i32_7, %c0_i32_8 : i32, i32, i32, i32
  }
  func.func @transform_33(%arg0: i32, %arg1: memref<4096xi32, #tpu.memory_space<smem>>, %arg2: memref<4096xf32, #tpu.memory_space<smem>>) -> (i32, i32, i32, i32) {
    %mul3A = arith.constant 8 : i32
    %mul3A_0 = arith.muli %arg0, %mul3A : i32
    %add3A = arith.constant 7 : i32
    %add3A_1 = arith.addi %mul3A_0, %add3A : i32
    %mul3A_2 = arith.constant 4 : i32
    %mul3A_3 = arith.muli %add3A_1, %mul3A_2 : i32
    %add3A_4 = arith.constant 3 : i32
    %add3A_5 = arith.addi %mul3A_3, %add3A_4 : i32
    %get3A = arith.index_cast %add3A_5 : i32 to index
    %get3A_6 = memref.load %arg1[%get3A] : memref<4096xi32, #tpu.memory_space<smem>>
    %c0_i32 = arith.constant 0 : i32
    %c0_i32_7 = arith.constant 0 : i32
    %c0_i32_8 = arith.constant 0 : i32
    %c0_i32_9 = arith.constant 0 : i32
    return %get3A_6, %c0_i32, %c0_i32_7, %c0_i32_8 : i32, i32, i32, i32
  }
  func.func @transform_34(%arg0: i32, %arg1: memref<4096xi32, #tpu.memory_space<smem>>, %arg2: memref<4096xf32, #tpu.memory_space<smem>>) -> (i32, i32) {
    %c0_i32 = arith.constant 0 : i32
    %c0_i32_0 = arith.constant 0 : i32
    %c0_i32_1 = arith.constant 0 : i32
    return %c0_i32, %c0_i32_0 : i32, i32
  }
  func.func @transform_35(%arg0: i32, %arg1: memref<4096xi32, #tpu.memory_space<smem>>, %arg2: memref<4096xf32, #tpu.memory_space<smem>>) -> (i32, i32) {
    %c0_i32 = arith.constant 0 : i32
    %c0_i32_0 = arith.constant 0 : i32
    %c0_i32_1 = arith.constant 0 : i32
    return %c0_i32, %c0_i32_0 : i32, i32
  }
  func.func @transform_36(%arg0: i32, %arg1: memref<4096xi32, #tpu.memory_space<smem>>, %arg2: memref<4096xf32, #tpu.memory_space<smem>>) -> (i32, i32, i32) {
    %jit3A = arith.constant 4 : i32
    %div3A = arith.divsi %arg0, %jit3A : i32
    %sign3A = arith.constant 0 : i32
    %sign3A_0 = arith.cmpi sgt, %arg0, %sign3A : i32
    %sign3A_1 = arith.extui %sign3A_0 : i1 to i32
    %sign3A_2 = arith.constant 0 : i32
    %sign3A_3 = arith.cmpi slt, %arg0, %sign3A_2 : i32
    %sign3A_4 = arith.extui %sign3A_3 : i1 to i32
    %sign3A_5 = arith.subi %sign3A_1, %sign3A_4 : i32
    %sign3A_6 = arith.constant 0 : i32
    %sign3A_7 = arith.cmpi sgt, %jit3A, %sign3A_6 : i32
    %sign3A_8 = arith.extui %sign3A_7 : i1 to i32
    %sign3A_9 = arith.constant 0 : i32
    %sign3A_10 = arith.cmpi slt, %jit3A, %sign3A_9 : i32
    %sign3A_11 = arith.extui %sign3A_10 : i1 to i32
    %sign3A_12 = arith.subi %sign3A_8, %sign3A_11 : i32
    %ne3A = arith.cmpi ne, %sign3A_5, %sign3A_12 : i32
    %rem3A = arith.remsi %arg0, %jit3A : i32
    %ne3A_13 = arith.constant 0 : i32
    %ne3A_14 = arith.cmpi ne, %rem3A, %ne3A_13 : i32
    %and3A = arith.andi %ne3A, %ne3A_14 : i1
    %sub3A = arith.constant 1 : i32
    %sub3A_15 = arith.subi %div3A, %sub3A : i32
    %select_n3A = arith.select %and3A, %sub3A_15, %div3A : i32
    %jit3A_16 = arith.constant 4 : i32
    %eq3A = arith.constant 0 : i32
    %eq3A_17 = arith.cmpi eq, %jit3A_16, %eq3A : i32
    %jit3A_18 = arith.constant 1 : i32
    %select_n3A_19 = arith.select %eq3A_17, %jit3A_18, %jit3A_16 : i32
    %rem3A_20 = arith.remsi %arg0, %select_n3A_19 : i32
    %ne3A_21 = arith.constant 0 : i32
    %ne3A_22 = arith.cmpi ne, %rem3A_20, %ne3A_21 : i32
    %lt3A = arith.constant 0 : i32
    %lt3A_23 = arith.cmpi slt, %rem3A_20, %lt3A : i32
    %lt3A_24 = arith.constant 0 : i32
    %lt3A_25 = arith.cmpi slt, %select_n3A_19, %lt3A_24 : i32
    %ne3A_26 = arith.xori %lt3A_23, %lt3A_25 : i1
    %and3A_27 = arith.andi %ne3A_26, %ne3A_22 : i1
    %add3A = arith.addi %rem3A_20, %select_n3A_19 : i32
    %select_n3A_28 = arith.select %and3A_27, %add3A, %rem3A_20 : i32
    %c0_i32 = arith.constant 0 : i32
    %c0_i32_29 = arith.constant 0 : i32
    return %select_n3A, %select_n3A_28, %c0_i32 : i32, i32, i32
  }
}

</mosaic_0001>

<sc_bundles>
// kernel: sparse-core-data-format-call.cloned.1.call-start
scs
called_computation_lowered:
.L_overlay_start_0:
0x0: {  	s2 =	sld [smem:$0x3FD9]  }
0x1: {  	s3 =	sld [smem:$0x3FFE];
	_ =	sdelay $0x1  }
0x2: {  	s1 =	srdreg.scid  }
0x3: {  	s0 =	sand.u32 $0x1, s1  }
0x4: {  	s18 =	sshll.u32 s0, $0xA;
	s2 =	sadd.s32 s3, s2  }
0x5: {  	s2 =	sadd.s32 s2, s18  }
0x6: {  	[smem:$0x3FBD] =	sst s2  }
0x7: {  	_ = 	snop  }
0x8: {  	s2 =	sld [smem:$0x3FD0];
	(tm) =	ssettm $0x1  }
0x9: {  	s19 =	sld [smem:$0x3FFB];
	_ =	sdelay $0x3  }
0xa: {  	_ =	strace s19  }
0xb: {  	s3 =	sld [smem:$0x3FFC];
	_ =	sdelay $0x3  }
0xc: {  	_ =	strace s3  }
0xd: {  	s3 =	sld [smem:$0x3FFD];
	_ =	sdelay $0x3  }
0xe: {  	_ =	strace s3  }
0xf: {  	_ =	strace $0x8FFFFFFF  }
0x10: {  	s20 =	sld [smem:$0x3FDB];
	_ =	sdelay $0x1  }
0x11: {  	s4 =	simm.s32 $_scs_section_size  }
0x12: {  	s5 =	simm.s32 $_size__tile_overlayer_lowered;
	s6 =	simm.s32 $_tile_overlayer_lowered  }
0x13: {  	s23 =	simm.s32 $0x1BFF;
	s22 =	sshll.u32 s6, $0x1;
	s3 =	sadd.s32 s4, s20  }
0x14: {  	s7 =	simm.s32 $0x0;
	s21 =	sshll.u32 s5, $0x1;
	s5 =	sadd.s32 s22, s3  }
0x15: {  	[timem:s7], [sflag:s23] =	dma.local [hbm:s5], s21  }
0x16: {  	_ =	swait.ge [sflag:s23], s21  }
0x17: {  	s4 =	ssub.s32 $0x0, s21;
	[sflag:s23] =	ssyncset.done $0x0  }
0x18: {  	[sflag:s23] =	ssyncadd.s32 s4;
	_ =	sdelay $0x1  }
0x19: {  	s24 =	simm.s32 $0x1B8B  }
0x1a: {  	_ =	swait.ge [sflag:s24], $0x1  }
0x1b: {  	[sflag:s24] =	ssyncset.done $0x0  }
0x1c: {  	s26 =	simm.s32 $0x1B8E;
	s25 =	sld [smem:$0x3FFE];
	[sflag:s24] =	ssyncadd.s32 $0xFFFFFFFF  }
0x1d: {  	s27 =	simm.s32 $execute0_lowered;
	[smem:$0x3FD2] =	sst s26  }
0x1e: {  	s5 =	sshll.u32 s27, $0x1;
	_ =	strace $0x80000046;
	[dreg:$0x1] =	wrdreg $0xFFFFFFFF  }
0x1f: {  	s28 =	simm.s32 $_size_execute0_lowered;
	s3 =	sadd.s32 s3, s5;
	[dreg:$0x0] =	wrdreg $0x0  }
0x20: {  	s5 =	sshll.u32 s28, $0x1;
	[dreg:$0x2] =	wrdreg s3  }
0x21: {  	[dreg:$0x3] =	wrdreg s5  }
0x22: {  	[dreg:$0x4] =	wrdreg $0xC0  }
0x23: {  	_ =	task [dreg:s7], $0x5FFFF  }
0x24: {  	[dreg:$0x1] =	wrdreg $0xFFFFFFFF  }
0x25: {  	[dreg:$0x0] =	wrdreg $0x60  }
0x26: {  	[dreg:$0x2] =	wrdreg s25  }
0x27: {  	[dreg:$0x3] =	wrdreg s2  }
0x28: {  	[dreg:$0x4] =	wrdreg $0x9  }
0x29: {  	_ =	task.clear_ibuf [dreg:s7], $0x5FFFF;
	_ =	strace $0x90000046  }
0x2a: {  	s29 =	simm.s32 $0x9;
	_ =	strace $0x80000048  }
0x2b: {  	_ =	swait.ge [sflag:s29], $0x1  }
0x2c: {  	[sflag:s29] =	ssyncadd.s32 $0xFFFFFFFF  }
0x2d: {  	_ =	strace $0x90000048  }
0x2e: {  	_ =	sfence  }
0x2f: {  	s30 =	sld [smem:$0x0];
	_ =	sdelay $0x2  }
0x30: {  	s31 =	sshll.u32 s1, $0xD;
	s1 =	sshrl.u32 s1, $0x2  }
0x31: {  	s3 =	sand.u32 $0x4000, s31;
	s1 =	sadd.s32 s1, s30  }
0x32: {  	s0 =	sor.u32 s3, s0;
	s1 =	sshll.u32 s1, $0x11  }
0x33: {  	s0 =	sor.u32 s1, s0  }
0x34: {  	s0 =	sadd.s32 $0x8F2B, s0  }
0x35: {  	[sflag:s0] =	ssyncadd.remote.s32 $0x1  }
0x36: {  	_ =	sfence.sel $0xFFFF  }
0x37: {  	[dreg:$0x0] =	wrdreg $0xFFFFFFFF;
	(pc) =	sbr.abs _section_cstart, $3  }
0x38: {  	[dreg:$0x1] =	wrdreg $0xFFFFFFFF  }
0x39: {  	_ =	task.clear_ibuf [dreg:s7], $0x2FFFF;
	_ =	strace $0x9FFFFFFF  }
0x3a: {  	(tm) =	ssettm $0x7FFFFFFF  }
0x3b: {  	_ =	shalt  }
tec
execute0_lowered:
.L_overlay_start_1:
0x0: {  	(tag) =	ssettag $0x1  }
0x1: {  	s0 =	rddreg [dreg:$0x0]  }
0x2: {  	_ =	strace $0x80000047;
	s30 =	srdreg.scid;
	s2 =	stileid.u32  }
0x3: {  	s1 =	simm.s32 $0x1;
	s31 =	simm.s32 $0x2;
	s16 =	simm.s32 $0x0  }
0x4: {  	s17 =	simm.s32 $0x0;
	s18 =	simm.s32 $0x0;
	s9 =	simm.s32 $0x0  }
.Ltmp0:
0x5: {  	s11 =	simm.s32 $0x0;
	s13 =	simm.s32 $0x0;
	(pc) =	sbr.rel .LBB1_1-.Ltmp0, $4  }
0x6: {  	s12 =	simm.s32 $0x0;
	s7 =	sadd.s32 $0x1C00, s0;
	s0 =	sshll.u32 s30, $0x4  }
0x7: {  	s14 =	simm.s32 $0x0;
	s10 =	simm.s32 $0x0;
	s0 =	sand.u32 $0x10, s0  }
0x8: {  	[sflag:s1] =	ssyncpa.u1 $0x0;
	[dreg:$0x3] =	wrdreg s7;
	s8 =	sor.u32 s2, s0  }
0x9: {  	[sflag:s31] =	ssyncpa.u1 $0x0;
	s15 =	smov.u32 s8;
	[dreg:$0x4] =	wrdreg s8  }
.LBB1_14:
0xa: {  	s9 =	rddreg [dreg:$0x5]  }
0xb: {  	s11 =	rddreg [dreg:$0x7]  }
0xc: {  	s4 =	rddreg [dreg:$0x10]  }
0xd: {  	s5 =	rddreg [dreg:$0x11]  }
0xe: {  	s6 =	rddreg [dreg:$0xf]  }
0xf: {  	s13 =	rddreg [dreg:$0x9]  }
0x10: {  	s27 =	rddreg [dreg:$0x1]  }
0x11: {  	s7 =	rddreg [dreg:$0x3]  }
0x12: {  	s8 =	rddreg [dreg:$0x4]  }
0x13: {  	s10 =	rddreg [dreg:$0x6]  }
0x14: {  	s12 =	rddreg [dreg:$0x8]  }
0x15: {  	s14 =	rddreg [dreg:$0xa]  }
0x16: {  	s15 =	rddreg [dreg:$0xb]  }
0x17: {  	s16 =	rddreg [dreg:$0xc]  }
0x18: {  	s17 =	rddreg [dreg:$0xd]  }
0x19: {  	s31 =	simm.s32 $0x800;
	s18 =	rddreg [dreg:$0xe];
	s0 =	sshll.u32 s9, $0x8  }
0x1a: {  	s1 =	sshll.u32 s11, $0x3;
	s2 =	sshll.u32 s9, $0x7;
	p0 =	sgt.s32 s11, $0x80  }
0x1b: {  	s3 =	smov.u32 s11;
	s25 =	sand.u32 $0x78, s11;
	s26 =	smul.u32 $0x1800, s13  }
0x1c: {  	s0 =	sand.u32 $0xFFFFF800, s0;
	s1 =	sand.u32 $0xFFFFFC00, s1;
	s21 =	sand.u32 $0x300, s2  }
0x1d: {  	s3 =	simm.s32 @!p0 $0x80;
	p0 =	sgt.s32 s9, $0x40;
	s2 =	sand.u32 $0x80, s2  }
0x1e: {  	s0 =	sadd.s32 s1, s0;
	s1 =	smov.u32 s9;
	s3 =	sadd.s32 s4, s3  }
0x1f: {  	s0 =	sor.u32 s21, s0;
	s1 =	simm.s32 @!p0 $0x40;
	s23 =	sadd.s32 $0xFFFFFF80, s3  }
0x20: {  	s3 =	ssub.s32 $0x100, s3;
	s0 =	sshrl.u32 s0, $0x8;
	p0 =	sgt.s32 s23, $0x7F  }
0x21: {  	s1 =	sadd.s32 s5, s1;
	s22 =	smulhi.u32 $0x1555556, s0;
	s3 =	simm.s32 @p0 $0x0  }
0x22: {  	s2 =	sor.u32 s25, s2;
	s24 =	sadd.s32 $0xFFFFFFC0, s1;
	s3 =	smul.u32 s6, s3  }
0x23: {  	s1 =	ssub.s32 $0xC0, s1;
	p0 =	sgt.s32 s24, $0x7F;
	s4 =	smul.u32 $0xC0, s22  }
0x24: {  	s28 =	sand.u32 $0x7, s11;
	s2 =	sshrl.u32 s2, $0x3;
	s1 =	simm.s32 @p0 $0x0  }
0x25: {  	s1 =	smul.u32 s1, s3;
	s3 =	sadd.s32 s27, s26;
	s0 =	ssub.s32 s0, s4  }
0x26: {  	s29 =	sshll.u32 s28, $0x12;
	s2 =	sadd.s32 s2, s3;
	s0 =	sshll.u32 s0, $0x5  }
0x27: {  	s30 =	sor.u32 $0x400, s29;
	s1 =	sand.u32 $0x3FFFFFFF, s1;
	s0 =	sadd.s32 s0, s2  }
0x28: {  	[hbm4b:s0+s30] =	stream.strided.scatter [tilespmem:s20], [sflag:$0x2], s1, s31, s30, $0x20;
	[tilespmem:$0x10100] =	vst v63  }
.LBB1_15:
0x29: {  	p0 =	slt.u32 s10, $0x2  }
0x2a: {  	p1 =	sgt.s32 @!p0 s18, $0xDF  }
0x2b: {  	s0 =	smov.u32 s18;
	s1 =	sshra.s32 @!p0 s18, $0x1F;
	p1 =	por !p1, p0  }
0x2c: {  	s1 =	sand.u32 @!p0 s1, s18;
	s0 =	simm.s32 @p1 $0xDF  }
0x2d: {  	s3 =	smov.u32 s16;
	s0 =	ssub.s32 @!p0 s0, s1  }
0x2e: {  	p2 =	sgt.s32 @!p0 s17, $0x80;
	s2 =	sshra.s32 @!p0 s17, $0x1F;
	s1 =	sadd.s32 @!p0 $0xFFFFFF21, s0  }
0x2f: {  	p2 =	por !p2, p0;
	p1 =	sgt.s32 @!p0 s1, $0x0;
	s1 =	smov.u32 s17  }
0x30: {  	s2 =	sand.u32 @!p0 s2, s17;
	s1 =	simm.s32 @p2 $0x80;
	p2 =	sgt.s32 @!p0 s16, $0x40  }
0x31: {  	s0 =	ssub.s32 @!p0 $0xE0, s0;
	p1 =	por !p1, p0;
	p2 =	por !p2, p0  }
0x32: {  	s1 =	ssub.s32 @!p0 s1, s2;
	s2 =	sshra.s32 @!p0 s16, $0x1F;
	s0 =	simm.s32 @!p1 $0x0  }
0x33: {  	s3 =	simm.s32 @p2 $0x40;
	s2 =	sand.u32 @!p0 s2, s16;
	s4 =	sadd.s32 @!p0 $0xFFFFFF80, s1  }
0x34: {  	s1 =	ssub.s32 @!p0 $0x100, s1;
	s2 =	ssub.s32 @!p0 s3, s2;
	p1 =	sgt.s32 @!p0 s4, $0x7F  }
0x35: {  	s4 =	smov.u32 s14;
	s3 =	sadd.s32 @!p0 $0xFFFFFFC0, s2;
	p1 =	por !p1, p0  }
0x36: {  	s2 =	ssub.s32 @!p0 $0xC0, s2;
	p2 =	sgt.s32 @!p0 s3, $0x7F;
	s1 =	simm.s32 @!p1 $0x0  }
0x37: {  	p1 =	por !p2, p0;
	s0 =	smul.u32 @!p0 s0, s1;
	s1 =	sadd.s32 $0x80, s12  }
0x38: {  	s3 =	sadd.s32 $0x80, s14;
	s2 =	simm.s32 @!p1 $0x0;
	p1 =	sgt.s32 s1, $0xBF  }
0x39: {  	s0 =	smul.u32 @!p0 s2, s0;
	s4 =	smov.u32 @p1 s3  }
0x3a: {  	s2 =	sadd.s32 $0x20, s15;
	s3 =	smov.u32 s15;
	p2 =	sgt.s32 s4, $0xDF  }
0x3b: {  	s10 =	sadd.s32 $0x1, s10;
	s3 =	smov.u32 @p2 s2  }
0x3c: {  	s18 =	smov.u32 s13;
	s1 =	simm.s32 @p1 $0x0;
	p1 =	sgt.s32 s3, $0xDF  }
0x3d: {  	s13 =	smov.u32 s15;
	s3 =	smov.u32 @p1 s8;
	p1 =	sne.s32 s10, $0x1E  }
.Ltmp1:
0x3e: {  	s17 =	smov.u32 s11;
	s11 =	smov.u32 s14;
	(pc) =	sbr.rel @!p1 .LBB1_16-.Ltmp1, $4  }
0x3f: {  	s16 =	smov.u32 s9;
	s0 =	sand.u32 @!p0 $0x3FFFFFFF, s0;
	s2 =	simm.s32 @!p0 $0x2  }
0x40: {  	s9 =	smov.u32 s12;
	s12 =	smov.u32 s1;
	_ =	swait.ge @!p0 [sflag:s2], s0  }
0x41: {  	s4 =	simm.s32 @p2 $0x0;
	s0 =	ssub.s32 @!p0 $0x0, s0;
	[sflag:s2] =	ssyncset.done @!p0 $0x0  }
0x42: {  	s14 =	smov.u32 s4;
	[sflag:s2] =	ssyncadd.s32 @!p0 s0;
	s15 =	smov.u32 s3  }
.LBB1_1:
0x43: {  	p0 =	sgt.u32 s10, $0x1B  }
0x44: {  	s2 =	smov.u32 s15;
	s0 =	sshll.u32 @!p0 s14, $0x8;
	s1 =	sshll.u32 @!p0 s12, $0x3  }
0x45: {  	p1 =	sgt.s32 @!p0 s15, $0xDF;
	s3 =	sshra.s32 @!p0 s15, $0x1F;
	s4 =	sshll.u32 @!p0 s14, $0x7  }
0x46: {  	p2 =	sgt.s32 @!p0 s14, $0x60;
	s5 =	sshra.s32 @!p0 s12, $0x1F;
	s0 =	sand.u32 @!p0 $0xFFFFF800, s0  }
0x47: {  	s1 =	sand.u32 @!p0 $0xFFFFFC00, s1;
	p1 =	por !p1, p0;
	s3 =	sand.u32 @!p0 s3, s15  }
0x48: {  	p2 =	por !p2, p0;
	s5 =	sand.u32 @!p0 s5, s12;
	s2 =	simm.s32 @p1 $0xDF  }
0x49: {  	s0 =	sadd.s32 @!p0 s0, s1;
	s1 =	sand.u32 @!p0 $0x300, s4;
	s2 =	ssub.s32 @!p0 s2, s3  }
0x4a: {  	s0 =	sor.u32 @!p0 s1, s0;
	s3 =	sshra.s32 @!p0 s14, $0x1F;
	s1 =	sadd.s32 @!p0 $0xFFFFFF21, s2  }
0x4b: {  	p1 =	sgt.s32 @!p0 s1, $0x0;
	s1 =	ssub.s32 @!p0 $0xE0, s2;
	s2 =	smov.u32 s14  }
0x4c: {  	s3 =	sand.u32 @!p0 s3, s14;
	s2 =	simm.s32 @p2 $0x60;
	p2 =	sgt.s32 @!p0 s12, $0x80  }
0x4d: {  	s2 =	ssub.s32 @!p0 s2, s3;
	p2 =	por !p2, p0;
	s3 =	smov.u32 s12  }
0x4e: {  	p1 =	por !p1, p0;
	s6 =	sadd.s32 @!p0 $0xFFFFFFA0, s2;
	s3 =	simm.s32 @p2 $0x80  }
0x4f: {  	s1 =	simm.s32 @!p1 $0x0;
	p2 =	sgt.s32 @!p0 s6, $0x7F;
	s3 =	ssub.s32 @!p0 s3, s5  }
0x50: {  	s2 =	ssub.s32 @!p0 $0xE0, s2;
	p1 =	por !p2, p0;
	s5 =	sadd.s32 @!p0 $0xFFFFFF80, s3  }
0x51: {  	s0 =	sshrl.u32 @!p0 s0, $0x8;
	s2 =	simm.s32 @!p1 $0x0;
	p1 =	sgt.s32 @!p0 s5, $0x7F  }
0x52: {  	s1 =	smul.u32 @!p0 s1, s2;
	s2 =	ssub.s32 @!p0 $0x100, s3;
	p1 =	por !p1, p0  }
0x53: {  	s3 =	smulhi.u32 @!p0 $0x124924A, s0;
	s2 =	simm.s32 @!p1 $0x0  }
0x54: {  	s4 =	sand.u32 @!p0 $0x80, s4;
	s1 =	smul.u32 @!p0 s2, s1  }
0x55: {  	s5 =	sxor.u32 @!p0 $0xFFFFFFFF, s10;
	s2 =	sand.u32 @!p0 $0x78, s12;
	s3 =	smul.u32 @!p0 $0xE0, s3  }
0x56: {  	s5 =	sshll.u32 @!p0 s5, $0xE;
	s2 =	sor.u32 @!p0 s2, s4;
	s4 =	smul.u32 @!p0 $0x1C00, s15  }
0x57: {  	s5 =	sand.u32 @!p0 $0x4000, s5;
	s0 =	ssub.s32 @!p0 s0, s3;
	s1 =	sand.u32 @!p0 $0x3FFFFFFF, s1  }
0x58: {  	s2 =	sshrl.u32 @!p0 s2, $0x3;
	s3 =	sadd.s32 @!p0 s7, s4;
	s4 =	sand.u32 @!p0 $0x7, s12  }
0x59: {  	s0 =	sshll.u32 @!p0 s0, $0x5;
	s2 =	sadd.s32 @!p0 s2, s3;
	s3 =	sshll.u32 @!p0 s4, $0x12  }
0x5a: {  	s0 =	sadd.s32 @!p0 s0, s2;
	s2 =	sor.u32 @!p0 $0x400, s3;
	s3 =	simm.s32 @!p0 $0x800  }
0x5b: {  	[tilespmem:s5], [sflag:$0x1] =	stream.strided.gather @!p0 [hbm4b:s0+s2], s1, s3, s2, $0x38;
	[tilespmem:$0x10100] =	vst v63  }
0x5c: {  	p0 =	seq.s32 s10, $0x0  }
0x5d: {  	p1 =	seq.s32 @!p0 s10, $0x1D  }
0x5e: {  	p0 =	por p0, p1  }
.Ltmp2:
0x5f: {  	_ = 	snop;
	(pc) =	sbr.rel @p0 .LBB1_15-.Ltmp2, $1  }
0x60: {  	_ =	sdelay $0x3  }
0x61: {  	[dreg:$0xe] =	wrdreg s18  }
0x62: {  	[dreg:$0xd] =	wrdreg s17  }
0x63: {  	[dreg:$0xc] =	wrdreg s16  }
0x64: {  	[dreg:$0xb] =	wrdreg s15  }
0x65: {  	[dreg:$0xa] =	wrdreg s14  }
0x66: {  	[dreg:$0x8] =	wrdreg s12;
	p0 =	sgt.s32 s13, $0xDF  }
0x67: {  	s0 =	smov.u32 s13;
	s1 =	sshra.s32 s13, $0x1F;
	s24 =	ssub.s32 $0x0, s11  }
0x68: {  	s2 =	sshra.s32 s11, $0x1F;
	s3 =	smov.u32 s11;
	s26 =	ssub.s32 $0x0, s9  }
0x69: {  	s27 =	sshra.s32 s9, $0x1F;
	p1 =	sgt.s32 s9, $0x80;
	[dreg:$0x5] =	wrdreg s9  }
0x6a: {  	[dreg:$0x6] =	wrdreg s10;
	s0 =	simm.s32 @!p0 $0xDF;
	s1 =	sand.u32 s1, s13  }
0x6b: {  	p0 =	sgt.s32 s11, $0x60;
	s0 =	ssub.s32 s0, s1;
	s1 =	sand.u32 s24, s2  }
0x6c: {  	s3 =	simm.s32 @!p0 $0x60;
	s2 =	sadd.s32 $0x1, s13;
	s4 =	sadd.s32 $0xFFFFFF21, s0  }
0x6d: {  	s5 =	ssub.s32 $0xE0, s0;
	s25 =	sadd.s32 s1, s3;
	s3 =	smov.u32 s9  }
0x6e: {  	[dreg:$0x10] =	wrdreg s1;
	s1 =	sand.u32 s26, s27;
	s3 =	simm.s32 @!p1 $0x80  }
0x6f: {  	p0 =	sgt.s32 s4, $0x0;
	[dreg:$0x11] =	wrdreg s1;
	s1 =	sadd.s32 s1, s3  }
0x70: {  	s28 =	sadd.s32 $0xFFFFFFA0, s25;
	s0 =	ssub.s32 $0xE0, s25;
	s29 =	sadd.s32 $0xFFFFFF80, s1  }
0x71: {  	s5 =	simm.s32 @p0 $0x0;
	s1 =	ssub.s32 $0x100, s1;
	p0 =	sgt.s32 s29, $0x7F  }
0x72: {  	s3 =	sadd.s32 $0x80, s11;
	s1 =	simm.s32 @p0 $0x0;
	p0 =	slt.s32 s2, $0xE0  }
0x73: {  	p1 =	sgt.s32 s28, $0x7F;
	s2 =	simm.s32 @!p0 $0xE0;
	p0 =	slt.s32 s3, $0xE0  }
0x74: {  	s0 =	simm.s32 @p1 $0x0;
	s21 =	ssub.s32 s2, s13;
	s3 =	simm.s32 @!p0 $0xE0  }
0x75: {  	s0 =	smul.u32 s5, s0;
	s22 =	ssub.s32 s3, s11;
	p0 =	slt.s32 s21, $0x1  }
0x76: {  	[dreg:$0x9] =	wrdreg s13;
	p1 =	slt.s32 @!p0 s22, $0x1  }
0x77: {  	[dreg:$0x7] =	wrdreg s11;
	s1 =	smul.u32 s1, s0;
	p0 =	por p0, p1  }
.Ltmp3:
0x78: {  	s31 =	simm.s32 $0x1;
	s0 =	sand.u32 $0x1, s10;
	(pc) =	sbr.rel @p0 .LBB1_14-.Ltmp3, $4  }
0x79: {  	[dreg:$0xf] =	wrdreg s5;
	s30 =	smul.u32 $0x10200, s0;
	s1 =	sand.u32 $0x3FFFFFFF, s1  }
0x7a: {  	_ =	swait.ge [sflag:s31], s1  }
0x7b: {  	s1 =	ssub.s32 $0x0, s1;
	s2 =	sshrl.u32 s30, $0x2;
	[sflag:s31] =	ssyncset.done $0x0  }
0x7c: {  	s20 =	sor.u32 $0x8000, s2;
	[sflag:s31] =	ssyncadd.s32 s1  }
0x7d: {  	s2 =	rddreg [dreg:$0x5]  }
0x7e: {  	s1 =	sadd.s32 $0x80, s2  }
0x7f: {  	p0 =	slt.s32 s1, $0xC0  }
.Ltmp4:
0x80: {  	s1 =	simm.s32 @!p0 $0xC0;
	(pc) =	sbr.rel .LBB1_4-.Ltmp4, $4  }
0x81: {  	s1 =	ssub.s32 s1, s2  }
0x82: {  	s25 =	sshll.u32 s0, $0xE;
	s27 =	simm.s32 $0x0;
	s1 =	sadd.s32 $0xF, s1  }
0x83: {  	s23 =	sand.u32 $0xFFFFFFF0, s1;
	s31 =	sshll.u32 s1, $0x3;
	s24 =	sand.u32 $0xFFFFFF00, s1  }
0x84: {  	p0 =	slt.s32 s1, $0x100;
	s26 =	sand.u32 $0xFFFFF800, s31;
	p1 =	sge.s32 s24, s23  }
.LBB1_13:
0x85: {  	s27 =	sadd.s32 $0x1, s27  }
0x86: {  	p2 =	sne.s32 s27, s21  }
.Ltmp5:
0x87: {  	_ = 	snop;
	(pc) =	sbr.rel @!p2 .LBB1_14-.Ltmp5, $1  }
0x88: {  	_ =	sdelay $0x3  }
.LBB1_4:
.Ltmp6:
0x89: {  	(pc) =	sbr.rel .LBB1_5-.Ltmp6, $4  }
0x8a: {  	s1 =	smul.u32 $0x10200, s27  }
0x8b: {  	s0 =	sshll.u32 s27, $0x10  }
0x8c: {  	s30 =	simm.s32 $0x400;
	s0 =	sshra.s32 s0, $0x2;
	s19 =	sshra.s32 s1, $0x2  }
0x8d: {  	s31 =	simm.s32 $0x0;
	s28 =	sadd.s32 s0, s25;
	s29 =	sadd.s32 s19, s20  }
.LBB1_12:
0x8e: {  	s31 =	sadd.s32 $0x1, s31  }
0x8f: {  	p2 =	sne.s32 s31, s22  }
.Ltmp7:
0x90: {  	_ = 	snop;
	(pc) =	sbr.rel @!p2 .LBB1_13-.Ltmp7, $2  }
0x91: {  	_ =	sdelay $0x2  }
0x92: {  	s30 =	sadd.s32 $0x80, s30  }
.LBB1_5:
.Ltmp8:
0x93: {  	(pc) =	sbr.rel @p0 .LBB1_9-.Ltmp8, $2  }
0x94: {  	_ =	sdelay $0x2  }
0x95: {  	s0 =	sshll.u32 s31, $0x7;
	s1 =	sand.u32 $0x7F, s31  }
0x96: {  	s9 =	sshll.u32 s31, $0x3;
	s5 =	sand.u32 $0x380, s0  }
0x97: {  	s7 =	sshrl.u32 s9, $0x7;
	s2 =	sadd.s32 $0x800, s9;
	s6 =	sadd.s32 $0x1000, s9  }
0x98: {  	s13 =	sadd.s32 s5, s28;
	s14 =	sadd.s32 $0x1800, s9;
	s18 =	sadd.s32 $0x2800, s9  }
0x99: {  	s3 =	sand.u32 $0x78, s7;
	s2 =	sshrl.u32 s2, $0x7;
	s12 =	sshrl.u32 s6, $0x7  }
0x9a: {  	s11 =	sshrl.u32 s14, $0x7;
	s4 =	smul.u32 $0x204, s3;
	s2 =	sand.u32 $0x78, s2  }
0x9b: {  	s14 =	sadd.s32 $0x20, s7;
	s5 =	sand.u32 $0x78, s12;
	s2 =	smul.u32 $0x204, s2  }
0x9c: {  	v0 =	vmov s13;
	s13 =	sand.u32 $0x3C00, s30;
	s15 =	sand.u32 $0x78, s11;
	s5 =	smul.u32 $0x204, s5  }
0x9d: {  	s12 =	sadd.s32 $0x3000, s9;
	s9 =	sadd.s32 $0x3800, s9;
	s16 =	smul.u32 $0x204, s15  }
0x9e: {  	s8 =	sshrl.u32 s12, $0x7;
	s9 =	sshrl.u32 s9, $0x7;
	s12 =	sadd.s32 $0x10, s7  }
0x9f: {  	s15 =	sand.u32 $0x78, s14;
	s14 =	sadd.s32 $0x60, s7;
	s4 =	sshrl.u32 s4, $0x2  }
0xa0: {  	s9 =	sand.u32 $0x78, s9;
	s14 =	sand.u32 $0x78, s14;
	s4 =	sadd.s32 s4, s29  }
0xa1: {  	s2 =	sshrl.u32 s2, $0x2;
	s5 =	sshrl.u32 s5, $0x2;
	s9 =	smul.u32 $0x204, s9  }
0xa2: {  	s10 =	sadd.s32 s2, s29;
	s2 =	sadd.s32 s1, s4;
	s17 =	sadd.s32 s5, s29  }
0xa3: {  	s5 =	sshrl.u32 s18, $0x7;
	s6 =	sadd.s32 s1, s10;
	s4 =	sadd.s32 s1, s17  }
0xa4: {  	s10 =	sshrl.u32 s16, $0x2;
	s5 =	sand.u32 $0x78, s5;
	s9 =	sshrl.u32 s9, $0x2  }
0xa5: {  	s16 =	sadd.s32 $0x30, s7;
	s10 =	sadd.s32 s10, s29;
	s19 =	smul.u32 $0x204, s5  }
0xa6: {  	s9 =	sadd.s32 s9, s29;
	s5 =	sadd.s32 s1, s10;
	s10 =	sand.u32 $0x78, s8  }
0xa7: {  	s8 =	sadd.s32 $0x50, s7;
	s7 =	sadd.s32 $0x70, s7;
	s11 =	sshrl.u32 s19, $0x2  }
0xa8: {  	s10 =	smul.u32 $0x204, s10;
	s7 =	sand.u32 $0x78, s7;
	s11 =	sadd.s32 s11, s29  }
0xa9: {  	s7 =	smul.u32 $0x204, s7;
	s18 =	sadd.s32 s1, s11;
	s11 =	sand.u32 $0x78, s12  }
0xaa: {  	s10 =	sshrl.u32 s10, $0x2;
	s12 =	sand.u32 $0x78, s8;
	s11 =	smul.u32 $0x204, s11  }
0xab: {  	s17 =	sadd.s32 s1, s9;
	s10 =	sadd.s32 s10, s29;
	s12 =	smul.u32 $0x204, s12  }
0xac: {  	s19 =	sadd.s32 s1, s10;
	s10 =	smul.u32 $0x204, s15;
	s11 =	sshrl.u32 s11, $0x2  }
0xad: {  	s9 =	sadd.s32 s11, s29;
	s11 =	sand.u32 $0x78, s16;
	s16 =	smul.u32 $0x204, s14  }
0xae: {  	v1 =	vld.idx.msk [tilespmem:v0+s13+$0x0 ss:$0x1], $0xffff;
	s11 =	smul.u32 $0x204, s11  }
0xaf: {  	s7 =	sshrl.u32 s7, $0x2;
	s12 =	sshrl.u32 s12, $0x2;
	s10 =	sshrl.u32 s10, $0x2  }
0xb0: {  	s10 =	sadd.s32 s10, s29;
	s16 =	sshrl.u32 s16, $0x2;
	s11 =	sshrl.u32 s11, $0x2  }
0xb1: {  	s14 =	sadd.s32 s1, s10;
	s10 =	sadd.s32 s16, s29;
	s15 =	sadd.s32 s11, s29  }
0xb2: {  	s11 =	sadd.s32 s1, s9;
	s9 =	sadd.s32 s12, s29;
	s12 =	sadd.s32 $0xFFFFFC00, s30  }
0xb3: {  	[tilespmem:s2+$0x0 ss:$0x81] =	vst.msk $0xffff, v1;
	v1 =	vld.idx.msk [tilespmem:v0+s13+$0x20 ss:$0x1], $0xffff;
	s8 =	sadd.s32 s7, s29;
	s7 =	sadd.s32 s1, s10;
	s10 =	sand.u32 $0x3C00, s12  }
0xb4: {  	v2 =	vld.idx.msk [tilespmem:v0+s10+$0x70 ss:$0x1], $0xffff  }
0xb5: {  	v3 =	vld.idx.msk [tilespmem:v0+s10+$0x0 ss:$0x1], $0xffff  }
0xb6: {  	v4 =	vld.idx.msk [tilespmem:v0+s10+$0x10 ss:$0x1], $0xffff  }
0xb7: {  	v5 =	vld.idx.msk [tilespmem:v0+s10+$0x20 ss:$0x1], $0xffff  }
0xb8: {  	s3 =	sxor.u32 $0x40, s3;
	v6 =	vld.idx.msk [tilespmem:v0+s10+$0x30 ss:$0x1], $0xffff  }
0xb9: {  	s3 =	smul.u32 $0x204, s3;
	v7 =	vld.idx.msk [tilespmem:v0+s10+$0x40 ss:$0x1], $0xffff;
	[tilespmem:s17+$0x0 ss:$0x81] =	vst.msk $0xffff, v2  }
0xba: {  	v8 =	vld.idx.msk [tilespmem:v0+s10+$0x50 ss:$0x1], $0xffff;
	[tilespmem:s2+$0x0 ss:$0x81] =	vst.msk $0xffff, v3  }
0xbb: {  	p2 =	sgt.s32 s24, $0x100;
	s3 =	sshrl.u32 s3, $0x2;
	v9 =	vld.idx.msk [tilespmem:v0+s10+$0x60 ss:$0x1], $0xffff;
	[tilespmem:s6+$0x0 ss:$0x81] =	vst.msk $0xffff, v4  }
.Ltmp9:
0xbc: {  	s3 =	sadd.s32 s3, s29;
	v4 =	vld.idx.msk [tilespmem:v0+s13+$0x10 ss:$0x1], $0xffff;
	[tilespmem:s4+$0x0 ss:$0x81] =	vst.msk $0xffff, v5;
	(pc) =	sbr.rel @!p2 .LBB1_8-.Ltmp9, $4  }
0xbd: {  	s3 =	sadd.s32 s1, s3;
	[tilespmem:s5+$0x0 ss:$0x81] =	vst.msk $0xffff, v6;
	v2 =	vld.idx.msk [tilespmem:v0+s13+$0x30 ss:$0x1], $0xffff  }
0xbe: {  	[tilespmem:s3+$0x0 ss:$0x81] =	vst.msk $0xffff, v7;
	v3 =	vld.idx.msk [tilespmem:v0+s13+$0x40 ss:$0x1], $0xffff  }
0xbf: {  	s15 =	sadd.s32 s1, s15;
	s16 =	sadd.s32 s1, s9;
	[tilespmem:s18+$0x0 ss:$0x81] =	vst.msk $0xffff, v8;
	v5 =	vld.idx.msk [tilespmem:v0+s13+$0x50 ss:$0x1], $0xffff  }
0xc0: {  	s9 =	sadd.s32 s1, s8;
	s12 =	sadd.s32 $0x800, s30;
	s10 =	simm.s32 $0x100;
	[tilespmem:s19+$0x0 ss:$0x81] =	vst.msk $0xffff, v9;
	v6 =	vld.idx.msk [tilespmem:v0+s13+$0x60 ss:$0x1], $0xffff  }
.LBB1_7:
0xc1: {  	s8 =	sadd.s32 $0xFFFFFC00, s12;
	s10 =	sadd.s32 $0x100, s10;
	[tilespmem:s11+$0x0 ss:$0x81] =	vst.msk $0xffff, v4;
	v4 =	vld.idx.msk [tilespmem:v0+s13+$0x70 ss:$0x1], $0xffff;
	s13 =	sand.u32 $0x3C00, s12  }
0xc2: {  	s8 =	sand.u32 $0x3C00, s8;
	v7 =	vld.idx.msk [tilespmem:v0+s13+$0x0 ss:$0x1], $0xffff;
	p2 =	slt.s32 s10, s24;
	[tilespmem:s14+$0x0 ss:$0x81] =	vst.msk $0xffff, v1  }
0xc3: {  	v1 =	vld.idx.msk [tilespmem:v0+s8+$0x70 ss:$0x1], $0xffff;
	[tilespmem:s15+$0x0 ss:$0x81] =	vst.msk $0xffff, v2  }
0xc4: {  	v2 =	vld.idx.msk [tilespmem:v0+s8+$0x0 ss:$0x1], $0xffff;
	[tilespmem:s3+$0x0 ss:$0x81] =	vst.msk $0xffff, v3  }
0xc5: {  	v3 =	vld.idx.msk [tilespmem:v0+s8+$0x10 ss:$0x1], $0xffff;
	[tilespmem:s16+$0x0 ss:$0x81] =	vst.msk $0xffff, v5  }
0xc6: {  	v5 =	vld.idx.msk [tilespmem:v0+s8+$0x20 ss:$0x1], $0xffff;
	[tilespmem:s7+$0x0 ss:$0x81] =	vst.msk $0xffff, v6  }
0xc7: {  	v6 =	vld.idx.msk [tilespmem:v0+s8+$0x30 ss:$0x1], $0xffff;
	[tilespmem:s9+$0x0 ss:$0x81] =	vst.msk $0xffff, v4  }
0xc8: {  	v8 =	vld.idx.msk [tilespmem:v0+s8+$0x40 ss:$0x1], $0xffff;
	[tilespmem:s2+$0x0 ss:$0x81] =	vst.msk $0xffff, v7  }
0xc9: {  	v7 =	vld.idx.msk [tilespmem:v0+s8+$0x50 ss:$0x1], $0xffff;
	[tilespmem:s17+$0x0 ss:$0x81] =	vst.msk $0xffff, v1  }
0xca: {  	[tilespmem:s2+$0x0 ss:$0x81] =	vst.msk $0xffff, v2;
	v9 =	vld.idx.msk [tilespmem:v0+s8+$0x60 ss:$0x1], $0xffff  }
0xcb: {  	[tilespmem:s6+$0x0 ss:$0x81] =	vst.msk $0xffff, v3;
	v4 =	vld.idx.msk [tilespmem:v0+s13+$0x10 ss:$0x1], $0xffff  }
.Ltmp10:
0xcc: {  	[tilespmem:s4+$0x0 ss:$0x81] =	vst.msk $0xffff, v5;
	v1 =	vld.idx.msk [tilespmem:v0+s13+$0x20 ss:$0x1], $0xffff;
	(pc) =	sbr.rel @p2 .LBB1_7-.Ltmp10, $4  }
0xcd: {  	[tilespmem:s5+$0x0 ss:$0x81] =	vst.msk $0xffff, v6;
	v2 =	vld.idx.msk [tilespmem:v0+s13+$0x30 ss:$0x1], $0xffff  }
0xce: {  	[tilespmem:s3+$0x0 ss:$0x81] =	vst.msk $0xffff, v8;
	v3 =	vld.idx.msk [tilespmem:v0+s13+$0x40 ss:$0x1], $0xffff  }
0xcf: {  	[tilespmem:s18+$0x0 ss:$0x81] =	vst.msk $0xffff, v7;
	v5 =	vld.idx.msk [tilespmem:v0+s13+$0x50 ss:$0x1], $0xffff  }
0xd0: {  	s12 =	sadd.s32 $0x800, s12;
	[tilespmem:s19+$0x0 ss:$0x81] =	vst.msk $0xffff, v9;
	v6 =	vld.idx.msk [tilespmem:v0+s13+$0x60 ss:$0x1], $0xffff  }
.LBB1_8:
0xd1: {  	_ =	sdelay $0x2  }
0xd2: {  	[tilespmem:s11+$0x0 ss:$0x81] =	vst.msk $0xffff, v4  }
0xd3: {  	v0 =	vld.idx.msk [tilespmem:v0+s13+$0x70 ss:$0x1], $0xffff;
	[tilespmem:s14+$0x0 ss:$0x81] =	vst.msk $0xffff, v1  }
0xd4: {  	[tilespmem:s15+$0x0 ss:$0x81] =	vst.msk $0xffff, v2  }
0xd5: {  	[tilespmem:s3+$0x0 ss:$0x81] =	vst.msk $0xffff, v3  }
0xd6: {  	[tilespmem:s16+$0x0 ss:$0x81] =	vst.msk $0xffff, v5  }
0xd7: {  	[tilespmem:s7+$0x0 ss:$0x81] =	vst.msk $0xffff, v6  }
0xd8: {  	[tilespmem:s9+$0x0 ss:$0x81] =	vst.msk $0xffff, v0  }
.LBB1_9:
.Ltmp11:
0xd9: {  	(pc) =	sbr.rel @p1 .LBB1_12-.Ltmp11, $1  }
0xda: {  	_ =	sdelay $0x3  }
0xdb: {  	s3 =	sand.u32 $0x380, s0;
	s2 =	sshrl.u32 s31, $0x4;
	s1 =	sadd.s32 s1, s29  }
0xdc: {  	s4 =	smov.u32 s26;
	s5 =	smov.u32 s24;
	s3 =	sadd.s32 s3, s28  }
.LBB1_11:
0xdd: {  	s6 =	sand.u32 $0x3C00, s4  }
0xde: {  	s6 =	sadd.s32 s0, s6  }
0xdf: {  	s6 =	sand.u32 $0x3C00, s6  }
0xe0: {  	s7 =	sand.u32 $0x70, s5;
	s18 =	sadd.s32 s5, s2;
	s6 =	sadd.s32 s6, s3  }
0xe1: {  	s5 =	sadd.s32 $0x10, s5;
	s19 =	sand.u32 $0x78, s18;
	s6 =	sadd.s32 s7, s6  }
0xe2: {  	p2 =	slt.s32 s5, s23;
	v0 =	vld [tilespmem:s6+$0x0];
	s6 =	smul.u32 $0x204, s19  }
.Ltmp12:
0xe3: {  	_ = 	snop;
	(pc) =	sbr.rel @p2 .LBB1_11-.Ltmp12, $4  }
0xe4: {  	_ = 	snop  }
0xe5: {  	s6 =	sshrl.u32 s6, $0x2  }
0xe6: {  	s6 =	sadd.s32 s6, s1  }
0xe7: {  	s4 =	sadd.s32 $0x80, s4;
	[tilespmem:s6+$0x0 ss:$0x81] =	vst.msk $0xffff, v0  }
.Ltmp13:
0xe8: {  	_ = 	snop;
	(pc) =	sbr.rel .LBB1_12-.Ltmp13, $1  }
0xe9: {  	_ =	sdelay $0x3  }
.LBB1_16:
0xea: {  	_ =	sfence.sel $0x180000  }
0xeb: {  	s0 =	simm.s32 $0x1;
	[bflag:$0x0] =	sbarrier.arrive $0xFFFF  }
0xec: {  	s30 =	simm.s32 $0x2;
	[sflag:s0] =	ssyncpa.u1 $0x1  }
0xed: {  	[sflag:s30] =	ssyncpa.u1 $0x1  }
0xee: {  	_ =	strace $0x90000047  }
0xef: {  	s31 =	stileid.u32;
	[bflag:$0x2] =	sbarrier.arrive $0xFFFF  }
0xf0: {  	p0 =	sne.s32 s31, $0x0;
	s0 =	rddreg [dreg:$0x2]  }
0xf1: {  	s0 =	sadd.s32 @!p0 $0x100000, s0  }
0xf2: {  	[sflag:s0] =	ssyncadd.tile.s32 @!p0 $0x1;
	_ =	shalt  }
.Lfunc_end1:
_tile_overlayer_lowered:
.L_overlay_start_2:
0xf3: {  	(tag) =	ssettag $0x2  }
0xf4: {  	s0 =	rddreg [dreg:$0x0];
	s2 =	stileid.u32  }
0xf5: {  	s1 =	rddreg [dreg:$0x1];
	p0 =	sne.s32 s2, $0x0  }
0xf6: {  	s3 =	rddreg [dreg:$0x2];
	[bflag:$0x3] =	sbarrier.arrive $0xFFFF;
	s2 =	simm.s32 @!p0 $0x1C01  }
0xf7: {  	[timem:s3], [sflag:s2] =	dma.local @!p0 [hbm:s0], s1  }
0xf8: {  	s0 =	simm.s32 @!p0 $0x1  }
0xf9: {  	_ =	swait.ge @!p0 [sflag:s0], s1  }
0xfa: {  	s1 =	ssub.s32 @!p0 $0x0, s1;
	[sflag:s0] =	ssyncset.done @!p0 $0x0  }
0xfb: {  	[sflag:s0] =	ssyncadd.s32 @!p0 s1  }
0xfc: {  	[bflag:$0x3] =	sbarrier.arrive $0xFFFF  }
0xfd: {  	_ =	shalt  }

</sc_bundles>
